<compile_context>
chip_gen: v7x
topology: tpu7x:2x2x1
jax: 0.10.2.dev20260603
libtpu: 0.0.44.dev20260713+nightly
codegen_flags: <defaults>
</compile_context>

<pallas_src>
import functools

import jax
import jax.numpy as jnp
from jax import lax
from jax.experimental import pallas as pl
from jax.experimental.pallas import tpu as pltpu
from jax.experimental.pallas import tpu_sc as plsc

_NC = 2
_NS = 16
_NW = _NC * _NS
_LANES = 128


def _sc_mesh():
    return plsc.VectorSubcoreMesh(
        core_axis_name="c", subcore_axis_name="s",
        num_cores=_NC, num_subcores=_NS)


def _make_deg_kernel(NP, RT):
    ZR = NP // _NS

    @functools.partial(
        pl.kernel,
        out_type=jax.ShapeDtypeStruct((_NC, NP, 16), jnp.float32),
        mesh=_sc_mesh(),
        scratch_types=[
            pltpu.VMEM((_LANES,), jnp.int32),
            pltpu.VMEM((_LANES,), jnp.int32),
            pltpu.VMEM((_LANES,), jnp.int32),
            pltpu.VMEM((_LANES,), jnp.int32),
            pltpu.VMEM((_LANES, 16), jnp.float32),
            pltpu.VMEM((_LANES, 16), jnp.float32),
            pltpu.VMEM_SHARED((NP, 16), jnp.float32),
            pltpu.SemaphoreType.DMA,
            pltpu.SemaphoreType.DMA,
            pltpu.SemaphoreType.DMA,
            pltpu.SemaphoreType.DMA,
        ],
    )
    def deg_k(sd_hbm, ones_hbm, zeros_hbm, out_hbm,
              sidx0, sidx1, didx0, didx1, ones_s, ones_d, degsh,
              isem0, isem1, dsem0, dsem1):
        cid = lax.axis_index("c")
        sid = lax.axis_index("s")
        wid = cid * _NS + sid
        base = wid * RT
        sidx = (sidx0, sidx1)
        didx = (didx0, didx1)
        isem = (isem0, isem1)
        dsem = (dsem0, dsem1)
        pltpu.sync_copy(zeros_hbm, degsh.at[pl.ds(sid * ZR, ZR)])
        pltpu.sync_copy(ones_hbm.at[0], ones_s)
        pltpu.sync_copy(ones_hbm.at[1], ones_d)
        pltpu.async_copy(sd_hbm.at[base, 0], sidx0, isem0)
        pltpu.async_copy(sd_hbm.at[base, 1], didx0, dsem0)
        pltpu.async_copy(sd_hbm.at[base + 1, 0], sidx1, isem1)
        pltpu.async_copy(sd_hbm.at[base + 1, 1], didx1, dsem1)
        plsc.subcore_barrier()

        def body(g2, carry):
            for b in (0, 1):
                s = g2 * 2 + b
                pltpu.make_async_copy(sd_hbm.at[base + s, 0],
                                      sidx[b], isem[b]).wait()
                pltpu.make_async_copy(sd_hbm.at[base + s, 1],
                                      didx[b], dsem[b]).wait()
                pltpu.sync_copy(ones_s, degsh.at[sidx[b]], add=True)
                pltpu.sync_copy(ones_d, degsh.at[didx[b]], add=True)

                @pl.when(s < RT - 2)
                def _():
                    pltpu.async_copy(sd_hbm.at[base + s + 2, 0],
                                     sidx[b], isem[b])
                    pltpu.async_copy(sd_hbm.at[base + s + 2, 1],
                                     didx[b], dsem[b])
            return carry

        lax.fori_loop(0, RT // 2, body, 0)
        plsc.subcore_barrier()
        pltpu.sync_copy(degsh.at[pl.ds(sid * ZR, ZR)],
                        out_hbm.at[cid, pl.ds(sid * ZR, ZR)])

    return deg_k


def _make_agg_kernel(NP, RT0, RT1, D):
    ZR = NP // _NS

    @functools.partial(
        pl.kernel,
        out_type=jax.ShapeDtypeStruct((_NC, NP, D), jnp.float32),
        mesh=_sc_mesh(),
        scratch_types=[
            pltpu.VMEM((_LANES,), jnp.int32),
            pltpu.VMEM((_LANES,), jnp.int32),
            pltpu.VMEM((_LANES,), jnp.int32),
            pltpu.VMEM((_LANES,), jnp.int32),
            pltpu.VMEM((_LANES, D), jnp.float32),
            pltpu.VMEM((_LANES, D), jnp.float32),
            pltpu.VMEM_SHARED((NP, D), jnp.float32),
            pltpu.SemaphoreType.DMA,
            pltpu.SemaphoreType.DMA,
            pltpu.SemaphoreType.DMA,
            pltpu.SemaphoreType.DMA,
            pltpu.SemaphoreType.DMA,
            pltpu.SemaphoreType.DMA,
        ],
    )
    def agg_k(h_hbm, sd_hbm, out_hbm,
              sidx0, sidx1, didx0, didx1, rows0, rows1, aggsh,
              gsem0, gsem1, isem0, isem1, dsem0, dsem1):
        cid = lax.axis_index("c")
        sid = lax.axis_index("s")
        base = jnp.where(cid == 0, sid * RT0, _NS * RT0 + sid * RT1)
        rt = jnp.where(cid == 0, RT0, RT1)
        sidx = (sidx0, sidx1)
        didx = (didx0, didx1)
        rows = (rows0, rows1)
        gsem = (gsem0, gsem1)
        isem = (isem0, isem1)
        dsem = (dsem0, dsem1)

        zv = jnp.zeros((16,), jnp.float32)

        @pl.when(rt > 0)
        def _():
            def zbody(r, carry):
                for c in range(D // 16):
                    rows0[r, pl.ds(c * 16, 16)] = zv
                return carry

            lax.fori_loop(0, _LANES, zbody, 0)
            for z in range(ZR // _LANES):
                pltpu.sync_copy(
                    rows0, aggsh.at[pl.ds(sid * ZR + z * _LANES, _LANES)])
            pltpu.async_copy(sd_hbm.at[base, 0], sidx0, isem0)
            pltpu.async_copy(sd_hbm.at[base, 1], didx0, dsem0)
            pltpu.async_copy(sd_hbm.at[base + 1, 0], sidx1, isem1)
            pltpu.async_copy(sd_hbm.at[base + 1, 1], didx1, dsem1)

        plsc.subcore_barrier()

        @pl.when(rt > 0)
        def _():
            pltpu.make_async_copy(sd_hbm.at[base, 0], sidx0, isem0).wait()
            pltpu.async_copy(h_hbm.at[sidx0], rows0, gsem0)

        def body(g2, carry):
            for b in (0, 1):
                s = g2 * 2 + b
                nb = 1 - b

                @pl.when(s < rt - 1)
                def _():
                    pltpu.make_async_copy(sd_hbm.at[base + s + 1, 0],
                                          sidx[nb], isem[nb]).wait()
                    pltpu.async_copy(h_hbm.at[sidx[nb]], rows[nb], gsem[nb])

                pltpu.make_async_copy(h_hbm.at[sidx[b]],
                                      rows[b], gsem[b]).wait()
                pltpu.make_async_copy(sd_hbm.at[base + s, 1],
                                      didx[b], dsem[b]).wait()
                pltpu.sync_copy(rows[b], aggsh.at[didx[b]], add=True)

                @pl.when(s < rt - 2)
                def _():
                    pltpu.async_copy(sd_hbm.at[base + s + 2, 0],
                                     sidx[b], isem[b])
                    pltpu.async_copy(sd_hbm.at[base + s + 2, 1],
                                     didx[b], dsem[b])
            return carry

        lax.fori_loop(0, (rt + 1) // 2, body, 0)
        plsc.subcore_barrier()

        @pl.when(rt > 0)
        def _():
            pltpu.sync_copy(aggsh.at[pl.ds(sid * ZR, ZR)],
                            out_hbm.at[cid, pl.ds(sid * ZR, ZR)])

    return agg_k


def _make_norm_kernel(NP, BR, D):
    def body(x_ref, dp_ref, xs_ref, ns_ref, nd_ref):
        dp = dp_ref[...]
        dsrc = dp[0, :, 0:1] + dp[1, :, 0:1]
        ddst = dp[0, :, 1:2] + dp[1, :, 1:2]
        ns = lax.rsqrt(jnp.maximum(dsrc, 1.0))
        nd = lax.rsqrt(jnp.maximum(ddst, 1.0))
        ns_ref[...] = ns
        nd_ref[...] = nd
        xs_ref[...] = x_ref[...] * ns

    return pl.pallas_call(
        body,
        grid=(NP // BR,),
        in_specs=[
            pl.BlockSpec((BR, D), lambda i: (i, 0)),
            pl.BlockSpec((2, BR, 16), lambda i: (0, i, 0)),
        ],
        out_specs=[
            pl.BlockSpec((BR, D), lambda i: (i, 0)),
            pl.BlockSpec((BR, 1), lambda i: (i, 0)),
            pl.BlockSpec((BR, 1), lambda i: (i, 0)),
        ],
        out_shape=[
            jax.ShapeDtypeStruct((NP, D), jnp.float32),
            jax.ShapeDtypeStruct((NP, 1), jnp.float32),
            jax.ShapeDtypeStruct((NP, 1), jnp.float32),
        ],
    )


def _make_mm_kernel(NP, BR, D, relu_and_src_scale):
    def body(ap_ref, w_ref, b_ref, nd_ref, ns_ref, out_ref):
        a = ap_ref[0] + ap_ref[1]
        y = jnp.dot(a, w_ref[...], preferred_element_type=jnp.float32,
                    precision=lax.Precision.HIGHEST)
        y = y * nd_ref[...] + b_ref[...]
        if relu_and_src_scale:
            y = jnp.maximum(y, 0.0) * ns_ref[...]
        out_ref[...] = y

    return pl.pallas_call(
        body,
        grid=(NP // BR,),
        in_specs=[
            pl.BlockSpec((2, BR, D), lambda i: (0, i, 0)),
            pl.BlockSpec((D, D), lambda i: (0, 0)),
            pl.BlockSpec((1, D), lambda i: (0, 0)),
            pl.BlockSpec((BR, 1), lambda i: (i, 0)),
            pl.BlockSpec((BR, 1), lambda i: (i, 0)),
        ],
        out_specs=pl.BlockSpec((BR, D), lambda i: (i, 0)),
        out_shape=jax.ShapeDtypeStruct((NP, D), jnp.float32),
    )


def kernel(x, edge_index, W1, b1, W2, b2):
    N, D = x.shape
    E = edge_index.shape[1]
    BR = 512
    NP = -((N + 1) // -BR) * BR
    EP = -(E // -(2 * _NW * _LANES)) * (2 * _NW * _LANES)
    RT = EP // (_NW * _LANES)
    RT0 = (2 * RT * 3) // 4
    RT1 = 2 * RT - RT0

    src = edge_index[0]
    dst = edge_index[1]
    pad = jnp.full((EP - E,), N, jnp.int32)
    src2d = jnp.concatenate([src, pad]).reshape(EP // _LANES, _LANES)
    dst2d = jnp.concatenate([dst, pad]).reshape(EP // _LANES, _LANES)
    sd = jnp.stack([src2d, dst2d], axis=1)
    x_pad = jnp.zeros((NP, D), jnp.float32).at[:N].set(x)

    eye2 = jnp.zeros((2, 16), jnp.float32).at[0, 0].set(1.0).at[1, 1].set(1.0)
    ones_pat = jnp.tile(eye2[:, None, :], (1, _LANES, 1))
    zeros2 = jnp.zeros((NP // _NS, 16), jnp.float32)

    deg_k = _make_deg_kernel(NP, RT)
    agg_k = _make_agg_kernel(NP, RT0, RT1, D)
    norm_k = _make_norm_kernel(NP, BR, D)
    mm_relu_k = _make_mm_kernel(NP, BR, D, True)
    mm_k = _make_mm_kernel(NP, BR, D, False)

    degp = deg_k(sd, ones_pat, zeros2)
    xs, nsrc, ndst = norm_k(x_pad, degp)
    agg1 = agg_k(xs, sd)
    h1s = mm_relu_k(agg1, W1, b1.reshape(1, D), ndst, nsrc)
    agg2 = agg_k(h1s, sd)
    out = mm_k(agg2, W2, b2.reshape(1, D), ndst, nsrc)
    return out[:N]

# --- scband reference (transcript-rebuilt; emitter-appended) ---
"""Pipeline reference for scband-gcn-11484742549902 (READ-ONLY COPY).

The authoritative reference and input builder live on the scoring server;
editing this copy changes nothing except your own understanding.
"""

import jax, jax.numpy as jnp
import numpy as np

N = 10000
E = 320000
D = 128


def setup_inputs(seed: int = 0) -> dict:
    key = jax.random.key(seed)
    ks = jax.random.split(key, 6)
    x = jax.random.normal(ks[0], (N, D), dtype=jnp.float32)
    edge_index = jax.random.randint(ks[1], (2, E), 0, N, dtype=jnp.int32)
    s = 1.0 / np.sqrt(D)
    W1 = jax.random.uniform(ks[2], (D, D), jnp.float32, -s, s)
    b1 = jnp.zeros((D,), jnp.float32)
    W2 = jax.random.uniform(ks[3], (D, D), jnp.float32, -s, s)
    b2 = jnp.zeros((D,), jnp.float32)
    return {"x": x, "edge_index": edge_index, "W1": W1, "b1": b1, "W2": W2, "b2": b2}


def _graph_conv(h, src, dst, W, b):
    # DGL GraphConv with norm='both': out = D_in^{-1/2} A D_out^{-1/2} h W + b
    # in_feats == out_feats -> aggregate first, then apply weight (DGL else-branch)
    ones = jnp.ones((src.shape[0],), jnp.float32)
    deg_out = jnp.clip(jax.ops.segment_sum(ones, src, num_segments=N), 1.0, None)
    deg_in = jnp.clip(jax.ops.segment_sum(ones, dst, num_segments=N), 1.0, None)
    norm_src = jax.lax.rsqrt(deg_out)
    norm_dst = jax.lax.rsqrt(deg_in)
    h = h * norm_src[:, None]
    msg = jnp.take(h, src, axis=0)
    agg = jax.ops.segment_sum(msg, dst, num_segments=N)
    agg = agg @ W
    return agg * norm_dst[:, None] + b


def reference(x, edge_index, W1, b1, W2, b2):
    src = edge_index[0]
    dst = edge_index[1]
    # layer 0: conv -> activation (dropout=0, no bn)
    h = jax.nn.relu(_graph_conv(x, src, dst, W1, b1))
    # layer 1 (last): conv only
    out = _graph_conv(h, src, dst, W2, b2)
    return out

if __name__ == "__main__":
    import jax
    _d = setup_inputs()
    print(jax.jit(kernel)(*tuple(_d.values())))

</pallas_src>

<mosaic_0001>
#map = affine_map<(d0, d1) -> (0, 0, 0)>
#map1 = affine_map<(d0, d1) -> (0, 0)>
module attributes {stable_mosaic.version = 14 : i64} {
  func.func @deg_k(%arg0: i32, %arg1: i32, %arg2: memref<2560x2x128xi32, #tpu.memory_space<hbm>>, %arg3: memref<2x128x16xf32, #tpu.memory_space<hbm>>, %arg4: memref<640x16xf32, #tpu.memory_space<hbm>>, %arg5: memref<2x10240x16xf32, #tpu.memory_space<hbm>>, %arg6: memref<128xi32, #tpu.memory_space<vmem>>, %arg7: memref<128xi32, #tpu.memory_space<vmem>>, %arg8: memref<128xi32, #tpu.memory_space<vmem>>, %arg9: memref<128xi32, #tpu.memory_space<vmem>>, %arg10: memref<128x16xf32, #tpu.memory_space<vmem>>, %arg11: memref<128x16xf32, #tpu.memory_space<vmem>>, %arg12: memref<10240x16xf32, #tpu.memory_space<vmem_shared>>, %arg13: memref<!tpu.dma_semaphore, #tpu.memory_space<semaphore_mem>>, %arg14: memref<!tpu.dma_semaphore, #tpu.memory_space<semaphore_mem>>, %arg15: memref<!tpu.dma_semaphore, #tpu.memory_space<semaphore_mem>>, %arg16: memref<!tpu.dma_semaphore, #tpu.memory_space<semaphore_mem>>) attributes {dimension_semantics = [#tpu.dimension_semantics<core_parallel>, #tpu.dimension_semantics<subcore_parallel>], iteration_bounds = array<i64: 2, 16>, scalar_prefetch = 0 : i64, scratch_operands = 11 : i64, tpu.core_type = #tpu.core_type<sc_vector_subcore>, window_params = [{transform_indices = #map}, {transform_indices = #map}, {transform_indices = #map1}, {transform_indices = #map}]} {
    %mul3A = arith.constant 16 : i32
    %mul3A_0 = arith.muli %arg0, %mul3A : i32
    %add3A = arith.addi %mul3A_0, %arg1 : i32
    %mul3A_1 = arith.constant 80 : i32
    %mul3A_2 = arith.muli %add3A, %mul3A_1 : i32
    %mul3A_3 = arith.constant 640 : i32
    %mul3A_4 = arith.muli %arg1, %mul3A_3 : i32
    "tpu.region"() ({
      %run_scoped3A_47 = tpu.sem_alloc : memref<!tpu.dma_semaphore, #tpu.memory_space<semaphore_mem>>
      %dma_start3A_48 = arith.constant 0 : i32
      %dma_start3A_49 = tpu.memref_slice %arg12[%mul3A_4, %dma_start3A_48] : memref<10240x16xf32, #tpu.memory_space<vmem_shared>> -> memref<640x16xf32, #tpu.memory_space<vmem_shared>>
      tpu.enqueue_dma source(%arg4 : memref<640x16xf32, #tpu.memory_space<hbm>>) target(%dma_start3A_49 : memref<640x16xf32, #tpu.memory_space<vmem_shared>>) target_semaphore(%run_scoped3A_47 : memref<!tpu.dma_semaphore, #tpu.memory_space<semaphore_mem>>)
      %dma_wait3A = arith.constant 0 : i32
      %dma_wait3A_50 = tpu.memref_slice %arg12[%mul3A_4, %dma_wait3A] : memref<10240x16xf32, #tpu.memory_space<vmem_shared>> -> memref<640x16xf32, #tpu.memory_space<vmem_shared>>
      tpu.wait_dma2 semaphore(%run_scoped3A_47 : memref<!tpu.dma_semaphore, #tpu.memory_space<semaphore_mem>>) src(%arg4 : memref<640x16xf32, #tpu.memory_space<hbm>>) dst(%dma_wait3A_50 : memref<640x16xf32, #tpu.memory_space<vmem_shared>>)
      tpu.yield
    }) : () -> ()
    %run_scoped3A = arith.constant 0 : i32
    "tpu.region"() ({
      %run_scoped3A_47 = tpu.sem_alloc : memref<!tpu.dma_semaphore, #tpu.memory_space<semaphore_mem>>
      %dma_start3A_48 = arith.constant 0 : i32
      %dma_start3A_49 = arith.constant 0 : i32
      %dma_start3A_50 = tpu.memref_slice %arg3[%run_scoped3A, %dma_start3A_48, %dma_start3A_49] : memref<2x128x16xf32, #tpu.memory_space<hbm>> -> memref<1x128x16xf32, #tpu.memory_space<hbm>>
      %dma_start3A_51 = tpu.memref_squeeze %dma_start3A_50 : memref<1x128x16xf32, #tpu.memory_space<hbm>> -> memref<128x16xf32, #tpu.memory_space<hbm>>
      %dma_start3A_52 = arith.constant 0 : i32
      %dma_start3A_53 = arith.constant 0 : i32
      %dma_start3A_54 = tpu.memref_slice %arg3[%run_scoped3A, %dma_start3A_52, %dma_start3A_53] : memref<2x128x16xf32, #tpu.memory_space<hbm>> -> memref<1x128x16xf32, #tpu.memory_space<hbm>>
      %dma_start3A_55 = tpu.memref_squeeze %dma_start3A_54 : memref<1x128x16xf32, #tpu.memory_space<hbm>> -> memref<128x16xf32, #tpu.memory_space<hbm>>
      tpu.enqueue_dma source(%dma_start3A_55 : memref<128x16xf32, #tpu.memory_space<hbm>>) target(%arg10 : memref<128x16xf32, #tpu.memory_space<vmem>>) target_semaphore(%run_scoped3A_47 : memref<!tpu.dma_semaphore, #tpu.memory_space<semaphore_mem>>)
      %dma_wait3A = arith.constant 0 : i32
      %dma_wait3A_56 = arith.constant 0 : i32
      %dma_wait3A_57 = tpu.memref_slice %arg3[%run_scoped3A, %dma_wait3A, %dma_wait3A_56] : memref<2x128x16xf32, #tpu.memory_space<hbm>> -> memref<1x128x16xf32, #tpu.memory_space<hbm>>
      %dma_wait3A_58 = tpu.memref_squeeze %dma_wait3A_57 : memref<1x128x16xf32, #tpu.memory_space<hbm>> -> memref<128x16xf32, #tpu.memory_space<hbm>>
      %dma_wait3A_59 = arith.constant 0 : i32
      %dma_wait3A_60 = arith.constant 0 : i32
      %dma_wait3A_61 = tpu.memref_slice %arg3[%run_scoped3A, %dma_wait3A_59, %dma_wait3A_60] : memref<2x128x16xf32, #tpu.memory_space<hbm>> -> memref<1x128x16xf32, #tpu.memory_space<hbm>>
      %dma_wait3A_62 = tpu.memref_squeeze %dma_wait3A_61 : memref<1x128x16xf32, #tpu.memory_space<hbm>> -> memref<128x16xf32, #tpu.memory_space<hbm>>
      tpu.wait_dma2 semaphore(%run_scoped3A_47 : memref<!tpu.dma_semaphore, #tpu.memory_space<semaphore_mem>>) src(%dma_wait3A_62 : memref<128x16xf32, #tpu.memory_space<hbm>>) dst(%arg10 : memref<128x16xf32, #tpu.memory_space<vmem>>)
      tpu.yield
    }) : () -> ()
    %run_scoped3A_5 = arith.constant 1 : i32
    "tpu.region"() ({
      %run_scoped3A_47 = tpu.sem_alloc : memref<!tpu.dma_semaphore, #tpu.memory_space<semaphore_mem>>
      %dma_start3A_48 = arith.constant 0 : i32
      %dma_start3A_49 = arith.constant 0 : i32
      %dma_start3A_50 = tpu.memref_slice %arg3[%run_scoped3A_5, %dma_start3A_48, %dma_start3A_49] : memref<2x128x16xf32, #tpu.memory_space<hbm>> -> memref<1x128x16xf32, #tpu.memory_space<hbm>>
      %dma_start3A_51 = tpu.memref_squeeze %dma_start3A_50 : memref<1x128x16xf32, #tpu.memory_space<hbm>> -> memref<128x16xf32, #tpu.memory_space<hbm>>
      %dma_start3A_52 = arith.constant 0 : i32
      %dma_start3A_53 = arith.constant 0 : i32
      %dma_start3A_54 = tpu.memref_slice %arg3[%run_scoped3A_5, %dma_start3A_52, %dma_start3A_53] : memref<2x128x16xf32, #tpu.memory_space<hbm>> -> memref<1x128x16xf32, #tpu.memory_space<hbm>>
      %dma_start3A_55 = tpu.memref_squeeze %dma_start3A_54 : memref<1x128x16xf32, #tpu.memory_space<hbm>> -> memref<128x16xf32, #tpu.memory_space<hbm>>
      tpu.enqueue_dma source(%dma_start3A_55 : memref<128x16xf32, #tpu.memory_space<hbm>>) target(%arg11 : memref<128x16xf32, #tpu.memory_space<vmem>>) target_semaphore(%run_scoped3A_47 : memref<!tpu.dma_semaphore, #tpu.memory_space<semaphore_mem>>)
      %dma_wait3A = arith.constant 0 : i32
      %dma_wait3A_56 = arith.constant 0 : i32
      %dma_wait3A_57 = tpu.memref_slice %arg3[%run_scoped3A_5, %dma_wait3A, %dma_wait3A_56] : memref<2x128x16xf32, #tpu.memory_space<hbm>> -> memref<1x128x16xf32, #tpu.memory_space<hbm>>
      %dma_wait3A_58 = tpu.memref_squeeze %dma_wait3A_57 : memref<1x128x16xf32, #tpu.memory_space<hbm>> -> memref<128x16xf32, #tpu.memory_space<hbm>>
      %dma_wait3A_59 = arith.constant 0 : i32
      %dma_wait3A_60 = arith.constant 0 : i32
      %dma_wait3A_61 = tpu.memref_slice %arg3[%run_scoped3A_5, %dma_wait3A_59, %dma_wait3A_60] : memref<2x128x16xf32, #tpu.memory_space<hbm>> -> memref<1x128x16xf32, #tpu.memory_space<hbm>>
      %dma_wait3A_62 = tpu.memref_squeeze %dma_wait3A_61 : memref<1x128x16xf32, #tpu.memory_space<hbm>> -> memref<128x16xf32, #tpu.memory_space<hbm>>
      tpu.wait_dma2 semaphore(%run_scoped3A_47 : memref<!tpu.dma_semaphore, #tpu.memory_space<semaphore_mem>>) src(%dma_wait3A_62 : memref<128x16xf32, #tpu.memory_space<hbm>>) dst(%arg11 : memref<128x16xf32, #tpu.memory_space<vmem>>)
      tpu.yield
    }) : () -> ()
    %dma_start3A = arith.constant 0 : i32
    %dma_start3A_6 = arith.constant 0 : i32
    %dma_start3A_7 = tpu.memref_slice %arg2[%mul3A_2, %dma_start3A, %dma_start3A_6] : memref<2560x2x128xi32, #tpu.memory_space<hbm>> -> memref<1x1x128xi32, #tpu.memory_space<hbm>>
    %dma_start3A_8 = tpu.memref_squeeze %dma_start3A_7 : memref<1x1x128xi32, #tpu.memory_space<hbm>> -> memref<128xi32, #tpu.memory_space<hbm>>
    %dma_start3A_9 = arith.constant 0 : i32
    %dma_start3A_10 = tpu.memref_slice %arg2[%mul3A_2, %dma_start3A, %dma_start3A_9] : memref<2560x2x128xi32, #tpu.memory_space<hbm>> -> memref<1x1x128xi32, #tpu.memory_space<hbm>>
    %dma_start3A_11 = tpu.memref_squeeze %dma_start3A_10 : memref<1x1x128xi32, #tpu.memory_space<hbm>> -> memref<128xi32, #tpu.memory_space<hbm>>
    tpu.enqueue_dma source(%dma_start3A_11 : memref<128xi32, #tpu.memory_space<hbm>>) target(%arg6 : memref<128xi32, #tpu.memory_space<vmem>>) target_semaphore(%arg13 : memref<!tpu.dma_semaphore, #tpu.memory_space<semaphore_mem>>)
    %dma_start3A_12 = arith.constant 1 : i32
    %dma_start3A_13 = arith.constant 0 : i32
    %dma_start3A_14 = tpu.memref_slice %arg2[%mul3A_2, %dma_start3A_12, %dma_start3A_13] : memref<2560x2x128xi32, #tpu.memory_space<hbm>> -> memref<1x1x128xi32, #tpu.memory_space<hbm>>
    %dma_start3A_15 = tpu.memref_squeeze %dma_start3A_14 : memref<1x1x128xi32, #tpu.memory_space<hbm>> -> memref<128xi32, #tpu.memory_space<hbm>>
    %dma_start3A_16 = arith.constant 0 : i32
    %dma_start3A_17 = tpu.memref_slice %arg2[%mul3A_2, %dma_start3A_12, %dma_start3A_16] : memref<2560x2x128xi32, #tpu.memory_space<hbm>> -> memref<1x1x128xi32, #tpu.memory_space<hbm>>
    %dma_start3A_18 = tpu.memref_squeeze %dma_start3A_17 : memref<1x1x128xi32, #tpu.memory_space<hbm>> -> memref<128xi32, #tpu.memory_space<hbm>>
    tpu.enqueue_dma source(%dma_start3A_18 : memref<128xi32, #tpu.memory_space<hbm>>) target(%arg8 : memref<128xi32, #tpu.memory_space<vmem>>) target_semaphore(%arg15 : memref<!tpu.dma_semaphore, #tpu.memory_space<semaphore_mem>>)
    %add3A_19 = arith.constant 1 : i32
    %add3A_20 = arith.addi %mul3A_2, %add3A_19 : i32
    %dma_start3A_21 = arith.constant 0 : i32
    %dma_start3A_22 = arith.constant 0 : i32
    %dma_start3A_23 = tpu.memref_slice %arg2[%add3A_20, %dma_start3A_21, %dma_start3A_22] : memref<2560x2x128xi32, #tpu.memory_space<hbm>> -> memref<1x1x128xi32, #tpu.memory_space<hbm>>
    %dma_start3A_24 = tpu.memref_squeeze %dma_start3A_23 : memref<1x1x128xi32, #tpu.memory_space<hbm>> -> memref<128xi32, #tpu.memory_space<hbm>>
    %dma_start3A_25 = arith.constant 0 : i32
    %dma_start3A_26 = tpu.memref_slice %arg2[%add3A_20, %dma_start3A_21, %dma_start3A_25] : memref<2560x2x128xi32, #tpu.memory_space<hbm>> -> memref<1x1x128xi32, #tpu.memory_space<hbm>>
    %dma_start3A_27 = tpu.memref_squeeze %dma_start3A_26 : memref<1x1x128xi32, #tpu.memory_space<hbm>> -> memref<128xi32, #tpu.memory_space<hbm>>
    tpu.enqueue_dma source(%dma_start3A_27 : memref<128xi32, #tpu.memory_space<hbm>>) target(%arg7 : memref<128xi32, #tpu.memory_space<vmem>>) target_semaphore(%arg14 : memref<!tpu.dma_semaphore, #tpu.memory_space<semaphore_mem>>)
    %add3A_28 = arith.constant 1 : i32
    %add3A_29 = arith.addi %mul3A_2, %add3A_28 : i32
    %dma_start3A_30 = arith.constant 1 : i32
    %dma_start3A_31 = arith.constant 0 : i32
    %dma_start3A_32 = tpu.memref_slice %arg2[%add3A_29, %dma_start3A_30, %dma_start3A_31] : memref<2560x2x128xi32, #tpu.memory_space<hbm>> -> memref<1x1x128xi32, #tpu.memory_space<hbm>>
    %dma_start3A_33 = tpu.memref_squeeze %dma_start3A_32 : memref<1x1x128xi32, #tpu.memory_space<hbm>> -> memref<128xi32, #tpu.memory_space<hbm>>
    %dma_start3A_34 = arith.constant 0 : i32
    %dma_start3A_35 = tpu.memref_slice %arg2[%add3A_29, %dma_start3A_30, %dma_start3A_34] : memref<2560x2x128xi32, #tpu.memory_space<hbm>> -> memref<1x1x128xi32, #tpu.memory_space<hbm>>
    %dma_start3A_36 = tpu.memref_squeeze %dma_start3A_35 : memref<1x1x128xi32, #tpu.memory_space<hbm>> -> memref<128xi32, #tpu.memory_space<hbm>>
    tpu.enqueue_dma source(%dma_start3A_36 : memref<128xi32, #tpu.memory_space<hbm>>) target(%arg9 : memref<128xi32, #tpu.memory_space<vmem>>) target_semaphore(%arg16 : memref<!tpu.dma_semaphore, #tpu.memory_space<semaphore_mem>>)
    %barrier3A = arith.constant 0 : index
    tpu.barrier barrier_id(%barrier3A)
    %scan3A = arith.constant 0 : i32
    %scan3A_37 = arith.constant 0 : i32
    %scan3A_38 = arith.constant 40 : i32
    %scan3A_39 = arith.addi %scan3A_37, %scan3A_38 : i32
    %scan3A_40 = arith.constant 1 : i32
    scf.for %scan3A_47 = %scan3A_37 to %scan3A_39 step %scan3A_40  : i32 {
      %mul3A_48 = arith.constant 2 : i32
      %mul3A_49 = arith.muli %scan3A_47, %mul3A_48 : i32
      %add3A_50 = arith.constant 0 : i32
      %add3A_51 = arith.addi %mul3A_49, %add3A_50 : i32
      %add3A_52 = arith.addi %mul3A_2, %add3A_51 : i32
      %dma_wait3A = arith.constant 0 : i32
      %dma_wait3A_53 = arith.constant 0 : i32
      %dma_wait3A_54 = tpu.memref_slice %arg2[%add3A_52, %dma_wait3A, %dma_wait3A_53] : memref<2560x2x128xi32, #tpu.memory_space<hbm>> -> memref<1x1x128xi32, #tpu.memory_space<hbm>>
      %dma_wait3A_55 = tpu.memref_squeeze %dma_wait3A_54 : memref<1x1x128xi32, #tpu.memory_space<hbm>> -> memref<128xi32, #tpu.memory_space<hbm>>
      %dma_wait3A_56 = arith.constant 0 : i32
      %dma_wait3A_57 = tpu.memref_slice %arg2[%add3A_52, %dma_wait3A, %dma_wait3A_56] : memref<2560x2x128xi32, #tpu.memory_space<hbm>> -> memref<1x1x128xi32, #tpu.memory_space<hbm>>
      %dma_wait3A_58 = tpu.memref_squeeze %dma_wait3A_57 : memref<1x1x128xi32, #tpu.memory_space<hbm>> -> memref<128xi32, #tpu.memory_space<hbm>>
      tpu.wait_dma2 semaphore(%arg13 : memref<!tpu.dma_semaphore, #tpu.memory_space<semaphore_mem>>) src(%dma_wait3A_58 : memref<128xi32, #tpu.memory_space<hbm>>) dst(%arg6 : memref<128xi32, #tpu.memory_space<vmem>>)
      %add3A_59 = arith.addi %mul3A_2, %add3A_51 : i32
      %dma_wait3A_60 = arith.constant 1 : i32
      %dma_wait3A_61 = arith.constant 0 : i32
      %dma_wait3A_62 = tpu.memref_slice %arg2[%add3A_59, %dma_wait3A_60, %dma_wait3A_61] : memref<2560x2x128xi32, #tpu.memory_space<hbm>> -> memref<1x1x128xi32, #tpu.memory_space<hbm>>
      %dma_wait3A_63 = tpu.memref_squeeze %dma_wait3A_62 : memref<1x1x128xi32, #tpu.memory_space<hbm>> -> memref<128xi32, #tpu.memory_space<hbm>>
      %dma_wait3A_64 = arith.constant 0 : i32
      %dma_wait3A_65 = tpu.memref_slice %arg2[%add3A_59, %dma_wait3A_60, %dma_wait3A_64] : memref<2560x2x128xi32, #tpu.memory_space<hbm>> -> memref<1x1x128xi32, #tpu.memory_space<hbm>>
      %dma_wait3A_66 = tpu.memref_squeeze %dma_wait3A_65 : memref<1x1x128xi32, #tpu.memory_space<hbm>> -> memref<128xi32, #tpu.memory_space<hbm>>
      tpu.wait_dma2 semaphore(%arg15 : memref<!tpu.dma_semaphore, #tpu.memory_space<semaphore_mem>>) src(%dma_wait3A_66 : memref<128xi32, #tpu.memory_space<hbm>>) dst(%arg8 : memref<128xi32, #tpu.memory_space<vmem>>)
      "tpu.region"() ({
        %run_scoped3A_94 = tpu.sem_alloc : memref<!tpu.dma_semaphore, #tpu.memory_space<semaphore_mem>>
        %dma_start3A_95 = arith.constant 0 : i32
        %dma_start3A_96 = arith.constant 0 : i32
        %dma_start3A_97 = tpu.memref_slice %arg12[%dma_start3A_95, %dma_start3A_96] : memref<10240x16xf32, #tpu.memory_space<vmem_shared>> -> memref<10240x16xf32, #tpu.memory_space<vmem_shared>>
        tpu.enqueue_indirect_dma source(%arg10 : memref<128x16xf32, #tpu.memory_space<vmem>>) target(%dma_start3A_97 : memref<10240x16xf32, #tpu.memory_space<vmem_shared>>) offsets(%arg6 : memref<128xi32, #tpu.memory_space<vmem>>) semaphore(%run_scoped3A_94 : memref<!tpu.dma_semaphore, #tpu.memory_space<semaphore_mem>>) {add = true}
        %dma_wait3A_98 = arith.constant 0 : i32
        %dma_wait3A_99 = arith.constant 0 : i32
        %dma_wait3A_100 = tpu.memref_slice %arg12[%dma_wait3A_98, %dma_wait3A_99] : memref<10240x16xf32, #tpu.memory_space<vmem_shared>> -> memref<10240x16xf32, #tpu.memory_space<vmem_shared>>
        tpu.wait_indirect_dma semaphore(%run_scoped3A_94 : memref<!tpu.dma_semaphore, #tpu.memory_space<semaphore_mem>>) src(%arg10 : memref<128x16xf32, #tpu.memory_space<vmem>>) dst(%dma_wait3A_100 : memref<10240x16xf32, #tpu.memory_space<vmem_shared>>)
        tpu.yield
      }) : () -> ()
      "tpu.region"() ({
        %run_scoped3A_94 = tpu.sem_alloc : memref<!tpu.dma_semaphore, #tpu.memory_space<semaphore_mem>>
        %dma_start3A_95 = arith.constant 0 : i32
        %dma_start3A_96 = arith.constant 0 : i32
        %dma_start3A_97 = tpu.memref_slice %arg12[%dma_start3A_95, %dma_start3A_96] : memref<10240x16xf32, #tpu.memory_space<vmem_shared>> -> memref<10240x16xf32, #tpu.memory_space<vmem_shared>>
        tpu.enqueue_indirect_dma source(%arg11 : memref<128x16xf32, #tpu.memory_space<vmem>>) target(%dma_start3A_97 : memref<10240x16xf32, #tpu.memory_space<vmem_shared>>) offsets(%arg8 : memref<128xi32, #tpu.memory_space<vmem>>) semaphore(%run_scoped3A_94 : memref<!tpu.dma_semaphore, #tpu.memory_space<semaphore_mem>>) {add = true}
        %dma_wait3A_98 = arith.constant 0 : i32
        %dma_wait3A_99 = arith.constant 0 : i32
        %dma_wait3A_100 = tpu.memref_slice %arg12[%dma_wait3A_98, %dma_wait3A_99] : memref<10240x16xf32, #tpu.memory_space<vmem_shared>> -> memref<10240x16xf32, #tpu.memory_space<vmem_shared>>
        tpu.wait_indirect_dma semaphore(%run_scoped3A_94 : memref<!tpu.dma_semaphore, #tpu.memory_space<semaphore_mem>>) src(%arg11 : memref<128x16xf32, #tpu.memory_space<vmem>>) dst(%dma_wait3A_100 : memref<10240x16xf32, #tpu.memory_space<vmem_shared>>)
        tpu.yield
      }) : () -> ()
      %lt3A = arith.constant 78 : i32
      %lt3A_67 = arith.cmpi slt, %add3A_51, %lt3A : i32
      %convert_element_type3A = arith.extui %lt3A_67 : i1 to i32
      %cond3A = arith.constant 0 : i32
      %cond3A_68 = arith.cmpi ne, %convert_element_type3A, %cond3A : i32
      scf.if %cond3A_68 {
        %add3A_94 = arith.addi %mul3A_2, %add3A_51 : i32
        %add3A_95 = arith.constant 2 : i32
        %add3A_96 = arith.addi %add3A_94, %add3A_95 : i32
        %dma_start3A_97 = arith.constant 0 : i32
        %dma_start3A_98 = arith.constant 0 : i32
        %dma_start3A_99 = tpu.memref_slice %arg2[%add3A_96, %dma_start3A_97, %dma_start3A_98] : memref<2560x2x128xi32, #tpu.memory_space<hbm>> -> memref<1x1x128xi32, #tpu.memory_space<hbm>>
        %dma_start3A_100 = tpu.memref_squeeze %dma_start3A_99 : memref<1x1x128xi32, #tpu.memory_space<hbm>> -> memref<128xi32, #tpu.memory_space<hbm>>
        %dma_start3A_101 = arith.constant 0 : i32
        %dma_start3A_102 = tpu.memref_slice %arg2[%add3A_96, %dma_start3A_97, %dma_start3A_101] : memref<2560x2x128xi32, #tpu.memory_space<hbm>> -> memref<1x1x128xi32, #tpu.memory_space<hbm>>
        %dma_start3A_103 = tpu.memref_squeeze %dma_start3A_102 : memref<1x1x128xi32, #tpu.memory_space<hbm>> -> memref<128xi32, #tpu.memory_space<hbm>>
        tpu.enqueue_dma source(%dma_start3A_103 : memref<128xi32, #tpu.memory_space<hbm>>) target(%arg6 : memref<128xi32, #tpu.memory_space<vmem>>) target_semaphore(%arg13 : memref<!tpu.dma_semaphore, #tpu.memory_space<semaphore_mem>>)
        %add3A_104 = arith.addi %mul3A_2, %add3A_51 : i32
        %add3A_105 = arith.constant 2 : i32
        %add3A_106 = arith.addi %add3A_104, %add3A_105 : i32
        %dma_start3A_107 = arith.constant 1 : i32
        %dma_start3A_108 = arith.constant 0 : i32
        %dma_start3A_109 = tpu.memref_slice %arg2[%add3A_106, %dma_start3A_107, %dma_start3A_108] : memref<2560x2x128xi32, #tpu.memory_space<hbm>> -> memref<1x1x128xi32, #tpu.memory_space<hbm>>
        %dma_start3A_110 = tpu.memref_squeeze %dma_start3A_109 : memref<1x1x128xi32, #tpu.memory_space<hbm>> -> memref<128xi32, #tpu.memory_space<hbm>>
        %dma_start3A_111 = arith.constant 0 : i32
        %dma_start3A_112 = tpu.memref_slice %arg2[%add3A_106, %dma_start3A_107, %dma_start3A_111] : memref<2560x2x128xi32, #tpu.memory_space<hbm>> -> memref<1x1x128xi32, #tpu.memory_space<hbm>>
        %dma_start3A_113 = tpu.memref_squeeze %dma_start3A_112 : memref<1x1x128xi32, #tpu.memory_space<hbm>> -> memref<128xi32, #tpu.memory_space<hbm>>
        tpu.enqueue_dma source(%dma_start3A_113 : memref<128xi32, #tpu.memory_space<hbm>>) target(%arg8 : memref<128xi32, #tpu.memory_space<vmem>>) target_semaphore(%arg15 : memref<!tpu.dma_semaphore, #tpu.memory_space<semaphore_mem>>)
      } else {
      }
      %mul3A_69 = arith.constant 2 : i32
      %mul3A_70 = arith.muli %scan3A_47, %mul3A_69 : i32
      %add3A_71 = arith.constant 1 : i32
      %add3A_72 = arith.addi %mul3A_70, %add3A_71 : i32
      %add3A_73 = arith.addi %mul3A_2, %add3A_72 : i32
      %dma_wait3A_74 = arith.constant 0 : i32
      %dma_wait3A_75 = arith.constant 0 : i32
      %dma_wait3A_76 = tpu.memref_slice %arg2[%add3A_73, %dma_wait3A_74, %dma_wait3A_75] : memref<2560x2x128xi32, #tpu.memory_space<hbm>> -> memref<1x1x128xi32, #tpu.memory_space<hbm>>
      %dma_wait3A_77 = tpu.memref_squeeze %dma_wait3A_76 : memref<1x1x128xi32, #tpu.memory_space<hbm>> -> memref<128xi32, #tpu.memory_space<hbm>>
      %dma_wait3A_78 = arith.constant 0 : i32
      %dma_wait3A_79 = tpu.memref_slice %arg2[%add3A_73, %dma_wait3A_74, %dma_wait3A_78] : memref<2560x2x128xi32, #tpu.memory_space<hbm>> -> memref<1x1x128xi32, #tpu.memory_space<hbm>>
      %dma_wait3A_80 = tpu.memref_squeeze %dma_wait3A_79 : memref<1x1x128xi32, #tpu.memory_space<hbm>> -> memref<128xi32, #tpu.memory_space<hbm>>
      tpu.wait_dma2 semaphore(%arg14 : memref<!tpu.dma_semaphore, #tpu.memory_space<semaphore_mem>>) src(%dma_wait3A_80 : memref<128xi32, #tpu.memory_space<hbm>>) dst(%arg7 : memref<128xi32, #tpu.memory_space<vmem>>)
      %add3A_81 = arith.addi %mul3A_2, %add3A_72 : i32
      %dma_wait3A_82 = arith.constant 1 : i32
      %dma_wait3A_83 = arith.constant 0 : i32
      %dma_wait3A_84 = tpu.memref_slice %arg2[%add3A_81, %dma_wait3A_82, %dma_wait3A_83] : memref<2560x2x128xi32, #tpu.memory_space<hbm>> -> memref<1x1x128xi32, #tpu.memory_space<hbm>>
      %dma_wait3A_85 = tpu.memref_squeeze %dma_wait3A_84 : memref<1x1x128xi32, #tpu.memory_space<hbm>> -> memref<128xi32, #tpu.memory_space<hbm>>
      %dma_wait3A_86 = arith.constant 0 : i32
      %dma_wait3A_87 = tpu.memref_slice %arg2[%add3A_81, %dma_wait3A_82, %dma_wait3A_86] : memref<2560x2x128xi32, #tpu.memory_space<hbm>> -> memref<1x1x128xi32, #tpu.memory_space<hbm>>
      %dma_wait3A_88 = tpu.memref_squeeze %dma_wait3A_87 : memref<1x1x128xi32, #tpu.memory_space<hbm>> -> memref<128xi32, #tpu.memory_space<hbm>>
      tpu.wait_dma2 semaphore(%arg16 : memref<!tpu.dma_semaphore, #tpu.memory_space<semaphore_mem>>) src(%dma_wait3A_88 : memref<128xi32, #tpu.memory_space<hbm>>) dst(%arg9 : memref<128xi32, #tpu.memory_space<vmem>>)
      "tpu.region"() ({
        %run_scoped3A_94 = tpu.sem_alloc : memref<!tpu.dma_semaphore, #tpu.memory_space<semaphore_mem>>
        %dma_start3A_95 = arith.constant 0 : i32
        %dma_start3A_96 = arith.constant 0 : i32
        %dma_start3A_97 = tpu.memref_slice %arg12[%dma_start3A_95, %dma_start3A_96] : memref<10240x16xf32, #tpu.memory_space<vmem_shared>> -> memref<10240x16xf32, #tpu.memory_space<vmem_shared>>
        tpu.enqueue_indirect_dma source(%arg10 : memref<128x16xf32, #tpu.memory_space<vmem>>) target(%dma_start3A_97 : memref<10240x16xf32, #tpu.memory_space<vmem_shared>>) offsets(%arg7 : memref<128xi32, #tpu.memory_space<vmem>>) semaphore(%run_scoped3A_94 : memref<!tpu.dma_semaphore, #tpu.memory_space<semaphore_mem>>) {add = true}
        %dma_wait3A_98 = arith.constant 0 : i32
        %dma_wait3A_99 = arith.constant 0 : i32
        %dma_wait3A_100 = tpu.memref_slice %arg12[%dma_wait3A_98, %dma_wait3A_99] : memref<10240x16xf32, #tpu.memory_space<vmem_shared>> -> memref<10240x16xf32, #tpu.memory_space<vmem_shared>>
        tpu.wait_indirect_dma semaphore(%run_scoped3A_94 : memref<!tpu.dma_semaphore, #tpu.memory_space<semaphore_mem>>) src(%arg10 : memref<128x16xf32, #tpu.memory_space<vmem>>) dst(%dma_wait3A_100 : memref<10240x16xf32, #tpu.memory_space<vmem_shared>>)
        tpu.yield
      }) : () -> ()
      "tpu.region"() ({
        %run_scoped3A_94 = tpu.sem_alloc : memref<!tpu.dma_semaphore, #tpu.memory_space<semaphore_mem>>
        %dma_start3A_95 = arith.constant 0 : i32
        %dma_start3A_96 = arith.constant 0 : i32
        %dma_start3A_97 = tpu.memref_slice %arg12[%dma_start3A_95, %dma_start3A_96] : memref<10240x16xf32, #tpu.memory_space<vmem_shared>> -> memref<10240x16xf32, #tpu.memory_space<vmem_shared>>
        tpu.enqueue_indirect_dma source(%arg11 : memref<128x16xf32, #tpu.memory_space<vmem>>) target(%dma_start3A_97 : memref<10240x16xf32, #tpu.memory_space<vmem_shared>>) offsets(%arg9 : memref<128xi32, #tpu.memory_space<vmem>>) semaphore(%run_scoped3A_94 : memref<!tpu.dma_semaphore, #tpu.memory_space<semaphore_mem>>) {add = true}
        %dma_wait3A_98 = arith.constant 0 : i32
        %dma_wait3A_99 = arith.constant 0 : i32
        %dma_wait3A_100 = tpu.memref_slice %arg12[%dma_wait3A_98, %dma_wait3A_99] : memref<10240x16xf32, #tpu.memory_space<vmem_shared>> -> memref<10240x16xf32, #tpu.memory_space<vmem_shared>>
        tpu.wait_indirect_dma semaphore(%run_scoped3A_94 : memref<!tpu.dma_semaphore, #tpu.memory_space<semaphore_mem>>) src(%arg11 : memref<128x16xf32, #tpu.memory_space<vmem>>) dst(%dma_wait3A_100 : memref<10240x16xf32, #tpu.memory_space<vmem_shared>>)
        tpu.yield
      }) : () -> ()
      %lt3A_89 = arith.constant 78 : i32
      %lt3A_90 = arith.cmpi slt, %add3A_72, %lt3A_89 : i32
      %convert_element_type3A_91 = arith.extui %lt3A_90 : i1 to i32
      %cond3A_92 = arith.constant 0 : i32
      %cond3A_93 = arith.cmpi ne, %convert_element_type3A_91, %cond3A_92 : i32
      scf.if %cond3A_93 {
        %add3A_94 = arith.addi %mul3A_2, %add3A_72 : i32
        %add3A_95 = arith.constant 2 : i32
        %add3A_96 = arith.addi %add3A_94, %add3A_95 : i32
        %dma_start3A_97 = arith.constant 0 : i32
        %dma_start3A_98 = arith.constant 0 : i32
        %dma_start3A_99 = tpu.memref_slice %arg2[%add3A_96, %dma_start3A_97, %dma_start3A_98] : memref<2560x2x128xi32, #tpu.memory_space<hbm>> -> memref<1x1x128xi32, #tpu.memory_space<hbm>>
        %dma_start3A_100 = tpu.memref_squeeze %dma_start3A_99 : memref<1x1x128xi32, #tpu.memory_space<hbm>> -> memref<128xi32, #tpu.memory_space<hbm>>
        %dma_start3A_101 = arith.constant 0 : i32
        %dma_start3A_102 = tpu.memref_slice %arg2[%add3A_96, %dma_start3A_97, %dma_start3A_101] : memref<2560x2x128xi32, #tpu.memory_space<hbm>> -> memref<1x1x128xi32, #tpu.memory_space<hbm>>
        %dma_start3A_103 = tpu.memref_squeeze %dma_start3A_102 : memref<1x1x128xi32, #tpu.memory_space<hbm>> -> memref<128xi32, #tpu.memory_space<hbm>>
        tpu.enqueue_dma source(%dma_start3A_103 : memref<128xi32, #tpu.memory_space<hbm>>) target(%arg7 : memref<128xi32, #tpu.memory_space<vmem>>) target_semaphore(%arg14 : memref<!tpu.dma_semaphore, #tpu.memory_space<semaphore_mem>>)
        %add3A_104 = arith.addi %mul3A_2, %add3A_72 : i32
        %add3A_105 = arith.constant 2 : i32
        %add3A_106 = arith.addi %add3A_104, %add3A_105 : i32
        %dma_start3A_107 = arith.constant 1 : i32
        %dma_start3A_108 = arith.constant 0 : i32
        %dma_start3A_109 = tpu.memref_slice %arg2[%add3A_106, %dma_start3A_107, %dma_start3A_108] : memref<2560x2x128xi32, #tpu.memory_space<hbm>> -> memref<1x1x128xi32, #tpu.memory_space<hbm>>
        %dma_start3A_110 = tpu.memref_squeeze %dma_start3A_109 : memref<1x1x128xi32, #tpu.memory_space<hbm>> -> memref<128xi32, #tpu.memory_space<hbm>>
        %dma_start3A_111 = arith.constant 0 : i32
        %dma_start3A_112 = tpu.memref_slice %arg2[%add3A_106, %dma_start3A_107, %dma_start3A_111] : memref<2560x2x128xi32, #tpu.memory_space<hbm>> -> memref<1x1x128xi32, #tpu.memory_space<hbm>>
        %dma_start3A_113 = tpu.memref_squeeze %dma_start3A_112 : memref<1x1x128xi32, #tpu.memory_space<hbm>> -> memref<128xi32, #tpu.memory_space<hbm>>
        tpu.enqueue_dma source(%dma_start3A_113 : memref<128xi32, #tpu.memory_space<hbm>>) target(%arg9 : memref<128xi32, #tpu.memory_space<vmem>>) target_semaphore(%arg16 : memref<!tpu.dma_semaphore, #tpu.memory_space<semaphore_mem>>)
      } else {
      }
    }
    %scan3A_41 = arith.constant 40 : i32
    %barrier3A_42 = arith.constant 0 : index
    tpu.barrier barrier_id(%barrier3A_42)
    %mul3A_43 = arith.constant 640 : i32
    %mul3A_44 = arith.muli %arg1, %mul3A_43 : i32
    %mul3A_45 = arith.constant 640 : i32
    %mul3A_46 = arith.muli %arg1, %mul3A_45 : i32
    "tpu.region"() ({
      %run_scoped3A_47 = tpu.sem_alloc : memref<!tpu.dma_semaphore, #tpu.memory_space<semaphore_mem>>
      %dma_start3A_48 = arith.constant 0 : i32
      %dma_start3A_49 = tpu.memref_slice %arg5[%arg0, %mul3A_46, %dma_start3A_48] : memref<2x10240x16xf32, #tpu.memory_space<hbm>> -> memref<1x640x16xf32, #tpu.memory_space<hbm>>
      %dma_start3A_50 = tpu.memref_squeeze %dma_start3A_49 : memref<1x640x16xf32, #tpu.memory_space<hbm>> -> memref<640x16xf32, #tpu.memory_space<hbm>>
      %dma_start3A_51 = arith.constant 0 : i32
      %dma_start3A_52 = tpu.memref_slice %arg12[%mul3A_44, %dma_start3A_51] : memref<10240x16xf32, #tpu.memory_space<vmem_shared>> -> memref<640x16xf32, #tpu.memory_space<vmem_shared>>
      tpu.enqueue_dma source(%dma_start3A_52 : memref<640x16xf32, #tpu.memory_space<vmem_shared>>) target(%dma_start3A_50 : memref<640x16xf32, #tpu.memory_space<hbm>>) target_semaphore(%run_scoped3A_47 : memref<!tpu.dma_semaphore, #tpu.memory_space<semaphore_mem>>)
      %dma_wait3A = arith.constant 0 : i32
      %dma_wait3A_53 = tpu.memref_slice %arg5[%arg0, %mul3A_46, %dma_wait3A] : memref<2x10240x16xf32, #tpu.memory_space<hbm>> -> memref<1x640x16xf32, #tpu.memory_space<hbm>>
      %dma_wait3A_54 = tpu.memref_squeeze %dma_wait3A_53 : memref<1x640x16xf32, #tpu.memory_space<hbm>> -> memref<640x16xf32, #tpu.memory_space<hbm>>
      %dma_wait3A_55 = arith.constant 0 : i32
      %dma_wait3A_56 = tpu.memref_slice %arg12[%mul3A_44, %dma_wait3A_55] : memref<10240x16xf32, #tpu.memory_space<vmem_shared>> -> memref<640x16xf32, #tpu.memory_space<vmem_shared>>
      tpu.wait_dma2 semaphore(%run_scoped3A_47 : memref<!tpu.dma_semaphore, #tpu.memory_space<semaphore_mem>>) src(%dma_wait3A_56 : memref<640x16xf32, #tpu.memory_space<vmem_shared>>) dst(%dma_wait3A_54 : memref<640x16xf32, #tpu.memory_space<hbm>>)
      tpu.yield
    }) : () -> ()
    return
  }
}

#map = affine_map<(d0, d1) -> (0, 0)>
#map1 = affine_map<(d0, d1) -> (0, 0, 0)>
module attributes {stable_mosaic.version = 14 : i64} {
  func.func @agg_k(%arg0: i32, %arg1: i32, %arg2: memref<10240x128xf32, #tpu.memory_space<hbm>>, %arg3: memref<2560x2x128xi32, #tpu.memory_space<hbm>>, %arg4: memref<2x10240x128xf32, #tpu.memory_space<hbm>>, %arg5: memref<128xi32, #tpu.memory_space<vmem>>, %arg6: memref<128xi32, #tpu.memory_space<vmem>>, %arg7: memref<128xi32, #tpu.memory_space<vmem>>, %arg8: memref<128xi32, #tpu.memory_space<vmem>>, %arg9: memref<128x128xf32, #tpu.memory_space<vmem>>, %arg10: memref<128x128xf32, #tpu.memory_space<vmem>>, %arg11: memref<10240x128xf32, #tpu.memory_space<vmem_shared>>, %arg12: memref<!tpu.dma_semaphore, #tpu.memory_space<semaphore_mem>>, %arg13: memref<!tpu.dma_semaphore, #tpu.memory_space<semaphore_mem>>, %arg14: memref<!tpu.dma_semaphore, #tpu.memory_space<semaphore_mem>>, %arg15: memref<!tpu.dma_semaphore, #tpu.memory_space<semaphore_mem>>, %arg16: memref<!tpu.dma_semaphore, #tpu.memory_space<semaphore_mem>>, %arg17: memref<!tpu.dma_semaphore, #tpu.memory_space<semaphore_mem>>) attributes {dimension_semantics = [#tpu.dimension_semantics<core_parallel>, #tpu.dimension_semantics<subcore_parallel>], iteration_bounds = array<i64: 2, 16>, scalar_prefetch = 0 : i64, scratch_operands = 13 : i64, tpu.core_type = #tpu.core_type<sc_vector_subcore>, window_params = [{transform_indices = #map}, {transform_indices = #map1}, {transform_indices = #map1}]} {
    %eq3A = arith.constant 0 : i32
    %eq3A_0 = arith.cmpi eq, %arg0, %eq3A : i32
    %mul3A = arith.constant 120 : i32
    %mul3A_1 = arith.muli %arg1, %mul3A : i32
    %mul3A_2 = arith.constant 40 : i32
    %mul3A_3 = arith.muli %arg1, %mul3A_2 : i32
    %add3A = arith.constant 1920 : i32
    %add3A_4 = arith.addi %add3A, %mul3A_3 : i32
    %select_n3A = arith.select %eq3A_0, %mul3A_1, %add3A_4 : i32
    %eq3A_5 = arith.constant 0 : i32
    %eq3A_6 = arith.cmpi eq, %arg0, %eq3A_5 : i32
    %jit3A = arith.constant 120 : i32
    %jit3A_7 = arith.constant 40 : i32
    %select_n3A_8 = arith.select %eq3A_6, %jit3A, %jit3A_7 : i32
    %broadcast_in_dim3A = arith.constant 0.000000e+00 : f32
    %broadcast_in_dim3A_9 = vector.broadcast %broadcast_in_dim3A : f32 to vector<16xf32>
    %gt3A = arith.constant 0 : i32
    %gt3A_10 = arith.cmpi sgt, %select_n3A_8, %gt3A : i32
    %convert_element_type3A = arith.extui %gt3A_10 : i1 to i32
    %cond3A = arith.constant 0 : i32
    %cond3A_11 = arith.cmpi ne, %convert_element_type3A, %cond3A : i32
    scf.if %cond3A_11 {
      %scan3A = arith.constant 0 : i32
      %scan3A_52 = arith.constant 0 : i32
      %scan3A_53 = arith.constant 128 : i32
      %scan3A_54 = arith.addi %scan3A_52, %scan3A_53 : i32
      %scan3A_55 = arith.constant 1 : i32
      scf.for %scan3A_108 = %scan3A_52 to %scan3A_54 step %scan3A_55  : i32 {
        %swap3A = arith.index_cast %scan3A_108 : i32 to index
        %swap3A_109 = arith.constant 0 : index
        %swap3A_110 = tpu.vector_load %arg9[%swap3A, %swap3A_109] {strides = array<i32>} : memref<128x128xf32, #tpu.memory_space<vmem>>, vector<1x16xf32>,
        %swap3A_111 = vector.shape_cast %swap3A_110 : vector<1x16xf32> to vector<16xf32>
        %swap3A_112 = vector.shape_cast %broadcast_in_dim3A_9 : vector<16xf32> to vector<1x16xf32>
        tpu.vector_store %arg9[%swap3A, %swap3A_109], %swap3A_112 {strides = array<i32>} : memref<128x128xf32, #tpu.memory_space<vmem>>, vector<1x16xf32>,
        %swap3A_113 = arith.index_cast %scan3A_108 : i32 to index
        %swap3A_114 = arith.constant 16 : index
        %swap3A_115 = tpu.vector_load %arg9[%swap3A_113, %swap3A_114] {strides = array<i32>} : memref<128x128xf32, #tpu.memory_space<vmem>>, vector<1x16xf32>,
        %swap3A_116 = vector.shape_cast %swap3A_115 : vector<1x16xf32> to vector<16xf32>
        %swap3A_117 = vector.shape_cast %broadcast_in_dim3A_9 : vector<16xf32> to vector<1x16xf32>
        tpu.vector_store %arg9[%swap3A_113, %swap3A_114], %swap3A_117 {strides = array<i32>} : memref<128x128xf32, #tpu.memory_space<vmem>>, vector<1x16xf32>,
        %swap3A_118 = arith.index_cast %scan3A_108 : i32 to index
        %swap3A_119 = arith.constant 32 : index
        %swap3A_120 = tpu.vector_load %arg9[%swap3A_118, %swap3A_119] {strides = array<i32>} : memref<128x128xf32, #tpu.memory_space<vmem>>, vector<1x16xf32>,
        %swap3A_121 = vector.shape_cast %swap3A_120 : vector<1x16xf32> to vector<16xf32>
        %swap3A_122 = vector.shape_cast %broadcast_in_dim3A_9 : vector<16xf32> to vector<1x16xf32>
        tpu.vector_store %arg9[%swap3A_118, %swap3A_119], %swap3A_122 {strides = array<i32>} : memref<128x128xf32, #tpu.memory_space<vmem>>, vector<1x16xf32>,
        %swap3A_123 = arith.index_cast %scan3A_108 : i32 to index
        %swap3A_124 = arith.constant 48 : index
        %swap3A_125 = tpu.vector_load %arg9[%swap3A_123, %swap3A_124] {strides = array<i32>} : memref<128x128xf32, #tpu.memory_space<vmem>>, vector<1x16xf32>,
        %swap3A_126 = vector.shape_cast %swap3A_125 : vector<1x16xf32> to vector<16xf32>
        %swap3A_127 = vector.shape_cast %broadcast_in_dim3A_9 : vector<16xf32> to vector<1x16xf32>
        tpu.vector_store %arg9[%swap3A_123, %swap3A_124], %swap3A_127 {strides = array<i32>} : memref<128x128xf32, #tpu.memory_space<vmem>>, vector<1x16xf32>,
        %swap3A_128 = arith.index_cast %scan3A_108 : i32 to index
        %swap3A_129 = arith.constant 64 : index
        %swap3A_130 = tpu.vector_load %arg9[%swap3A_128, %swap3A_129] {strides = array<i32>} : memref<128x128xf32, #tpu.memory_space<vmem>>, vector<1x16xf32>,
        %swap3A_131 = vector.shape_cast %swap3A_130 : vector<1x16xf32> to vector<16xf32>
        %swap3A_132 = vector.shape_cast %broadcast_in_dim3A_9 : vector<16xf32> to vector<1x16xf32>
        tpu.vector_store %arg9[%swap3A_128, %swap3A_129], %swap3A_132 {strides = array<i32>} : memref<128x128xf32, #tpu.memory_space<vmem>>, vector<1x16xf32>,
        %swap3A_133 = arith.index_cast %scan3A_108 : i32 to index
        %swap3A_134 = arith.constant 80 : index
        %swap3A_135 = tpu.vector_load %arg9[%swap3A_133, %swap3A_134] {strides = array<i32>} : memref<128x128xf32, #tpu.memory_space<vmem>>, vector<1x16xf32>,
        %swap3A_136 = vector.shape_cast %swap3A_135 : vector<1x16xf32> to vector<16xf32>
        %swap3A_137 = vector.shape_cast %broadcast_in_dim3A_9 : vector<16xf32> to vector<1x16xf32>
        tpu.vector_store %arg9[%swap3A_133, %swap3A_134], %swap3A_137 {strides = array<i32>} : memref<128x128xf32, #tpu.memory_space<vmem>>, vector<1x16xf32>,
        %swap3A_138 = arith.index_cast %scan3A_108 : i32 to index
        %swap3A_139 = arith.constant 96 : index
        %swap3A_140 = tpu.vector_load %arg9[%swap3A_138, %swap3A_139] {strides = array<i32>} : memref<128x128xf32, #tpu.memory_space<vmem>>, vector<1x16xf32>,
        %swap3A_141 = vector.shape_cast %swap3A_140 : vector<1x16xf32> to vector<16xf32>
        %swap3A_142 = vector.shape_cast %broadcast_in_dim3A_9 : vector<16xf32> to vector<1x16xf32>
        tpu.vector_store %arg9[%swap3A_138, %swap3A_139], %swap3A_142 {strides = array<i32>} : memref<128x128xf32, #tpu.memory_space<vmem>>, vector<1x16xf32>,
        %swap3A_143 = arith.index_cast %scan3A_108 : i32 to index
        %swap3A_144 = arith.constant 112 : index
        %swap3A_145 = tpu.vector_load %arg9[%swap3A_143, %swap3A_144] {strides = array<i32>} : memref<128x128xf32, #tpu.memory_space<vmem>>, vector<1x16xf32>,
        %swap3A_146 = vector.shape_cast %swap3A_145 : vector<1x16xf32> to vector<16xf32>
        %swap3A_147 = vector.shape_cast %broadcast_in_dim3A_9 : vector<16xf32> to vector<1x16xf32>
        tpu.vector_store %arg9[%swap3A_143, %swap3A_144], %swap3A_147 {strides = array<i32>} : memref<128x128xf32, #tpu.memory_space<vmem>>, vector<1x16xf32>,
      }
      %scan3A_56 = arith.constant 128 : i32
      %mul3A_57 = arith.constant 640 : i32
      %mul3A_58 = arith.muli %arg1, %mul3A_57 : i32
      %add3A_59 = arith.constant 0 : i32
      %add3A_60 = arith.addi %mul3A_58, %add3A_59 : i32
      "tpu.region"() ({
        %run_scoped3A = tpu.sem_alloc : memref<!tpu.dma_semaphore, #tpu.memory_space<semaphore_mem>>
        %dma_start3A_108 = arith.constant 0 : i32
        %dma_start3A_109 = tpu.memref_slice %arg11[%add3A_60, %dma_start3A_108] : memref<10240x128xf32, #tpu.memory_space<vmem_shared>> -> memref<128x128xf32, #tpu.memory_space<vmem_shared>>
        %dma_start3A_110 = arith.constant 0 : i32
        %dma_start3A_111 = tpu.memref_slice %arg11[%add3A_60, %dma_start3A_110] : memref<10240x128xf32, #tpu.memory_space<vmem_shared>> -> memref<128x128xf32, #tpu.memory_space<vmem_shared>>
        tpu.enqueue_dma source(%arg9 : memref<128x128xf32, #tpu.memory_space<vmem>>) target(%dma_start3A_111 : memref<128x128xf32, #tpu.memory_space<vmem_shared>>) target_semaphore(%run_scoped3A : memref<!tpu.dma_semaphore, #tpu.memory_space<semaphore_mem>>)
        %dma_wait3A = arith.constant 0 : i32
        %dma_wait3A_112 = tpu.memref_slice %arg11[%add3A_60, %dma_wait3A] : memref<10240x128xf32, #tpu.memory_space<vmem_shared>> -> memref<128x128xf32, #tpu.memory_space<vmem_shared>>
        %dma_wait3A_113 = arith.constant 0 : i32
        %dma_wait3A_114 = tpu.memref_slice %arg11[%add3A_60, %dma_wait3A_113] : memref<10240x128xf32, #tpu.memory_space<vmem_shared>> -> memref<128x128xf32, #tpu.memory_space<vmem_shared>>
        tpu.wait_dma2 semaphore(%run_scoped3A : memref<!tpu.dma_semaphore, #tpu.memory_space<semaphore_mem>>) src(%arg9 : memref<128x128xf32, #tpu.memory_space<vmem>>) dst(%dma_wait3A_114 : memref<128x128xf32, #tpu.memory_space<vmem_shared>>)
        tpu.yield
      }) : () -> ()
      %mul3A_61 = arith.constant 640 : i32
      %mul3A_62 = arith.muli %arg1, %mul3A_61 : i32
      %add3A_63 = arith.constant 128 : i32
      %add3A_64 = arith.addi %mul3A_62, %add3A_63 : i32
      "tpu.region"() ({
        %run_scoped3A = tpu.sem_alloc : memref<!tpu.dma_semaphore, #tpu.memory_space<semaphore_mem>>
        %dma_start3A_108 = arith.constant 0 : i32
        %dma_start3A_109 = tpu.memref_slice %arg11[%add3A_64, %dma_start3A_108] : memref<10240x128xf32, #tpu.memory_space<vmem_shared>> -> memref<128x128xf32, #tpu.memory_space<vmem_shared>>
        %dma_start3A_110 = arith.constant 0 : i32
        %dma_start3A_111 = tpu.memref_slice %arg11[%add3A_64, %dma_start3A_110] : memref<10240x128xf32, #tpu.memory_space<vmem_shared>> -> memref<128x128xf32, #tpu.memory_space<vmem_shared>>
        tpu.enqueue_dma source(%arg9 : memref<128x128xf32, #tpu.memory_space<vmem>>) target(%dma_start3A_111 : memref<128x128xf32, #tpu.memory_space<vmem_shared>>) target_semaphore(%run_scoped3A : memref<!tpu.dma_semaphore, #tpu.memory_space<semaphore_mem>>)
        %dma_wait3A = arith.constant 0 : i32
        %dma_wait3A_112 = tpu.memref_slice %arg11[%add3A_64, %dma_wait3A] : memref<10240x128xf32, #tpu.memory_space<vmem_shared>> -> memref<128x128xf32, #tpu.memory_space<vmem_shared>>
        %dma_wait3A_113 = arith.constant 0 : i32
        %dma_wait3A_114 = tpu.memref_slice %arg11[%add3A_64, %dma_wait3A_113] : memref<10240x128xf32, #tpu.memory_space<vmem_shared>> -> memref<128x128xf32, #tpu.memory_space<vmem_shared>>
        tpu.wait_dma2 semaphore(%run_scoped3A : memref<!tpu.dma_semaphore, #tpu.memory_space<semaphore_mem>>) src(%arg9 : memref<128x128xf32, #tpu.memory_space<vmem>>) dst(%dma_wait3A_114 : memref<128x128xf32, #tpu.memory_space<vmem_shared>>)
        tpu.yield
      }) : () -> ()
      %mul3A_65 = arith.constant 640 : i32
      %mul3A_66 = arith.muli %arg1, %mul3A_65 : i32
      %add3A_67 = arith.constant 256 : i32
      %add3A_68 = arith.addi %mul3A_66, %add3A_67 : i32
      "tpu.region"() ({
        %run_scoped3A = tpu.sem_alloc : memref<!tpu.dma_semaphore, #tpu.memory_space<semaphore_mem>>
        %dma_start3A_108 = arith.constant 0 : i32
        %dma_start3A_109 = tpu.memref_slice %arg11[%add3A_68, %dma_start3A_108] : memref<10240x128xf32, #tpu.memory_space<vmem_shared>> -> memref<128x128xf32, #tpu.memory_space<vmem_shared>>
        %dma_start3A_110 = arith.constant 0 : i32
        %dma_start3A_111 = tpu.memref_slice %arg11[%add3A_68, %dma_start3A_110] : memref<10240x128xf32, #tpu.memory_space<vmem_shared>> -> memref<128x128xf32, #tpu.memory_space<vmem_shared>>
        tpu.enqueue_dma source(%arg9 : memref<128x128xf32, #tpu.memory_space<vmem>>) target(%dma_start3A_111 : memref<128x128xf32, #tpu.memory_space<vmem_shared>>) target_semaphore(%run_scoped3A : memref<!tpu.dma_semaphore, #tpu.memory_space<semaphore_mem>>)
        %dma_wait3A = arith.constant 0 : i32
        %dma_wait3A_112 = tpu.memref_slice %arg11[%add3A_68, %dma_wait3A] : memref<10240x128xf32, #tpu.memory_space<vmem_shared>> -> memref<128x128xf32, #tpu.memory_space<vmem_shared>>
        %dma_wait3A_113 = arith.constant 0 : i32
        %dma_wait3A_114 = tpu.memref_slice %arg11[%add3A_68, %dma_wait3A_113] : memref<10240x128xf32, #tpu.memory_space<vmem_shared>> -> memref<128x128xf32, #tpu.memory_space<vmem_shared>>
        tpu.wait_dma2 semaphore(%run_scoped3A : memref<!tpu.dma_semaphore, #tpu.memory_space<semaphore_mem>>) src(%arg9 : memref<128x128xf32, #tpu.memory_space<vmem>>) dst(%dma_wait3A_114 : memref<128x128xf32, #tpu.memory_space<vmem_shared>>)
        tpu.yield
      }) : () -> ()
      %mul3A_69 = arith.constant 640 : i32
      %mul3A_70 = arith.muli %arg1, %mul3A_69 : i32
      %add3A_71 = arith.constant 384 : i32
      %add3A_72 = arith.addi %mul3A_70, %add3A_71 : i32
      "tpu.region"() ({
        %run_scoped3A = tpu.sem_alloc : memref<!tpu.dma_semaphore, #tpu.memory_space<semaphore_mem>>
        %dma_start3A_108 = arith.constant 0 : i32
        %dma_start3A_109 = tpu.memref_slice %arg11[%add3A_72, %dma_start3A_108] : memref<10240x128xf32, #tpu.memory_space<vmem_shared>> -> memref<128x128xf32, #tpu.memory_space<vmem_shared>>
        %dma_start3A_110 = arith.constant 0 : i32
        %dma_start3A_111 = tpu.memref_slice %arg11[%add3A_72, %dma_start3A_110] : memref<10240x128xf32, #tpu.memory_space<vmem_shared>> -> memref<128x128xf32, #tpu.memory_space<vmem_shared>>
        tpu.enqueue_dma source(%arg9 : memref<128x128xf32, #tpu.memory_space<vmem>>) target(%dma_start3A_111 : memref<128x128xf32, #tpu.memory_space<vmem_shared>>) target_semaphore(%run_scoped3A : memref<!tpu.dma_semaphore, #tpu.memory_space<semaphore_mem>>)
        %dma_wait3A = arith.constant 0 : i32
        %dma_wait3A_112 = tpu.memref_slice %arg11[%add3A_72, %dma_wait3A] : memref<10240x128xf32, #tpu.memory_space<vmem_shared>> -> memref<128x128xf32, #tpu.memory_space<vmem_shared>>
        %dma_wait3A_113 = arith.constant 0 : i32
        %dma_wait3A_114 = tpu.memref_slice %arg11[%add3A_72, %dma_wait3A_113] : memref<10240x128xf32, #tpu.memory_space<vmem_shared>> -> memref<128x128xf32, #tpu.memory_space<vmem_shared>>
        tpu.wait_dma2 semaphore(%run_scoped3A : memref<!tpu.dma_semaphore, #tpu.memory_space<semaphore_mem>>) src(%arg9 : memref<128x128xf32, #tpu.memory_space<vmem>>) dst(%dma_wait3A_114 : memref<128x128xf32, #tpu.memory_space<vmem_shared>>)
        tpu.yield
      }) : () -> ()
      %mul3A_73 = arith.constant 640 : i32
      %mul3A_74 = arith.muli %arg1, %mul3A_73 : i32
      %add3A_75 = arith.constant 512 : i32
      %add3A_76 = arith.addi %mul3A_74, %add3A_75 : i32
      "tpu.region"() ({
        %run_scoped3A = tpu.sem_alloc : memref<!tpu.dma_semaphore, #tpu.memory_space<semaphore_mem>>
        %dma_start3A_108 = arith.constant 0 : i32
        %dma_start3A_109 = tpu.memref_slice %arg11[%add3A_76, %dma_start3A_108] : memref<10240x128xf32, #tpu.memory_space<vmem_shared>> -> memref<128x128xf32, #tpu.memory_space<vmem_shared>>
        %dma_start3A_110 = arith.constant 0 : i32
        %dma_start3A_111 = tpu.memref_slice %arg11[%add3A_76, %dma_start3A_110] : memref<10240x128xf32, #tpu.memory_space<vmem_shared>> -> memref<128x128xf32, #tpu.memory_space<vmem_shared>>
        tpu.enqueue_dma source(%arg9 : memref<128x128xf32, #tpu.memory_space<vmem>>) target(%dma_start3A_111 : memref<128x128xf32, #tpu.memory_space<vmem_shared>>) target_semaphore(%run_scoped3A : memref<!tpu.dma_semaphore, #tpu.memory_space<semaphore_mem>>)
        %dma_wait3A = arith.constant 0 : i32
        %dma_wait3A_112 = tpu.memref_slice %arg11[%add3A_76, %dma_wait3A] : memref<10240x128xf32, #tpu.memory_space<vmem_shared>> -> memref<128x128xf32, #tpu.memory_space<vmem_shared>>
        %dma_wait3A_113 = arith.constant 0 : i32
        %dma_wait3A_114 = tpu.memref_slice %arg11[%add3A_76, %dma_wait3A_113] : memref<10240x128xf32, #tpu.memory_space<vmem_shared>> -> memref<128x128xf32, #tpu.memory_space<vmem_shared>>
        tpu.wait_dma2 semaphore(%run_scoped3A : memref<!tpu.dma_semaphore, #tpu.memory_space<semaphore_mem>>) src(%arg9 : memref<128x128xf32, #tpu.memory_space<vmem>>) dst(%dma_wait3A_114 : memref<128x128xf32, #tpu.memory_space<vmem_shared>>)
        tpu.yield
      }) : () -> ()
      %dma_start3A = arith.constant 0 : i32
      %dma_start3A_77 = arith.constant 0 : i32
      %dma_start3A_78 = tpu.memref_slice %arg3[%select_n3A, %dma_start3A, %dma_start3A_77] : memref<2560x2x128xi32, #tpu.memory_space<hbm>> -> memref<1x1x128xi32, #tpu.memory_space<hbm>>
      %dma_start3A_79 = tpu.memref_squeeze %dma_start3A_78 : memref<1x1x128xi32, #tpu.memory_space<hbm>> -> memref<128xi32, #tpu.memory_space<hbm>>
      %dma_start3A_80 = arith.constant 0 : i32
      %dma_start3A_81 = tpu.memref_slice %arg3[%select_n3A, %dma_start3A, %dma_start3A_80] : memref<2560x2x128xi32, #tpu.memory_space<hbm>> -> memref<1x1x128xi32, #tpu.memory_space<hbm>>
      %dma_start3A_82 = tpu.memref_squeeze %dma_start3A_81 : memref<1x1x128xi32, #tpu.memory_space<hbm>> -> memref<128xi32, #tpu.memory_space<hbm>>
      tpu.enqueue_dma source(%dma_start3A_82 : memref<128xi32, #tpu.memory_space<hbm>>) target(%arg5 : memref<128xi32, #tpu.memory_space<vmem>>) target_semaphore(%arg14 : memref<!tpu.dma_semaphore, #tpu.memory_space<semaphore_mem>>)
      %dma_start3A_83 = arith.constant 1 : i32
      %dma_start3A_84 = arith.constant 0 : i32
      %dma_start3A_85 = tpu.memref_slice %arg3[%select_n3A, %dma_start3A_83, %dma_start3A_84] : memref<2560x2x128xi32, #tpu.memory_space<hbm>> -> memref<1x1x128xi32, #tpu.memory_space<hbm>>
      %dma_start3A_86 = tpu.memref_squeeze %dma_start3A_85 : memref<1x1x128xi32, #tpu.memory_space<hbm>> -> memref<128xi32, #tpu.memory_space<hbm>>
      %dma_start3A_87 = arith.constant 0 : i32
      %dma_start3A_88 = tpu.memref_slice %arg3[%select_n3A, %dma_start3A_83, %dma_start3A_87] : memref<2560x2x128xi32, #tpu.memory_space<hbm>> -> memref<1x1x128xi32, #tpu.memory_space<hbm>>
      %dma_start3A_89 = tpu.memref_squeeze %dma_start3A_88 : memref<1x1x128xi32, #tpu.memory_space<hbm>> -> memref<128xi32, #tpu.memory_space<hbm>>
      tpu.enqueue_dma source(%dma_start3A_89 : memref<128xi32, #tpu.memory_space<hbm>>) target(%arg7 : memref<128xi32, #tpu.memory_space<vmem>>) target_semaphore(%arg16 : memref<!tpu.dma_semaphore, #tpu.memory_space<semaphore_mem>>)
      %add3A_90 = arith.constant 1 : i32
      %add3A_91 = arith.addi %select_n3A, %add3A_90 : i32
      %dma_start3A_92 = arith.constant 0 : i32
      %dma_start3A_93 = arith.constant 0 : i32
      %dma_start3A_94 = tpu.memref_slice %arg3[%add3A_91, %dma_start3A_92, %dma_start3A_93] : memref<2560x2x128xi32, #tpu.memory_space<hbm>> -> memref<1x1x128xi32, #tpu.memory_space<hbm>>
      %dma_start3A_95 = tpu.memref_squeeze %dma_start3A_94 : memref<1x1x128xi32, #tpu.memory_space<hbm>> -> memref<128xi32, #tpu.memory_space<hbm>>
      %dma_start3A_96 = arith.constant 0 : i32
      %dma_start3A_97 = tpu.memref_slice %arg3[%add3A_91, %dma_start3A_92, %dma_start3A_96] : memref<2560x2x128xi32, #tpu.memory_space<hbm>> -> memref<1x1x128xi32, #tpu.memory_space<hbm>>
      %dma_start3A_98 = tpu.memref_squeeze %dma_start3A_97 : memref<1x1x128xi32, #tpu.memory_space<hbm>> -> memref<128xi32, #tpu.memory_space<hbm>>
      tpu.enqueue_dma source(%dma_start3A_98 : memref<128xi32, #tpu.memory_space<hbm>>) target(%arg6 : memref<128xi32, #tpu.memory_space<vmem>>) target_semaphore(%arg15 : memref<!tpu.dma_semaphore, #tpu.memory_space<semaphore_mem>>)
      %add3A_99 = arith.constant 1 : i32
      %add3A_100 = arith.addi %select_n3A, %add3A_99 : i32
      %dma_start3A_101 = arith.constant 1 : i32
      %dma_start3A_102 = arith.constant 0 : i32
      %dma_start3A_103 = tpu.memref_slice %arg3[%add3A_100, %dma_start3A_101, %dma_start3A_102] : memref<2560x2x128xi32, #tpu.memory_space<hbm>> -> memref<1x1x128xi32, #tpu.memory_space<hbm>>
      %dma_start3A_104 = tpu.memref_squeeze %dma_start3A_103 : memref<1x1x128xi32, #tpu.memory_space<hbm>> -> memref<128xi32, #tpu.memory_space<hbm>>
      %dma_start3A_105 = arith.constant 0 : i32
      %dma_start3A_106 = tpu.memref_slice %arg3[%add3A_100, %dma_start3A_101, %dma_start3A_105] : memref<2560x2x128xi32, #tpu.memory_space<hbm>> -> memref<1x1x128xi32, #tpu.memory_space<hbm>>
      %dma_start3A_107 = tpu.memref_squeeze %dma_start3A_106 : memref<1x1x128xi32, #tpu.memory_space<hbm>> -> memref<128xi32, #tpu.memory_space<hbm>>
      tpu.enqueue_dma source(%dma_start3A_107 : memref<128xi32, #tpu.memory_space<hbm>>) target(%arg8 : memref<128xi32, #tpu.memory_space<vmem>>) target_semaphore(%arg17 : memref<!tpu.dma_semaphore, #tpu.memory_space<semaphore_mem>>)
    } else {
    }
    %barrier3A = arith.constant 0 : index
    tpu.barrier barrier_id(%barrier3A)
    %gt3A_12 = arith.constant 0 : i32
    %gt3A_13 = arith.cmpi sgt, %select_n3A_8, %gt3A_12 : i32
    %convert_element_type3A_14 = arith.extui %gt3A_13 : i1 to i32
    %cond3A_15 = arith.constant 0 : i32
    %cond3A_16 = arith.cmpi ne, %convert_element_type3A_14, %cond3A_15 : i32
    scf.if %cond3A_16 {
      %dma_wait3A = arith.constant 0 : i32
      %dma_wait3A_52 = arith.constant 0 : i32
      %dma_wait3A_53 = tpu.memref_slice %arg3[%select_n3A, %dma_wait3A, %dma_wait3A_52] : memref<2560x2x128xi32, #tpu.memory_space<hbm>> -> memref<1x1x128xi32, #tpu.memory_space<hbm>>
      %dma_wait3A_54 = tpu.memref_squeeze %dma_wait3A_53 : memref<1x1x128xi32, #tpu.memory_space<hbm>> -> memref<128xi32, #tpu.memory_space<hbm>>
      %dma_wait3A_55 = arith.constant 0 : i32
      %dma_wait3A_56 = tpu.memref_slice %arg3[%select_n3A, %dma_wait3A, %dma_wait3A_55] : memref<2560x2x128xi32, #tpu.memory_space<hbm>> -> memref<1x1x128xi32, #tpu.memory_space<hbm>>
      %dma_wait3A_57 = tpu.memref_squeeze %dma_wait3A_56 : memref<1x1x128xi32, #tpu.memory_space<hbm>> -> memref<128xi32, #tpu.memory_space<hbm>>
      tpu.wait_dma2 semaphore(%arg14 : memref<!tpu.dma_semaphore, #tpu.memory_space<semaphore_mem>>) src(%dma_wait3A_57 : memref<128xi32, #tpu.memory_space<hbm>>) dst(%arg5 : memref<128xi32, #tpu.memory_space<vmem>>)
      %dma_start3A = arith.constant 0 : i32
      %dma_start3A_58 = arith.constant 0 : i32
      %dma_start3A_59 = tpu.memref_slice %arg2[%dma_start3A, %dma_start3A_58] : memref<10240x128xf32, #tpu.memory_space<hbm>> -> memref<10240x128xf32, #tpu.memory_space<hbm>>
      tpu.enqueue_indirect_dma source(%dma_start3A_59 : memref<10240x128xf32, #tpu.memory_space<hbm>>) target(%arg9 : memref<128x128xf32, #tpu.memory_space<vmem>>) offsets(%arg5 : memref<128xi32, #tpu.memory_space<vmem>>) semaphore(%arg12 : memref<!tpu.dma_semaphore, #tpu.memory_space<semaphore_mem>>)
    } else {
    }
    %add3A_17 = arith.constant 1 : i32
    %add3A_18 = arith.addi %select_n3A_8, %add3A_17 : i32
    %jit3A_19 = arith.constant 2 : i32
    %div3A = arith.divsi %add3A_18, %jit3A_19 : i32
    %sign3A = arith.constant 0 : i32
    %sign3A_20 = arith.cmpi sgt, %add3A_18, %sign3A : i32
    %sign3A_21 = arith.extui %sign3A_20 : i1 to i32
    %sign3A_22 = arith.constant 0 : i32
    %sign3A_23 = arith.cmpi slt, %add3A_18, %sign3A_22 : i32
    %sign3A_24 = arith.extui %sign3A_23 : i1 to i32
    %sign3A_25 = arith.subi %sign3A_21, %sign3A_24 : i32
    %sign3A_26 = arith.constant 0 : i32
    %sign3A_27 = arith.cmpi sgt, %jit3A_19, %sign3A_26 : i32
    %sign3A_28 = arith.extui %sign3A_27 : i1 to i32
    %sign3A_29 = arith.constant 0 : i32
    %sign3A_30 = arith.cmpi slt, %jit3A_19, %sign3A_29 : i32
    %sign3A_31 = arith.extui %sign3A_30 : i1 to i32
    %sign3A_32 = arith.subi %sign3A_28, %sign3A_31 : i32
    %ne3A = arith.cmpi ne, %sign3A_25, %sign3A_32 : i32
    %rem3A = arith.remsi %add3A_18, %jit3A_19 : i32
    %ne3A_33 = arith.constant 0 : i32
    %ne3A_34 = arith.cmpi ne, %rem3A, %ne3A_33 : i32
    %and3A = arith.andi %ne3A, %ne3A_34 : i1
    %sub3A = arith.constant 1 : i32
    %sub3A_35 = arith.subi %div3A, %sub3A : i32
    %select_n3A_36 = arith.select %and3A, %sub3A_35, %div3A : i32
    %while3A = arith.constant 0 : i32
    %while3A_37 = arith.constant 0 : i32
    %while3A_38 = arith.subi %select_n3A_36, %while3A_37 : i32
    %while3A_39 = arith.addi %while3A_37, %while3A_38 : i32
    %while3A_40 = arith.constant 1 : i32
    %while3A_41 = arith.divsi %while3A_38, %while3A_40 : i32
    %while3A_42 = arith.muli %while3A_41, %while3A_40 : i32
    %while3A_43 = arith.addi %while3A_37, %while3A_42 : i32
    %while3A_44 = arith.constant 1 : i32
    scf.for %while3A_52 = %while3A_37 to %while3A_43 step %while3A_44  : i32 {
      %mul3A_53 = arith.constant 2 : i32
      %mul3A_54 = arith.muli %while3A_52, %mul3A_53 : i32
      %add3A_55 = arith.constant 0 : i32
      %add3A_56 = arith.addi %mul3A_54, %add3A_55 : i32
      %sub3A_57 = arith.constant 1 : i32
      %sub3A_58 = arith.subi %select_n3A_8, %sub3A_57 : i32
      %lt3A = arith.cmpi slt, %add3A_56, %sub3A_58 : i32
      %convert_element_type3A_59 = arith.extui %lt3A : i1 to i32
      %cond3A_60 = arith.constant 0 : i32
      %cond3A_61 = arith.cmpi ne, %convert_element_type3A_59, %cond3A_60 : i32
      scf.if %cond3A_61 {
        %add3A_105 = arith.addi %select_n3A, %add3A_56 : i32
        %add3A_106 = arith.constant 1 : i32
        %add3A_107 = arith.addi %add3A_105, %add3A_106 : i32
        %dma_wait3A_108 = arith.constant 0 : i32
        %dma_wait3A_109 = arith.constant 0 : i32
        %dma_wait3A_110 = tpu.memref_slice %arg3[%add3A_107, %dma_wait3A_108, %dma_wait3A_109] : memref<2560x2x128xi32, #tpu.memory_space<hbm>> -> memref<1x1x128xi32, #tpu.memory_space<hbm>>
        %dma_wait3A_111 = tpu.memref_squeeze %dma_wait3A_110 : memref<1x1x128xi32, #tpu.memory_space<hbm>> -> memref<128xi32, #tpu.memory_space<hbm>>
        %dma_wait3A_112 = arith.constant 0 : i32
        %dma_wait3A_113 = tpu.memref_slice %arg3[%add3A_107, %dma_wait3A_108, %dma_wait3A_112] : memref<2560x2x128xi32, #tpu.memory_space<hbm>> -> memref<1x1x128xi32, #tpu.memory_space<hbm>>
        %dma_wait3A_114 = tpu.memref_squeeze %dma_wait3A_113 : memref<1x1x128xi32, #tpu.memory_space<hbm>> -> memref<128xi32, #tpu.memory_space<hbm>>
        tpu.wait_dma2 semaphore(%arg15 : memref<!tpu.dma_semaphore, #tpu.memory_space<semaphore_mem>>) src(%dma_wait3A_114 : memref<128xi32, #tpu.memory_space<hbm>>) dst(%arg6 : memref<128xi32, #tpu.memory_space<vmem>>)
        %dma_start3A = arith.constant 0 : i32
        %dma_start3A_115 = arith.constant 0 : i32
        %dma_start3A_116 = tpu.memref_slice %arg2[%dma_start3A, %dma_start3A_115] : memref<10240x128xf32, #tpu.memory_space<hbm>> -> memref<10240x128xf32, #tpu.memory_space<hbm>>
        tpu.enqueue_indirect_dma source(%dma_start3A_116 : memref<10240x128xf32, #tpu.memory_space<hbm>>) target(%arg10 : memref<128x128xf32, #tpu.memory_space<vmem>>) offsets(%arg6 : memref<128xi32, #tpu.memory_space<vmem>>) semaphore(%arg13 : memref<!tpu.dma_semaphore, #tpu.memory_space<semaphore_mem>>)
      } else {
      }
      %dma_wait3A = arith.constant 0 : i32
      %dma_wait3A_62 = arith.constant 0 : i32
      %dma_wait3A_63 = tpu.memref_slice %arg2[%dma_wait3A, %dma_wait3A_62] : memref<10240x128xf32, #tpu.memory_space<hbm>> -> memref<10240x128xf32, #tpu.memory_space<hbm>>
      tpu.wait_indirect_dma semaphore(%arg12 : memref<!tpu.dma_semaphore, #tpu.memory_space<semaphore_mem>>) src(%dma_wait3A_63 : memref<10240x128xf32, #tpu.memory_space<hbm>>) dst(%arg9 : memref<128x128xf32, #tpu.memory_space<vmem>>)
      %add3A_64 = arith.addi %select_n3A, %add3A_56 : i32
      %dma_wait3A_65 = arith.constant 1 : i32
      %dma_wait3A_66 = arith.constant 0 : i32
      %dma_wait3A_67 = tpu.memref_slice %arg3[%add3A_64, %dma_wait3A_65, %dma_wait3A_66] : memref<2560x2x128xi32, #tpu.memory_space<hbm>> -> memref<1x1x128xi32, #tpu.memory_space<hbm>>
      %dma_wait3A_68 = tpu.memref_squeeze %dma_wait3A_67 : memref<1x1x128xi32, #tpu.memory_space<hbm>> -> memref<128xi32, #tpu.memory_space<hbm>>
      %dma_wait3A_69 = arith.constant 0 : i32
      %dma_wait3A_70 = tpu.memref_slice %arg3[%add3A_64, %dma_wait3A_65, %dma_wait3A_69] : memref<2560x2x128xi32, #tpu.memory_space<hbm>> -> memref<1x1x128xi32, #tpu.memory_space<hbm>>
      %dma_wait3A_71 = tpu.memref_squeeze %dma_wait3A_70 : memref<1x1x128xi32, #tpu.memory_space<hbm>> -> memref<128xi32, #tpu.memory_space<hbm>>
      tpu.wait_dma2 semaphore(%arg16 : memref<!tpu.dma_semaphore, #tpu.memory_space<semaphore_mem>>) src(%dma_wait3A_71 : memref<128xi32, #tpu.memory_space<hbm>>) dst(%arg7 : memref<128xi32, #tpu.memory_space<vmem>>)
      "tpu.region"() ({
        %run_scoped3A = tpu.sem_alloc : memref<!tpu.dma_semaphore, #tpu.memory_space<semaphore_mem>>
        %dma_start3A = arith.constant 0 : i32
        %dma_start3A_105 = arith.constant 0 : i32
        %dma_start3A_106 = tpu.memref_slice %arg11[%dma_start3A, %dma_start3A_105] : memref<10240x128xf32, #tpu.memory_space<vmem_shared>> -> memref<10240x128xf32, #tpu.memory_space<vmem_shared>>
        tpu.enqueue_indirect_dma source(%arg9 : memref<128x128xf32, #tpu.memory_space<vmem>>) target(%dma_start3A_106 : memref<10240x128xf32, #tpu.memory_space<vmem_shared>>) offsets(%arg7 : memref<128xi32, #tpu.memory_space<vmem>>) semaphore(%run_scoped3A : memref<!tpu.dma_semaphore, #tpu.memory_space<semaphore_mem>>) {add = true}
        %dma_wait3A_107 = arith.constant 0 : i32
        %dma_wait3A_108 = arith.constant 0 : i32
        %dma_wait3A_109 = tpu.memref_slice %arg11[%dma_wait3A_107, %dma_wait3A_108] : memref<10240x128xf32, #tpu.memory_space<vmem_shared>> -> memref<10240x128xf32, #tpu.memory_space<vmem_shared>>
        tpu.wait_indirect_dma semaphore(%run_scoped3A : memref<!tpu.dma_semaphore, #tpu.memory_space<semaphore_mem>>) src(%arg9 : memref<128x128xf32, #tpu.memory_space<vmem>>) dst(%dma_wait3A_109 : memref<10240x128xf32, #tpu.memory_space<vmem_shared>>)
        tpu.yield
      }) : () -> ()
      %sub3A_72 = arith.constant 2 : i32
      %sub3A_73 = arith.subi %select_n3A_8, %sub3A_72 : i32
      %lt3A_74 = arith.cmpi slt, %add3A_56, %sub3A_73 : i32
      %convert_element_type3A_75 = arith.extui %lt3A_74 : i1 to i32
      %cond3A_76 = arith.constant 0 : i32
      %cond3A_77 = arith.cmpi ne, %convert_element_type3A_75, %cond3A_76 : i32
      scf.if %cond3A_77 {
        %add3A_105 = arith.addi %select_n3A, %add3A_56 : i32
        %add3A_106 = arith.constant 2 : i32
        %add3A_107 = arith.addi %add3A_105, %add3A_106 : i32
        %dma_start3A = arith.constant 0 : i32
        %dma_start3A_108 = arith.constant 0 : i32
        %dma_start3A_109 = tpu.memref_slice %arg3[%add3A_107, %dma_start3A, %dma_start3A_108] : memref<2560x2x128xi32, #tpu.memory_space<hbm>> -> memref<1x1x128xi32, #tpu.memory_space<hbm>>
        %dma_start3A_110 = tpu.memref_squeeze %dma_start3A_109 : memref<1x1x128xi32, #tpu.memory_space<hbm>> -> memref<128xi32, #tpu.memory_space<hbm>>
        %dma_start3A_111 = arith.constant 0 : i32
        %dma_start3A_112 = tpu.memref_slice %arg3[%add3A_107, %dma_start3A, %dma_start3A_111] : memref<2560x2x128xi32, #tpu.memory_space<hbm>> -> memref<1x1x128xi32, #tpu.memory_space<hbm>>
        %dma_start3A_113 = tpu.memref_squeeze %dma_start3A_112 : memref<1x1x128xi32, #tpu.memory_space<hbm>> -> memref<128xi32, #tpu.memory_space<hbm>>
        tpu.enqueue_dma source(%dma_start3A_113 : memref<128xi32, #tpu.memory_space<hbm>>) target(%arg5 : memref<128xi32, #tpu.memory_space<vmem>>) target_semaphore(%arg14 : memref<!tpu.dma_semaphore, #tpu.memory_space<semaphore_mem>>)
        %add3A_114 = arith.addi %select_n3A, %add3A_56 : i32
        %add3A_115 = arith.constant 2 : i32
        %add3A_116 = arith.addi %add3A_114, %add3A_115 : i32
        %dma_start3A_117 = arith.constant 1 : i32
        %dma_start3A_118 = arith.constant 0 : i32
        %dma_start3A_119 = tpu.memref_slice %arg3[%add3A_116, %dma_start3A_117, %dma_start3A_118] : memref<2560x2x128xi32, #tpu.memory_space<hbm>> -> memref<1x1x128xi32, #tpu.memory_space<hbm>>
        %dma_start3A_120 = tpu.memref_squeeze %dma_start3A_119 : memref<1x1x128xi32, #tpu.memory_space<hbm>> -> memref<128xi32, #tpu.memory_space<hbm>>
        %dma_start3A_121 = arith.constant 0 : i32
        %dma_start3A_122 = tpu.memref_slice %arg3[%add3A_116, %dma_start3A_117, %dma_start3A_121] : memref<2560x2x128xi32, #tpu.memory_space<hbm>> -> memref<1x1x128xi32, #tpu.memory_space<hbm>>
        %dma_start3A_123 = tpu.memref_squeeze %dma_start3A_122 : memref<1x1x128xi32, #tpu.memory_space<hbm>> -> memref<128xi32, #tpu.memory_space<hbm>>
        tpu.enqueue_dma source(%dma_start3A_123 : memref<128xi32, #tpu.memory_space<hbm>>) target(%arg7 : memref<128xi32, #tpu.memory_space<vmem>>) target_semaphore(%arg16 : memref<!tpu.dma_semaphore, #tpu.memory_space<semaphore_mem>>)
      } else {
      }
      %mul3A_78 = arith.constant 2 : i32
      %mul3A_79 = arith.muli %while3A_52, %mul3A_78 : i32
      %add3A_80 = arith.constant 1 : i32
      %add3A_81 = arith.addi %mul3A_79, %add3A_80 : i32
      %sub3A_82 = arith.constant 1 : i32
      %sub3A_83 = arith.subi %select_n3A_8, %sub3A_82 : i32
      %lt3A_84 = arith.cmpi slt, %add3A_81, %sub3A_83 : i32
      %convert_element_type3A_85 = arith.extui %lt3A_84 : i1 to i32
      %cond3A_86 = arith.constant 0 : i32
      %cond3A_87 = arith.cmpi ne, %convert_element_type3A_85, %cond3A_86 : i32
      scf.if %cond3A_87 {
        %add3A_105 = arith.addi %select_n3A, %add3A_81 : i32
        %add3A_106 = arith.constant 1 : i32
        %add3A_107 = arith.addi %add3A_105, %add3A_106 : i32
        %dma_wait3A_108 = arith.constant 0 : i32
        %dma_wait3A_109 = arith.constant 0 : i32
        %dma_wait3A_110 = tpu.memref_slice %arg3[%add3A_107, %dma_wait3A_108, %dma_wait3A_109] : memref<2560x2x128xi32, #tpu.memory_space<hbm>> -> memref<1x1x128xi32, #tpu.memory_space<hbm>>
        %dma_wait3A_111 = tpu.memref_squeeze %dma_wait3A_110 : memref<1x1x128xi32, #tpu.memory_space<hbm>> -> memref<128xi32, #tpu.memory_space<hbm>>
        %dma_wait3A_112 = arith.constant 0 : i32
        %dma_wait3A_113 = tpu.memref_slice %arg3[%add3A_107, %dma_wait3A_108, %dma_wait3A_112] : memref<2560x2x128xi32, #tpu.memory_space<hbm>> -> memref<1x1x128xi32, #tpu.memory_space<hbm>>
        %dma_wait3A_114 = tpu.memref_squeeze %dma_wait3A_113 : memref<1x1x128xi32, #tpu.memory_space<hbm>> -> memref<128xi32, #tpu.memory_space<hbm>>
        tpu.wait_dma2 semaphore(%arg14 : memref<!tpu.dma_semaphore, #tpu.memory_space<semaphore_mem>>) src(%dma_wait3A_114 : memref<128xi32, #tpu.memory_space<hbm>>) dst(%arg5 : memref<128xi32, #tpu.memory_space<vmem>>)
        %dma_start3A = arith.constant 0 : i32
        %dma_start3A_115 = arith.constant 0 : i32
        %dma_start3A_116 = tpu.memref_slice %arg2[%dma_start3A, %dma_start3A_115] : memref<10240x128xf32, #tpu.memory_space<hbm>> -> memref<10240x128xf32, #tpu.memory_space<hbm>>
        tpu.enqueue_indirect_dma source(%dma_start3A_116 : memref<10240x128xf32, #tpu.memory_space<hbm>>) target(%arg9 : memref<128x128xf32, #tpu.memory_space<vmem>>) offsets(%arg5 : memref<128xi32, #tpu.memory_space<vmem>>) semaphore(%arg12 : memref<!tpu.dma_semaphore, #tpu.memory_space<semaphore_mem>>)
      } else {
      }
      %dma_wait3A_88 = arith.constant 0 : i32
      %dma_wait3A_89 = arith.constant 0 : i32
      %dma_wait3A_90 = tpu.memref_slice %arg2[%dma_wait3A_88, %dma_wait3A_89] : memref<10240x128xf32, #tpu.memory_space<hbm>> -> memref<10240x128xf32, #tpu.memory_space<hbm>>
      tpu.wait_indirect_dma semaphore(%arg13 : memref<!tpu.dma_semaphore, #tpu.memory_space<semaphore_mem>>) src(%dma_wait3A_90 : memref<10240x128xf32, #tpu.memory_space<hbm>>) dst(%arg10 : memref<128x128xf32, #tpu.memory_space<vmem>>)
      %add3A_91 = arith.addi %select_n3A, %add3A_81 : i32
      %dma_wait3A_92 = arith.constant 1 : i32
      %dma_wait3A_93 = arith.constant 0 : i32
      %dma_wait3A_94 = tpu.memref_slice %arg3[%add3A_91, %dma_wait3A_92, %dma_wait3A_93] : memref<2560x2x128xi32, #tpu.memory_space<hbm>> -> memref<1x1x128xi32, #tpu.memory_space<hbm>>
      %dma_wait3A_95 = tpu.memref_squeeze %dma_wait3A_94 : memref<1x1x128xi32, #tpu.memory_space<hbm>> -> memref<128xi32, #tpu.memory_space<hbm>>
      %dma_wait3A_96 = arith.constant 0 : i32
      %dma_wait3A_97 = tpu.memref_slice %arg3[%add3A_91, %dma_wait3A_92, %dma_wait3A_96] : memref<2560x2x128xi32, #tpu.memory_space<hbm>> -> memref<1x1x128xi32, #tpu.memory_space<hbm>>
      %dma_wait3A_98 = tpu.memref_squeeze %dma_wait3A_97 : memref<1x1x128xi32, #tpu.memory_space<hbm>> -> memref<128xi32, #tpu.memory_space<hbm>>
      tpu.wait_dma2 semaphore(%arg17 : memref<!tpu.dma_semaphore, #tpu.memory_space<semaphore_mem>>) src(%dma_wait3A_98 : memref<128xi32, #tpu.memory_space<hbm>>) dst(%arg8 : memref<128xi32, #tpu.memory_space<vmem>>)
      "tpu.region"() ({
        %run_scoped3A = tpu.sem_alloc : memref<!tpu.dma_semaphore, #tpu.memory_space<semaphore_mem>>
        %dma_start3A = arith.constant 0 : i32
        %dma_start3A_105 = arith.constant 0 : i32
        %dma_start3A_106 = tpu.memref_slice %arg11[%dma_start3A, %dma_start3A_105] : memref<10240x128xf32, #tpu.memory_space<vmem_shared>> -> memref<10240x128xf32, #tpu.memory_space<vmem_shared>>
        tpu.enqueue_indirect_dma source(%arg10 : memref<128x128xf32, #tpu.memory_space<vmem>>) target(%dma_start3A_106 : memref<10240x128xf32, #tpu.memory_space<vmem_shared>>) offsets(%arg8 : memref<128xi32, #tpu.memory_space<vmem>>) semaphore(%run_scoped3A : memref<!tpu.dma_semaphore, #tpu.memory_space<semaphore_mem>>) {add = true}
        %dma_wait3A_107 = arith.constant 0 : i32
        %dma_wait3A_108 = arith.constant 0 : i32
        %dma_wait3A_109 = tpu.memref_slice %arg11[%dma_wait3A_107, %dma_wait3A_108] : memref<10240x128xf32, #tpu.memory_space<vmem_shared>> -> memref<10240x128xf32, #tpu.memory_space<vmem_shared>>
        tpu.wait_indirect_dma semaphore(%run_scoped3A : memref<!tpu.dma_semaphore, #tpu.memory_space<semaphore_mem>>) src(%arg10 : memref<128x128xf32, #tpu.memory_space<vmem>>) dst(%dma_wait3A_109 : memref<10240x128xf32, #tpu.memory_space<vmem_shared>>)
        tpu.yield
      }) : () -> ()
      %sub3A_99 = arith.constant 2 : i32
      %sub3A_100 = arith.subi %select_n3A_8, %sub3A_99 : i32
      %lt3A_101 = arith.cmpi slt, %add3A_81, %sub3A_100 : i32
      %convert_element_type3A_102 = arith.extui %lt3A_101 : i1 to i32
      %cond3A_103 = arith.constant 0 : i32
      %cond3A_104 = arith.cmpi ne, %convert_element_type3A_102, %cond3A_103 : i32
      scf.if %cond3A_104 {
        %add3A_105 = arith.addi %select_n3A, %add3A_81 : i32
        %add3A_106 = arith.constant 2 : i32
        %add3A_107 = arith.addi %add3A_105, %add3A_106 : i32
        %dma_start3A = arith.constant 0 : i32
        %dma_start3A_108 = arith.constant 0 : i32
        %dma_start3A_109 = tpu.memref_slice %arg3[%add3A_107, %dma_start3A, %dma_start3A_108] : memref<2560x2x128xi32, #tpu.memory_space<hbm>> -> memref<1x1x128xi32, #tpu.memory_space<hbm>>
        %dma_start3A_110 = tpu.memref_squeeze %dma_start3A_109 : memref<1x1x128xi32, #tpu.memory_space<hbm>> -> memref<128xi32, #tpu.memory_space<hbm>>
        %dma_start3A_111 = arith.constant 0 : i32
        %dma_start3A_112 = tpu.memref_slice %arg3[%add3A_107, %dma_start3A, %dma_start3A_111] : memref<2560x2x128xi32, #tpu.memory_space<hbm>> -> memref<1x1x128xi32, #tpu.memory_space<hbm>>
        %dma_start3A_113 = tpu.memref_squeeze %dma_start3A_112 : memref<1x1x128xi32, #tpu.memory_space<hbm>> -> memref<128xi32, #tpu.memory_space<hbm>>
        tpu.enqueue_dma source(%dma_start3A_113 : memref<128xi32, #tpu.memory_space<hbm>>) target(%arg6 : memref<128xi32, #tpu.memory_space<vmem>>) target_semaphore(%arg15 : memref<!tpu.dma_semaphore, #tpu.memory_space<semaphore_mem>>)
        %add3A_114 = arith.addi %select_n3A, %add3A_81 : i32
        %add3A_115 = arith.constant 2 : i32
        %add3A_116 = arith.addi %add3A_114, %add3A_115 : i32
        %dma_start3A_117 = arith.constant 1 : i32
        %dma_start3A_118 = arith.constant 0 : i32
        %dma_start3A_119 = tpu.memref_slice %arg3[%add3A_116, %dma_start3A_117, %dma_start3A_118] : memref<2560x2x128xi32, #tpu.memory_space<hbm>> -> memref<1x1x128xi32, #tpu.memory_space<hbm>>
        %dma_start3A_120 = tpu.memref_squeeze %dma_start3A_119 : memref<1x1x128xi32, #tpu.memory_space<hbm>> -> memref<128xi32, #tpu.memory_space<hbm>>
        %dma_start3A_121 = arith.constant 0 : i32
        %dma_start3A_122 = tpu.memref_slice %arg3[%add3A_116, %dma_start3A_117, %dma_start3A_121] : memref<2560x2x128xi32, #tpu.memory_space<hbm>> -> memref<1x1x128xi32, #tpu.memory_space<hbm>>
        %dma_start3A_123 = tpu.memref_squeeze %dma_start3A_122 : memref<1x1x128xi32, #tpu.memory_space<hbm>> -> memref<128xi32, #tpu.memory_space<hbm>>
        tpu.enqueue_dma source(%dma_start3A_123 : memref<128xi32, #tpu.memory_space<hbm>>) target(%arg8 : memref<128xi32, #tpu.memory_space<vmem>>) target_semaphore(%arg17 : memref<!tpu.dma_semaphore, #tpu.memory_space<semaphore_mem>>)
      } else {
      }
    }
    %while3A_45 = arith.constant 1 : i32
    scf.for %while3A_52 = %while3A_43 to %while3A_39 step %while3A_45  : i32 {
      %mul3A_53 = arith.constant 2 : i32
      %mul3A_54 = arith.muli %while3A_52, %mul3A_53 : i32
      %add3A_55 = arith.constant 0 : i32
      %add3A_56 = arith.addi %mul3A_54, %add3A_55 : i32
      %sub3A_57 = arith.constant 1 : i32
      %sub3A_58 = arith.subi %select_n3A_8, %sub3A_57 : i32
      %lt3A = arith.cmpi slt, %add3A_56, %sub3A_58 : i32
      %convert_element_type3A_59 = arith.extui %lt3A : i1 to i32
      %cond3A_60 = arith.constant 0 : i32
      %cond3A_61 = arith.cmpi ne, %convert_element_type3A_59, %cond3A_60 : i32
      scf.if %cond3A_61 {
        %add3A_105 = arith.addi %select_n3A, %add3A_56 : i32
        %add3A_106 = arith.constant 1 : i32
        %add3A_107 = arith.addi %add3A_105, %add3A_106 : i32
        %dma_wait3A_108 = arith.constant 0 : i32
        %dma_wait3A_109 = arith.constant 0 : i32
        %dma_wait3A_110 = tpu.memref_slice %arg3[%add3A_107, %dma_wait3A_108, %dma_wait3A_109] : memref<2560x2x128xi32, #tpu.memory_space<hbm>> -> memref<1x1x128xi32, #tpu.memory_space<hbm>>
        %dma_wait3A_111 = tpu.memref_squeeze %dma_wait3A_110 : memref<1x1x128xi32, #tpu.memory_space<hbm>> -> memref<128xi32, #tpu.memory_space<hbm>>
        %dma_wait3A_112 = arith.constant 0 : i32
        %dma_wait3A_113 = tpu.memref_slice %arg3[%add3A_107, %dma_wait3A_108, %dma_wait3A_112] : memref<2560x2x128xi32, #tpu.memory_space<hbm>> -> memref<1x1x128xi32, #tpu.memory_space<hbm>>
        %dma_wait3A_114 = tpu.memref_squeeze %dma_wait3A_113 : memref<1x1x128xi32, #tpu.memory_space<hbm>> -> memref<128xi32, #tpu.memory_space<hbm>>
        tpu.wait_dma2 semaphore(%arg15 : memref<!tpu.dma_semaphore, #tpu.memory_space<semaphore_mem>>) src(%dma_wait3A_114 : memref<128xi32, #tpu.memory_space<hbm>>) dst(%arg6 : memref<128xi32, #tpu.memory_space<vmem>>)
        %dma_start3A = arith.constant 0 : i32
        %dma_start3A_115 = arith.constant 0 : i32
        %dma_start3A_116 = tpu.memref_slice %arg2[%dma_start3A, %dma_start3A_115] : memref<10240x128xf32, #tpu.memory_space<hbm>> -> memref<10240x128xf32, #tpu.memory_space<hbm>>
        tpu.enqueue_indirect_dma source(%dma_start3A_116 : memref<10240x128xf32, #tpu.memory_space<hbm>>) target(%arg10 : memref<128x128xf32, #tpu.memory_space<vmem>>) offsets(%arg6 : memref<128xi32, #tpu.memory_space<vmem>>) semaphore(%arg13 : memref<!tpu.dma_semaphore, #tpu.memory_space<semaphore_mem>>)
      } else {
      }
      %dma_wait3A = arith.constant 0 : i32
      %dma_wait3A_62 = arith.constant 0 : i32
      %dma_wait3A_63 = tpu.memref_slice %arg2[%dma_wait3A, %dma_wait3A_62] : memref<10240x128xf32, #tpu.memory_space<hbm>> -> memref<10240x128xf32, #tpu.memory_space<hbm>>
      tpu.wait_indirect_dma semaphore(%arg12 : memref<!tpu.dma_semaphore, #tpu.memory_space<semaphore_mem>>) src(%dma_wait3A_63 : memref<10240x128xf32, #tpu.memory_space<hbm>>) dst(%arg9 : memref<128x128xf32, #tpu.memory_space<vmem>>)
      %add3A_64 = arith.addi %select_n3A, %add3A_56 : i32
      %dma_wait3A_65 = arith.constant 1 : i32
      %dma_wait3A_66 = arith.constant 0 : i32
      %dma_wait3A_67 = tpu.memref_slice %arg3[%add3A_64, %dma_wait3A_65, %dma_wait3A_66] : memref<2560x2x128xi32, #tpu.memory_space<hbm>> -> memref<1x1x128xi32, #tpu.memory_space<hbm>>
      %dma_wait3A_68 = tpu.memref_squeeze %dma_wait3A_67 : memref<1x1x128xi32, #tpu.memory_space<hbm>> -> memref<128xi32, #tpu.memory_space<hbm>>
      %dma_wait3A_69 = arith.constant 0 : i32
      %dma_wait3A_70 = tpu.memref_slice %arg3[%add3A_64, %dma_wait3A_65, %dma_wait3A_69] : memref<2560x2x128xi32, #tpu.memory_space<hbm>> -> memref<1x1x128xi32, #tpu.memory_space<hbm>>
      %dma_wait3A_71 = tpu.memref_squeeze %dma_wait3A_70 : memref<1x1x128xi32, #tpu.memory_space<hbm>> -> memref<128xi32, #tpu.memory_space<hbm>>
      tpu.wait_dma2 semaphore(%arg16 : memref<!tpu.dma_semaphore, #tpu.memory_space<semaphore_mem>>) src(%dma_wait3A_71 : memref<128xi32, #tpu.memory_space<hbm>>) dst(%arg7 : memref<128xi32, #tpu.memory_space<vmem>>)
      "tpu.region"() ({
        %run_scoped3A = tpu.sem_alloc : memref<!tpu.dma_semaphore, #tpu.memory_space<semaphore_mem>>
        %dma_start3A = arith.constant 0 : i32
        %dma_start3A_105 = arith.constant 0 : i32
        %dma_start3A_106 = tpu.memref_slice %arg11[%dma_start3A, %dma_start3A_105] : memref<10240x128xf32, #tpu.memory_space<vmem_shared>> -> memref<10240x128xf32, #tpu.memory_space<vmem_shared>>
        tpu.enqueue_indirect_dma source(%arg9 : memref<128x128xf32, #tpu.memory_space<vmem>>) target(%dma_start3A_106 : memref<10240x128xf32, #tpu.memory_space<vmem_shared>>) offsets(%arg7 : memref<128xi32, #tpu.memory_space<vmem>>) semaphore(%run_scoped3A : memref<!tpu.dma_semaphore, #tpu.memory_space<semaphore_mem>>) {add = true}
        %dma_wait3A_107 = arith.constant 0 : i32
        %dma_wait3A_108 = arith.constant 0 : i32
        %dma_wait3A_109 = tpu.memref_slice %arg11[%dma_wait3A_107, %dma_wait3A_108] : memref<10240x128xf32, #tpu.memory_space<vmem_shared>> -> memref<10240x128xf32, #tpu.memory_space<vmem_shared>>
        tpu.wait_indirect_dma semaphore(%run_scoped3A : memref<!tpu.dma_semaphore, #tpu.memory_space<semaphore_mem>>) src(%arg9 : memref<128x128xf32, #tpu.memory_space<vmem>>) dst(%dma_wait3A_109 : memref<10240x128xf32, #tpu.memory_space<vmem_shared>>)
        tpu.yield
      }) : () -> ()
      %sub3A_72 = arith.constant 2 : i32
      %sub3A_73 = arith.subi %select_n3A_8, %sub3A_72 : i32
      %lt3A_74 = arith.cmpi slt, %add3A_56, %sub3A_73 : i32
      %convert_element_type3A_75 = arith.extui %lt3A_74 : i1 to i32
      %cond3A_76 = arith.constant 0 : i32
      %cond3A_77 = arith.cmpi ne, %convert_element_type3A_75, %cond3A_76 : i32
      scf.if %cond3A_77 {
        %add3A_105 = arith.addi %select_n3A, %add3A_56 : i32
        %add3A_106 = arith.constant 2 : i32
        %add3A_107 = arith.addi %add3A_105, %add3A_106 : i32
        %dma_start3A = arith.constant 0 : i32
        %dma_start3A_108 = arith.constant 0 : i32
        %dma_start3A_109 = tpu.memref_slice %arg3[%add3A_107, %dma_start3A, %dma_start3A_108] : memref<2560x2x128xi32, #tpu.memory_space<hbm>> -> memref<1x1x128xi32, #tpu.memory_space<hbm>>
        %dma_start3A_110 = tpu.memref_squeeze %dma_start3A_109 : memref<1x1x128xi32, #tpu.memory_space<hbm>> -> memref<128xi32, #tpu.memory_space<hbm>>
        %dma_start3A_111 = arith.constant 0 : i32
        %dma_start3A_112 = tpu.memref_slice %arg3[%add3A_107, %dma_start3A, %dma_start3A_111] : memref<2560x2x128xi32, #tpu.memory_space<hbm>> -> memref<1x1x128xi32, #tpu.memory_space<hbm>>
        %dma_start3A_113 = tpu.memref_squeeze %dma_start3A_112 : memref<1x1x128xi32, #tpu.memory_space<hbm>> -> memref<128xi32, #tpu.memory_space<hbm>>
        tpu.enqueue_dma source(%dma_start3A_113 : memref<128xi32, #tpu.memory_space<hbm>>) target(%arg5 : memref<128xi32, #tpu.memory_space<vmem>>) target_semaphore(%arg14 : memref<!tpu.dma_semaphore, #tpu.memory_space<semaphore_mem>>)
        %add3A_114 = arith.addi %select_n3A, %add3A_56 : i32
        %add3A_115 = arith.constant 2 : i32
        %add3A_116 = arith.addi %add3A_114, %add3A_115 : i32
        %dma_start3A_117 = arith.constant 1 : i32
        %dma_start3A_118 = arith.constant 0 : i32
        %dma_start3A_119 = tpu.memref_slice %arg3[%add3A_116, %dma_start3A_117, %dma_start3A_118] : memref<2560x2x128xi32, #tpu.memory_space<hbm>> -> memref<1x1x128xi32, #tpu.memory_space<hbm>>
        %dma_start3A_120 = tpu.memref_squeeze %dma_start3A_119 : memref<1x1x128xi32, #tpu.memory_space<hbm>> -> memref<128xi32, #tpu.memory_space<hbm>>
        %dma_start3A_121 = arith.constant 0 : i32
        %dma_start3A_122 = tpu.memref_slice %arg3[%add3A_116, %dma_start3A_117, %dma_start3A_121] : memref<2560x2x128xi32, #tpu.memory_space<hbm>> -> memref<1x1x128xi32, #tpu.memory_space<hbm>>
        %dma_start3A_123 = tpu.memref_squeeze %dma_start3A_122 : memref<1x1x128xi32, #tpu.memory_space<hbm>> -> memref<128xi32, #tpu.memory_space<hbm>>
        tpu.enqueue_dma source(%dma_start3A_123 : memref<128xi32, #tpu.memory_space<hbm>>) target(%arg7 : memref<128xi32, #tpu.memory_space<vmem>>) target_semaphore(%arg16 : memref<!tpu.dma_semaphore, #tpu.memory_space<semaphore_mem>>)
      } else {
      }
      %mul3A_78 = arith.constant 2 : i32
      %mul3A_79 = arith.muli %while3A_52, %mul3A_78 : i32
      %add3A_80 = arith.constant 1 : i32
      %add3A_81 = arith.addi %mul3A_79, %add3A_80 : i32
      %sub3A_82 = arith.constant 1 : i32
      %sub3A_83 = arith.subi %select_n3A_8, %sub3A_82 : i32
      %lt3A_84 = arith.cmpi slt, %add3A_81, %sub3A_83 : i32
      %convert_element_type3A_85 = arith.extui %lt3A_84 : i1 to i32
      %cond3A_86 = arith.constant 0 : i32
      %cond3A_87 = arith.cmpi ne, %convert_element_type3A_85, %cond3A_86 : i32
      scf.if %cond3A_87 {
        %add3A_105 = arith.addi %select_n3A, %add3A_81 : i32
        %add3A_106 = arith.constant 1 : i32
        %add3A_107 = arith.addi %add3A_105, %add3A_106 : i32
        %dma_wait3A_108 = arith.constant 0 : i32
        %dma_wait3A_109 = arith.constant 0 : i32
        %dma_wait3A_110 = tpu.memref_slice %arg3[%add3A_107, %dma_wait3A_108, %dma_wait3A_109] : memref<2560x2x128xi32, #tpu.memory_space<hbm>> -> memref<1x1x128xi32, #tpu.memory_space<hbm>>
        %dma_wait3A_111 = tpu.memref_squeeze %dma_wait3A_110 : memref<1x1x128xi32, #tpu.memory_space<hbm>> -> memref<128xi32, #tpu.memory_space<hbm>>
        %dma_wait3A_112 = arith.constant 0 : i32
        %dma_wait3A_113 = tpu.memref_slice %arg3[%add3A_107, %dma_wait3A_108, %dma_wait3A_112] : memref<2560x2x128xi32, #tpu.memory_space<hbm>> -> memref<1x1x128xi32, #tpu.memory_space<hbm>>
        %dma_wait3A_114 = tpu.memref_squeeze %dma_wait3A_113 : memref<1x1x128xi32, #tpu.memory_space<hbm>> -> memref<128xi32, #tpu.memory_space<hbm>>
        tpu.wait_dma2 semaphore(%arg14 : memref<!tpu.dma_semaphore, #tpu.memory_space<semaphore_mem>>) src(%dma_wait3A_114 : memref<128xi32, #tpu.memory_space<hbm>>) dst(%arg5 : memref<128xi32, #tpu.memory_space<vmem>>)
        %dma_start3A = arith.constant 0 : i32
        %dma_start3A_115 = arith.constant 0 : i32
        %dma_start3A_116 = tpu.memref_slice %arg2[%dma_start3A, %dma_start3A_115] : memref<10240x128xf32, #tpu.memory_space<hbm>> -> memref<10240x128xf32, #tpu.memory_space<hbm>>
        tpu.enqueue_indirect_dma source(%dma_start3A_116 : memref<10240x128xf32, #tpu.memory_space<hbm>>) target(%arg9 : memref<128x128xf32, #tpu.memory_space<vmem>>) offsets(%arg5 : memref<128xi32, #tpu.memory_space<vmem>>) semaphore(%arg12 : memref<!tpu.dma_semaphore, #tpu.memory_space<semaphore_mem>>)
      } else {
      }
      %dma_wait3A_88 = arith.constant 0 : i32
      %dma_wait3A_89 = arith.constant 0 : i32
      %dma_wait3A_90 = tpu.memref_slice %arg2[%dma_wait3A_88, %dma_wait3A_89] : memref<10240x128xf32, #tpu.memory_space<hbm>> -> memref<10240x128xf32, #tpu.memory_space<hbm>>
      tpu.wait_indirect_dma semaphore(%arg13 : memref<!tpu.dma_semaphore, #tpu.memory_space<semaphore_mem>>) src(%dma_wait3A_90 : memref<10240x128xf32, #tpu.memory_space<hbm>>) dst(%arg10 : memref<128x128xf32, #tpu.memory_space<vmem>>)
      %add3A_91 = arith.addi %select_n3A, %add3A_81 : i32
      %dma_wait3A_92 = arith.constant 1 : i32
      %dma_wait3A_93 = arith.constant 0 : i32
      %dma_wait3A_94 = tpu.memref_slice %arg3[%add3A_91, %dma_wait3A_92, %dma_wait3A_93] : memref<2560x2x128xi32, #tpu.memory_space<hbm>> -> memref<1x1x128xi32, #tpu.memory_space<hbm>>
      %dma_wait3A_95 = tpu.memref_squeeze %dma_wait3A_94 : memref<1x1x128xi32, #tpu.memory_space<hbm>> -> memref<128xi32, #tpu.memory_space<hbm>>
      %dma_wait3A_96 = arith.constant 0 : i32
      %dma_wait3A_97 = tpu.memref_slice %arg3[%add3A_91, %dma_wait3A_92, %dma_wait3A_96] : memref<2560x2x128xi32, #tpu.memory_space<hbm>> -> memref<1x1x128xi32, #tpu.memory_space<hbm>>
      %dma_wait3A_98 = tpu.memref_squeeze %dma_wait3A_97 : memref<1x1x128xi32, #tpu.memory_space<hbm>> -> memref<128xi32, #tpu.memory_space<hbm>>
      tpu.wait_dma2 semaphore(%arg17 : memref<!tpu.dma_semaphore, #tpu.memory_space<semaphore_mem>>) src(%dma_wait3A_98 : memref<128xi32, #tpu.memory_space<hbm>>) dst(%arg8 : memref<128xi32, #tpu.memory_space<vmem>>)
      "tpu.region"() ({
        %run_scoped3A = tpu.sem_alloc : memref<!tpu.dma_semaphore, #tpu.memory_space<semaphore_mem>>
        %dma_start3A = arith.constant 0 : i32
        %dma_start3A_105 = arith.constant 0 : i32
        %dma_start3A_106 = tpu.memref_slice %arg11[%dma_start3A, %dma_start3A_105] : memref<10240x128xf32, #tpu.memory_space<vmem_shared>> -> memref<10240x128xf32, #tpu.memory_space<vmem_shared>>
        tpu.enqueue_indirect_dma source(%arg10 : memref<128x128xf32, #tpu.memory_space<vmem>>) target(%dma_start3A_106 : memref<10240x128xf32, #tpu.memory_space<vmem_shared>>) offsets(%arg8 : memref<128xi32, #tpu.memory_space<vmem>>) semaphore(%run_scoped3A : memref<!tpu.dma_semaphore, #tpu.memory_space<semaphore_mem>>) {add = true}
        %dma_wait3A_107 = arith.constant 0 : i32
        %dma_wait3A_108 = arith.constant 0 : i32
        %dma_wait3A_109 = tpu.memref_slice %arg11[%dma_wait3A_107, %dma_wait3A_108] : memref<10240x128xf32, #tpu.memory_space<vmem_shared>> -> memref<10240x128xf32, #tpu.memory_space<vmem_shared>>
        tpu.wait_indirect_dma semaphore(%run_scoped3A : memref<!tpu.dma_semaphore, #tpu.memory_space<semaphore_mem>>) src(%arg10 : memref<128x128xf32, #tpu.memory_space<vmem>>) dst(%dma_wait3A_109 : memref<10240x128xf32, #tpu.memory_space<vmem_shared>>)
        tpu.yield
      }) : () -> ()
      %sub3A_99 = arith.constant 2 : i32
      %sub3A_100 = arith.subi %select_n3A_8, %sub3A_99 : i32
      %lt3A_101 = arith.cmpi slt, %add3A_81, %sub3A_100 : i32
      %convert_element_type3A_102 = arith.extui %lt3A_101 : i1 to i32
      %cond3A_103 = arith.constant 0 : i32
      %cond3A_104 = arith.cmpi ne, %convert_element_type3A_102, %cond3A_103 : i32
      scf.if %cond3A_104 {
        %add3A_105 = arith.addi %select_n3A, %add3A_81 : i32
        %add3A_106 = arith.constant 2 : i32
        %add3A_107 = arith.addi %add3A_105, %add3A_106 : i32
        %dma_start3A = arith.constant 0 : i32
        %dma_start3A_108 = arith.constant 0 : i32
        %dma_start3A_109 = tpu.memref_slice %arg3[%add3A_107, %dma_start3A, %dma_start3A_108] : memref<2560x2x128xi32, #tpu.memory_space<hbm>> -> memref<1x1x128xi32, #tpu.memory_space<hbm>>
        %dma_start3A_110 = tpu.memref_squeeze %dma_start3A_109 : memref<1x1x128xi32, #tpu.memory_space<hbm>> -> memref<128xi32, #tpu.memory_space<hbm>>
        %dma_start3A_111 = arith.constant 0 : i32
        %dma_start3A_112 = tpu.memref_slice %arg3[%add3A_107, %dma_start3A, %dma_start3A_111] : memref<2560x2x128xi32, #tpu.memory_space<hbm>> -> memref<1x1x128xi32, #tpu.memory_space<hbm>>
        %dma_start3A_113 = tpu.memref_squeeze %dma_start3A_112 : memref<1x1x128xi32, #tpu.memory_space<hbm>> -> memref<128xi32, #tpu.memory_space<hbm>>
        tpu.enqueue_dma source(%dma_start3A_113 : memref<128xi32, #tpu.memory_space<hbm>>) target(%arg6 : memref<128xi32, #tpu.memory_space<vmem>>) target_semaphore(%arg15 : memref<!tpu.dma_semaphore, #tpu.memory_space<semaphore_mem>>)
        %add3A_114 = arith.addi %select_n3A, %add3A_81 : i32
        %add3A_115 = arith.constant 2 : i32
        %add3A_116 = arith.addi %add3A_114, %add3A_115 : i32
        %dma_start3A_117 = arith.constant 1 : i32
        %dma_start3A_118 = arith.constant 0 : i32
        %dma_start3A_119 = tpu.memref_slice %arg3[%add3A_116, %dma_start3A_117, %dma_start3A_118] : memref<2560x2x128xi32, #tpu.memory_space<hbm>> -> memref<1x1x128xi32, #tpu.memory_space<hbm>>
        %dma_start3A_120 = tpu.memref_squeeze %dma_start3A_119 : memref<1x1x128xi32, #tpu.memory_space<hbm>> -> memref<128xi32, #tpu.memory_space<hbm>>
        %dma_start3A_121 = arith.constant 0 : i32
        %dma_start3A_122 = tpu.memref_slice %arg3[%add3A_116, %dma_start3A_117, %dma_start3A_121] : memref<2560x2x128xi32, #tpu.memory_space<hbm>> -> memref<1x1x128xi32, #tpu.memory_space<hbm>>
        %dma_start3A_123 = tpu.memref_squeeze %dma_start3A_122 : memref<1x1x128xi32, #tpu.memory_space<hbm>> -> memref<128xi32, #tpu.memory_space<hbm>>
        tpu.enqueue_dma source(%dma_start3A_123 : memref<128xi32, #tpu.memory_space<hbm>>) target(%arg8 : memref<128xi32, #tpu.memory_space<vmem>>) target_semaphore(%arg17 : memref<!tpu.dma_semaphore, #tpu.memory_space<semaphore_mem>>)
      } else {
      }
    }
    %barrier3A_46 = arith.constant 0 : index
    tpu.barrier barrier_id(%barrier3A_46)
    %gt3A_47 = arith.constant 0 : i32
    %gt3A_48 = arith.cmpi sgt, %select_n3A_8, %gt3A_47 : i32
    %convert_element_type3A_49 = arith.extui %gt3A_48 : i1 to i32
    %cond3A_50 = arith.constant 0 : i32
    %cond3A_51 = arith.cmpi ne, %convert_element_type3A_49, %cond3A_50 : i32
    scf.if %cond3A_51 {
      %mul3A_52 = arith.constant 640 : i32
      %mul3A_53 = arith.muli %arg1, %mul3A_52 : i32
      %mul3A_54 = arith.constant 640 : i32
      %mul3A_55 = arith.muli %arg1, %mul3A_54 : i32
      "tpu.region"() ({
        %run_scoped3A = tpu.sem_alloc : memref<!tpu.dma_semaphore, #tpu.memory_space<semaphore_mem>>
        %dma_start3A = arith.constant 0 : i32
        %dma_start3A_56 = tpu.memref_slice %arg4[%arg0, %mul3A_55, %dma_start3A] : memref<2x10240x128xf32, #tpu.memory_space<hbm>> -> memref<1x640x128xf32, #tpu.memory_space<hbm>>
        %dma_start3A_57 = tpu.memref_squeeze %dma_start3A_56 : memref<1x640x128xf32, #tpu.memory_space<hbm>> -> memref<640x128xf32, #tpu.memory_space<hbm>>
        %dma_start3A_58 = arith.constant 0 : i32
        %dma_start3A_59 = tpu.memref_slice %arg11[%mul3A_53, %dma_start3A_58] : memref<10240x128xf32, #tpu.memory_space<vmem_shared>> -> memref<640x128xf32, #tpu.memory_space<vmem_shared>>
        tpu.enqueue_dma source(%dma_start3A_59 : memref<640x128xf32, #tpu.memory_space<vmem_shared>>) target(%dma_start3A_57 : memref<640x128xf32, #tpu.memory_space<hbm>>) target_semaphore(%run_scoped3A : memref<!tpu.dma_semaphore, #tpu.memory_space<semaphore_mem>>)
        %dma_wait3A = arith.constant 0 : i32
        %dma_wait3A_60 = tpu.memref_slice %arg4[%arg0, %mul3A_55, %dma_wait3A] : memref<2x10240x128xf32, #tpu.memory_space<hbm>> -> memref<1x640x128xf32, #tpu.memory_space<hbm>>
        %dma_wait3A_61 = tpu.memref_squeeze %dma_wait3A_60 : memref<1x640x128xf32, #tpu.memory_space<hbm>> -> memref<640x128xf32, #tpu.memory_space<hbm>>
        %dma_wait3A_62 = arith.constant 0 : i32
        %dma_wait3A_63 = tpu.memref_slice %arg11[%mul3A_53, %dma_wait3A_62] : memref<10240x128xf32, #tpu.memory_space<vmem_shared>> -> memref<640x128xf32, #tpu.memory_space<vmem_shared>>
        tpu.wait_dma2 semaphore(%run_scoped3A : memref<!tpu.dma_semaphore, #tpu.memory_space<semaphore_mem>>) src(%dma_wait3A_63 : memref<640x128xf32, #tpu.memory_space<vmem_shared>>) dst(%dma_wait3A_61 : memref<640x128xf32, #tpu.memory_space<hbm>>)
        tpu.yield
      }) : () -> ()
    } else {
    }
    return
  }
}

#map = affine_map<(d0, d1) -> (0, 0)>
#map1 = affine_map<(d0, d1) -> (0, 0, 0)>
module attributes {stable_mosaic.version = 14 : i64} {
  func.func @agg_k(%arg0: i32, %arg1: i32, %arg2: memref<10240x128xf32, #tpu.memory_space<hbm>>, %arg3: memref<2560x2x128xi32, #tpu.memory_space<hbm>>, %arg4: memref<2x10240x128xf32, #tpu.memory_space<hbm>>, %arg5: memref<128xi32, #tpu.memory_space<vmem>>, %arg6: memref<128xi32, #tpu.memory_space<vmem>>, %arg7: memref<128xi32, #tpu.memory_space<vmem>>, %arg8: memref<128xi32, #tpu.memory_space<vmem>>, %arg9: memref<128x128xf32, #tpu.memory_space<vmem>>, %arg10: memref<128x128xf32, #tpu.memory_space<vmem>>, %arg11: memref<10240x128xf32, #tpu.memory_space<vmem_shared>>, %arg12: memref<!tpu.dma_semaphore, #tpu.memory_space<semaphore_mem>>, %arg13: memref<!tpu.dma_semaphore, #tpu.memory_space<semaphore_mem>>, %arg14: memref<!tpu.dma_semaphore, #tpu.memory_space<semaphore_mem>>, %arg15: memref<!tpu.dma_semaphore, #tpu.memory_space<semaphore_mem>>, %arg16: memref<!tpu.dma_semaphore, #tpu.memory_space<semaphore_mem>>, %arg17: memref<!tpu.dma_semaphore, #tpu.memory_space<semaphore_mem>>) attributes {dimension_semantics = [#tpu.dimension_semantics<core_parallel>, #tpu.dimension_semantics<subcore_parallel>], iteration_bounds = array<i64: 2, 16>, scalar_prefetch = 0 : i64, scratch_operands = 13 : i64, tpu.core_type = #tpu.core_type<sc_vector_subcore>, window_params = [{transform_indices = #map}, {transform_indices = #map1}, {transform_indices = #map1}]} {
    %eq3A = arith.constant 0 : i32
    %eq3A_0 = arith.cmpi eq, %arg0, %eq3A : i32
    %mul3A = arith.constant 120 : i32
    %mul3A_1 = arith.muli %arg1, %mul3A : i32
    %mul3A_2 = arith.constant 40 : i32
    %mul3A_3 = arith.muli %arg1, %mul3A_2 : i32
    %add3A = arith.constant 1920 : i32
    %add3A_4 = arith.addi %add3A, %mul3A_3 : i32
    %select_n3A = arith.select %eq3A_0, %mul3A_1, %add3A_4 : i32
    %eq3A_5 = arith.constant 0 : i32
    %eq3A_6 = arith.cmpi eq, %arg0, %eq3A_5 : i32
    %jit3A = arith.constant 120 : i32
    %jit3A_7 = arith.constant 40 : i32
    %select_n3A_8 = arith.select %eq3A_6, %jit3A, %jit3A_7 : i32
    %broadcast_in_dim3A = arith.constant 0.000000e+00 : f32
    %broadcast_in_dim3A_9 = vector.broadcast %broadcast_in_dim3A : f32 to vector<16xf32>
    %gt3A = arith.constant 0 : i32
    %gt3A_10 = arith.cmpi sgt, %select_n3A_8, %gt3A : i32
    %convert_element_type3A = arith.extui %gt3A_10 : i1 to i32
    %cond3A = arith.constant 0 : i32
    %cond3A_11 = arith.cmpi ne, %convert_element_type3A, %cond3A : i32
    scf.if %cond3A_11 {
      %scan3A = arith.constant 0 : i32
      %scan3A_52 = arith.constant 0 : i32
      %scan3A_53 = arith.constant 128 : i32
      %scan3A_54 = arith.addi %scan3A_52, %scan3A_53 : i32
      %scan3A_55 = arith.constant 1 : i32
      scf.for %scan3A_108 = %scan3A_52 to %scan3A_54 step %scan3A_55  : i32 {
        %swap3A = arith.index_cast %scan3A_108 : i32 to index
        %swap3A_109 = arith.constant 0 : index
        %swap3A_110 = tpu.vector_load %arg9[%swap3A, %swap3A_109] {strides = array<i32>} : memref<128x128xf32, #tpu.memory_space<vmem>>, vector<1x16xf32>,
        %swap3A_111 = vector.shape_cast %swap3A_110 : vector<1x16xf32> to vector<16xf32>
        %swap3A_112 = vector.shape_cast %broadcast_in_dim3A_9 : vector<16xf32> to vector<1x16xf32>
        tpu.vector_store %arg9[%swap3A, %swap3A_109], %swap3A_112 {strides = array<i32>} : memref<128x128xf32, #tpu.memory_space<vmem>>, vector<1x16xf32>,
        %swap3A_113 = arith.index_cast %scan3A_108 : i32 to index
        %swap3A_114 = arith.constant 16 : index
        %swap3A_115 = tpu.vector_load %arg9[%swap3A_113, %swap3A_114] {strides = array<i32>} : memref<128x128xf32, #tpu.memory_space<vmem>>, vector<1x16xf32>,
        %swap3A_116 = vector.shape_cast %swap3A_115 : vector<1x16xf32> to vector<16xf32>
        %swap3A_117 = vector.shape_cast %broadcast_in_dim3A_9 : vector<16xf32> to vector<1x16xf32>
        tpu.vector_store %arg9[%swap3A_113, %swap3A_114], %swap3A_117 {strides = array<i32>} : memref<128x128xf32, #tpu.memory_space<vmem>>, vector<1x16xf32>,
        %swap3A_118 = arith.index_cast %scan3A_108 : i32 to index
        %swap3A_119 = arith.constant 32 : index
        %swap3A_120 = tpu.vector_load %arg9[%swap3A_118, %swap3A_119] {strides = array<i32>} : memref<128x128xf32, #tpu.memory_space<vmem>>, vector<1x16xf32>,
        %swap3A_121 = vector.shape_cast %swap3A_120 : vector<1x16xf32> to vector<16xf32>
        %swap3A_122 = vector.shape_cast %broadcast_in_dim3A_9 : vector<16xf32> to vector<1x16xf32>
        tpu.vector_store %arg9[%swap3A_118, %swap3A_119], %swap3A_122 {strides = array<i32>} : memref<128x128xf32, #tpu.memory_space<vmem>>, vector<1x16xf32>,
        %swap3A_123 = arith.index_cast %scan3A_108 : i32 to index
        %swap3A_124 = arith.constant 48 : index
        %swap3A_125 = tpu.vector_load %arg9[%swap3A_123, %swap3A_124] {strides = array<i32>} : memref<128x128xf32, #tpu.memory_space<vmem>>, vector<1x16xf32>,
        %swap3A_126 = vector.shape_cast %swap3A_125 : vector<1x16xf32> to vector<16xf32>
        %swap3A_127 = vector.shape_cast %broadcast_in_dim3A_9 : vector<16xf32> to vector<1x16xf32>
        tpu.vector_store %arg9[%swap3A_123, %swap3A_124], %swap3A_127 {strides = array<i32>} : memref<128x128xf32, #tpu.memory_space<vmem>>, vector<1x16xf32>,
        %swap3A_128 = arith.index_cast %scan3A_108 : i32 to index
        %swap3A_129 = arith.constant 64 : index
        %swap3A_130 = tpu.vector_load %arg9[%swap3A_128, %swap3A_129] {strides = array<i32>} : memref<128x128xf32, #tpu.memory_space<vmem>>, vector<1x16xf32>,
        %swap3A_131 = vector.shape_cast %swap3A_130 : vector<1x16xf32> to vector<16xf32>
        %swap3A_132 = vector.shape_cast %broadcast_in_dim3A_9 : vector<16xf32> to vector<1x16xf32>
        tpu.vector_store %arg9[%swap3A_128, %swap3A_129], %swap3A_132 {strides = array<i32>} : memref<128x128xf32, #tpu.memory_space<vmem>>, vector<1x16xf32>,
        %swap3A_133 = arith.index_cast %scan3A_108 : i32 to index
        %swap3A_134 = arith.constant 80 : index
        %swap3A_135 = tpu.vector_load %arg9[%swap3A_133, %swap3A_134] {strides = array<i32>} : memref<128x128xf32, #tpu.memory_space<vmem>>, vector<1x16xf32>,
        %swap3A_136 = vector.shape_cast %swap3A_135 : vector<1x16xf32> to vector<16xf32>
        %swap3A_137 = vector.shape_cast %broadcast_in_dim3A_9 : vector<16xf32> to vector<1x16xf32>
        tpu.vector_store %arg9[%swap3A_133, %swap3A_134], %swap3A_137 {strides = array<i32>} : memref<128x128xf32, #tpu.memory_space<vmem>>, vector<1x16xf32>,
        %swap3A_138 = arith.index_cast %scan3A_108 : i32 to index
        %swap3A_139 = arith.constant 96 : index
        %swap3A_140 = tpu.vector_load %arg9[%swap3A_138, %swap3A_139] {strides = array<i32>} : memref<128x128xf32, #tpu.memory_space<vmem>>, vector<1x16xf32>,
        %swap3A_141 = vector.shape_cast %swap3A_140 : vector<1x16xf32> to vector<16xf32>
        %swap3A_142 = vector.shape_cast %broadcast_in_dim3A_9 : vector<16xf32> to vector<1x16xf32>
        tpu.vector_store %arg9[%swap3A_138, %swap3A_139], %swap3A_142 {strides = array<i32>} : memref<128x128xf32, #tpu.memory_space<vmem>>, vector<1x16xf32>,
        %swap3A_143 = arith.index_cast %scan3A_108 : i32 to index
        %swap3A_144 = arith.constant 112 : index
        %swap3A_145 = tpu.vector_load %arg9[%swap3A_143, %swap3A_144] {strides = array<i32>} : memref<128x128xf32, #tpu.memory_space<vmem>>, vector<1x16xf32>,
        %swap3A_146 = vector.shape_cast %swap3A_145 : vector<1x16xf32> to vector<16xf32>
        %swap3A_147 = vector.shape_cast %broadcast_in_dim3A_9 : vector<16xf32> to vector<1x16xf32>
        tpu.vector_store %arg9[%swap3A_143, %swap3A_144], %swap3A_147 {strides = array<i32>} : memref<128x128xf32, #tpu.memory_space<vmem>>, vector<1x16xf32>,
      }
      %scan3A_56 = arith.constant 128 : i32
      %mul3A_57 = arith.constant 640 : i32
      %mul3A_58 = arith.muli %arg1, %mul3A_57 : i32
      %add3A_59 = arith.constant 0 : i32
      %add3A_60 = arith.addi %mul3A_58, %add3A_59 : i32
      "tpu.region"() ({
        %run_scoped3A = tpu.sem_alloc : memref<!tpu.dma_semaphore, #tpu.memory_space<semaphore_mem>>
        %dma_start3A_108 = arith.constant 0 : i32
        %dma_start3A_109 = tpu.memref_slice %arg11[%add3A_60, %dma_start3A_108] : memref<10240x128xf32, #tpu.memory_space<vmem_shared>> -> memref<128x128xf32, #tpu.memory_space<vmem_shared>>
        %dma_start3A_110 = arith.constant 0 : i32
        %dma_start3A_111 = tpu.memref_slice %arg11[%add3A_60, %dma_start3A_110] : memref<10240x128xf32, #tpu.memory_space<vmem_shared>> -> memref<128x128xf32, #tpu.memory_space<vmem_shared>>
        tpu.enqueue_dma source(%arg9 : memref<128x128xf32, #tpu.memory_space<vmem>>) target(%dma_start3A_111 : memref<128x128xf32, #tpu.memory_space<vmem_shared>>) target_semaphore(%run_scoped3A : memref<!tpu.dma_semaphore, #tpu.memory_space<semaphore_mem>>)
        %dma_wait3A = arith.constant 0 : i32
        %dma_wait3A_112 = tpu.memref_slice %arg11[%add3A_60, %dma_wait3A] : memref<10240x128xf32, #tpu.memory_space<vmem_shared>> -> memref<128x128xf32, #tpu.memory_space<vmem_shared>>
        %dma_wait3A_113 = arith.constant 0 : i32
        %dma_wait3A_114 = tpu.memref_slice %arg11[%add3A_60, %dma_wait3A_113] : memref<10240x128xf32, #tpu.memory_space<vmem_shared>> -> memref<128x128xf32, #tpu.memory_space<vmem_shared>>
        tpu.wait_dma2 semaphore(%run_scoped3A : memref<!tpu.dma_semaphore, #tpu.memory_space<semaphore_mem>>) src(%arg9 : memref<128x128xf32, #tpu.memory_space<vmem>>) dst(%dma_wait3A_114 : memref<128x128xf32, #tpu.memory_space<vmem_shared>>)
        tpu.yield
      }) : () -> ()
      %mul3A_61 = arith.constant 640 : i32
      %mul3A_62 = arith.muli %arg1, %mul3A_61 : i32
      %add3A_63 = arith.constant 128 : i32
      %add3A_64 = arith.addi %mul3A_62, %add3A_63 : i32
      "tpu.region"() ({
        %run_scoped3A = tpu.sem_alloc : memref<!tpu.dma_semaphore, #tpu.memory_space<semaphore_mem>>
        %dma_start3A_108 = arith.constant 0 : i32
        %dma_start3A_109 = tpu.memref_slice %arg11[%add3A_64, %dma_start3A_108] : memref<10240x128xf32, #tpu.memory_space<vmem_shared>> -> memref<128x128xf32, #tpu.memory_space<vmem_shared>>
        %dma_start3A_110 = arith.constant 0 : i32
        %dma_start3A_111 = tpu.memref_slice %arg11[%add3A_64, %dma_start3A_110] : memref<10240x128xf32, #tpu.memory_space<vmem_shared>> -> memref<128x128xf32, #tpu.memory_space<vmem_shared>>
        tpu.enqueue_dma source(%arg9 : memref<128x128xf32, #tpu.memory_space<vmem>>) target(%dma_start3A_111 : memref<128x128xf32, #tpu.memory_space<vmem_shared>>) target_semaphore(%run_scoped3A : memref<!tpu.dma_semaphore, #tpu.memory_space<semaphore_mem>>)
        %dma_wait3A = arith.constant 0 : i32
        %dma_wait3A_112 = tpu.memref_slice %arg11[%add3A_64, %dma_wait3A] : memref<10240x128xf32, #tpu.memory_space<vmem_shared>> -> memref<128x128xf32, #tpu.memory_space<vmem_shared>>
        %dma_wait3A_113 = arith.constant 0 : i32
        %dma_wait3A_114 = tpu.memref_slice %arg11[%add3A_64, %dma_wait3A_113] : memref<10240x128xf32, #tpu.memory_space<vmem_shared>> -> memref<128x128xf32, #tpu.memory_space<vmem_shared>>
        tpu.wait_dma2 semaphore(%run_scoped3A : memref<!tpu.dma_semaphore, #tpu.memory_space<semaphore_mem>>) src(%arg9 : memref<128x128xf32, #tpu.memory_space<vmem>>) dst(%dma_wait3A_114 : memref<128x128xf32, #tpu.memory_space<vmem_shared>>)
        tpu.yield
      }) : () -> ()
      %mul3A_65 = arith.constant 640 : i32
      %mul3A_66 = arith.muli %arg1, %mul3A_65 : i32
      %add3A_67 = arith.constant 256 : i32
      %add3A_68 = arith.addi %mul3A_66, %add3A_67 : i32
      "tpu.region"() ({
        %run_scoped3A = tpu.sem_alloc : memref<!tpu.dma_semaphore, #tpu.memory_space<semaphore_mem>>
        %dma_start3A_108 = arith.constant 0 : i32
        %dma_start3A_109 = tpu.memref_slice %arg11[%add3A_68, %dma_start3A_108] : memref<10240x128xf32, #tpu.memory_space<vmem_shared>> -> memref<128x128xf32, #tpu.memory_space<vmem_shared>>
        %dma_start3A_110 = arith.constant 0 : i32
        %dma_start3A_111 = tpu.memref_slice %arg11[%add3A_68, %dma_start3A_110] : memref<10240x128xf32, #tpu.memory_space<vmem_shared>> -> memref<128x128xf32, #tpu.memory_space<vmem_shared>>
        tpu.enqueue_dma source(%arg9 : memref<128x128xf32, #tpu.memory_space<vmem>>) target(%dma_start3A_111 : memref<128x128xf32, #tpu.memory_space<vmem_shared>>) target_semaphore(%run_scoped3A : memref<!tpu.dma_semaphore, #tpu.memory_space<semaphore_mem>>)
        %dma_wait3A = arith.constant 0 : i32
        %dma_wait3A_112 = tpu.memref_slice %arg11[%add3A_68, %dma_wait3A] : memref<10240x128xf32, #tpu.memory_space<vmem_shared>> -> memref<128x128xf32, #tpu.memory_space<vmem_shared>>
        %dma_wait3A_113 = arith.constant 0 : i32
        %dma_wait3A_114 = tpu.memref_slice %arg11[%add3A_68, %dma_wait3A_113] : memref<10240x128xf32, #tpu.memory_space<vmem_shared>> -> memref<128x128xf32, #tpu.memory_space<vmem_shared>>
        tpu.wait_dma2 semaphore(%run_scoped3A : memref<!tpu.dma_semaphore, #tpu.memory_space<semaphore_mem>>) src(%arg9 : memref<128x128xf32, #tpu.memory_space<vmem>>) dst(%dma_wait3A_114 : memref<128x128xf32, #tpu.memory_space<vmem_shared>>)
        tpu.yield
      }) : () -> ()
      %mul3A_69 = arith.constant 640 : i32
      %mul3A_70 = arith.muli %arg1, %mul3A_69 : i32
      %add3A_71 = arith.constant 384 : i32
      %add3A_72 = arith.addi %mul3A_70, %add3A_71 : i32
      "tpu.region"() ({
        %run_scoped3A = tpu.sem_alloc : memref<!tpu.dma_semaphore, #tpu.memory_space<semaphore_mem>>
        %dma_start3A_108 = arith.constant 0 : i32
        %dma_start3A_109 = tpu.memref_slice %arg11[%add3A_72, %dma_start3A_108] : memref<10240x128xf32, #tpu.memory_space<vmem_shared>> -> memref<128x128xf32, #tpu.memory_space<vmem_shared>>
        %dma_start3A_110 = arith.constant 0 : i32
        %dma_start3A_111 = tpu.memref_slice %arg11[%add3A_72, %dma_start3A_110] : memref<10240x128xf32, #tpu.memory_space<vmem_shared>> -> memref<128x128xf32, #tpu.memory_space<vmem_shared>>
        tpu.enqueue_dma source(%arg9 : memref<128x128xf32, #tpu.memory_space<vmem>>) target(%dma_start3A_111 : memref<128x128xf32, #tpu.memory_space<vmem_shared>>) target_semaphore(%run_scoped3A : memref<!tpu.dma_semaphore, #tpu.memory_space<semaphore_mem>>)
        %dma_wait3A = arith.constant 0 : i32
        %dma_wait3A_112 = tpu.memref_slice %arg11[%add3A_72, %dma_wait3A] : memref<10240x128xf32, #tpu.memory_space<vmem_shared>> -> memref<128x128xf32, #tpu.memory_space<vmem_shared>>
        %dma_wait3A_113 = arith.constant 0 : i32
        %dma_wait3A_114 = tpu.memref_slice %arg11[%add3A_72, %dma_wait3A_113] : memref<10240x128xf32, #tpu.memory_space<vmem_shared>> -> memref<128x128xf32, #tpu.memory_space<vmem_shared>>
        tpu.wait_dma2 semaphore(%run_scoped3A : memref<!tpu.dma_semaphore, #tpu.memory_space<semaphore_mem>>) src(%arg9 : memref<128x128xf32, #tpu.memory_space<vmem>>) dst(%dma_wait3A_114 : memref<128x128xf32, #tpu.memory_space<vmem_shared>>)
        tpu.yield
      }) : () -> ()
      %mul3A_73 = arith.constant 640 : i32
      %mul3A_74 = arith.muli %arg1, %mul3A_73 : i32
      %add3A_75 = arith.constant 512 : i32
      %add3A_76 = arith.addi %mul3A_74, %add3A_75 : i32
      "tpu.region"() ({
        %run_scoped3A = tpu.sem_alloc : memref<!tpu.dma_semaphore, #tpu.memory_space<semaphore_mem>>
        %dma_start3A_108 = arith.constant 0 : i32
        %dma_start3A_109 = tpu.memref_slice %arg11[%add3A_76, %dma_start3A_108] : memref<10240x128xf32, #tpu.memory_space<vmem_shared>> -> memref<128x128xf32, #tpu.memory_space<vmem_shared>>
        %dma_start3A_110 = arith.constant 0 : i32
        %dma_start3A_111 = tpu.memref_slice %arg11[%add3A_76, %dma_start3A_110] : memref<10240x128xf32, #tpu.memory_space<vmem_shared>> -> memref<128x128xf32, #tpu.memory_space<vmem_shared>>
        tpu.enqueue_dma source(%arg9 : memref<128x128xf32, #tpu.memory_space<vmem>>) target(%dma_start3A_111 : memref<128x128xf32, #tpu.memory_space<vmem_shared>>) target_semaphore(%run_scoped3A : memref<!tpu.dma_semaphore, #tpu.memory_space<semaphore_mem>>)
        %dma_wait3A = arith.constant 0 : i32
        %dma_wait3A_112 = tpu.memref_slice %arg11[%add3A_76, %dma_wait3A] : memref<10240x128xf32, #tpu.memory_space<vmem_shared>> -> memref<128x128xf32, #tpu.memory_space<vmem_shared>>
        %dma_wait3A_113 = arith.constant 0 : i32
        %dma_wait3A_114 = tpu.memref_slice %arg11[%add3A_76, %dma_wait3A_113] : memref<10240x128xf32, #tpu.memory_space<vmem_shared>> -> memref<128x128xf32, #tpu.memory_space<vmem_shared>>
        tpu.wait_dma2 semaphore(%run_scoped3A : memref<!tpu.dma_semaphore, #tpu.memory_space<semaphore_mem>>) src(%arg9 : memref<128x128xf32, #tpu.memory_space<vmem>>) dst(%dma_wait3A_114 : memref<128x128xf32, #tpu.memory_space<vmem_shared>>)
        tpu.yield
      }) : () -> ()
      %dma_start3A = arith.constant 0 : i32
      %dma_start3A_77 = arith.constant 0 : i32
      %dma_start3A_78 = tpu.memref_slice %arg3[%select_n3A, %dma_start3A, %dma_start3A_77] : memref<2560x2x128xi32, #tpu.memory_space<hbm>> -> memref<1x1x128xi32, #tpu.memory_space<hbm>>
      %dma_start3A_79 = tpu.memref_squeeze %dma_start3A_78 : memref<1x1x128xi32, #tpu.memory_space<hbm>> -> memref<128xi32, #tpu.memory_space<hbm>>
      %dma_start3A_80 = arith.constant 0 : i32
      %dma_start3A_81 = tpu.memref_slice %arg3[%select_n3A, %dma_start3A, %dma_start3A_80] : memref<2560x2x128xi32, #tpu.memory_space<hbm>> -> memref<1x1x128xi32, #tpu.memory_space<hbm>>
      %dma_start3A_82 = tpu.memref_squeeze %dma_start3A_81 : memref<1x1x128xi32, #tpu.memory_space<hbm>> -> memref<128xi32, #tpu.memory_space<hbm>>
      tpu.enqueue_dma source(%dma_start3A_82 : memref<128xi32, #tpu.memory_space<hbm>>) target(%arg5 : memref<128xi32, #tpu.memory_space<vmem>>) target_semaphore(%arg14 : memref<!tpu.dma_semaphore, #tpu.memory_space<semaphore_mem>>)
      %dma_start3A_83 = arith.constant 1 : i32
      %dma_start3A_84 = arith.constant 0 : i32
      %dma_start3A_85 = tpu.memref_slice %arg3[%select_n3A, %dma_start3A_83, %dma_start3A_84] : memref<2560x2x128xi32, #tpu.memory_space<hbm>> -> memref<1x1x128xi32, #tpu.memory_space<hbm>>
      %dma_start3A_86 = tpu.memref_squeeze %dma_start3A_85 : memref<1x1x128xi32, #tpu.memory_space<hbm>> -> memref<128xi32, #tpu.memory_space<hbm>>
      %dma_start3A_87 = arith.constant 0 : i32
      %dma_start3A_88 = tpu.memref_slice %arg3[%select_n3A, %dma_start3A_83, %dma_start3A_87] : memref<2560x2x128xi32, #tpu.memory_space<hbm>> -> memref<1x1x128xi32, #tpu.memory_space<hbm>>
      %dma_start3A_89 = tpu.memref_squeeze %dma_start3A_88 : memref<1x1x128xi32, #tpu.memory_space<hbm>> -> memref<128xi32, #tpu.memory_space<hbm>>
      tpu.enqueue_dma source(%dma_start3A_89 : memref<128xi32, #tpu.memory_space<hbm>>) target(%arg7 : memref<128xi32, #tpu.memory_space<vmem>>) target_semaphore(%arg16 : memref<!tpu.dma_semaphore, #tpu.memory_space<semaphore_mem>>)
      %add3A_90 = arith.constant 1 : i32
      %add3A_91 = arith.addi %select_n3A, %add3A_90 : i32
      %dma_start3A_92 = arith.constant 0 : i32
      %dma_start3A_93 = arith.constant 0 : i32
      %dma_start3A_94 = tpu.memref_slice %arg3[%add3A_91, %dma_start3A_92, %dma_start3A_93] : memref<2560x2x128xi32, #tpu.memory_space<hbm>> -> memref<1x1x128xi32, #tpu.memory_space<hbm>>
      %dma_start3A_95 = tpu.memref_squeeze %dma_start3A_94 : memref<1x1x128xi32, #tpu.memory_space<hbm>> -> memref<128xi32, #tpu.memory_space<hbm>>
      %dma_start3A_96 = arith.constant 0 : i32
      %dma_start3A_97 = tpu.memref_slice %arg3[%add3A_91, %dma_start3A_92, %dma_start3A_96] : memref<2560x2x128xi32, #tpu.memory_space<hbm>> -> memref<1x1x128xi32, #tpu.memory_space<hbm>>
      %dma_start3A_98 = tpu.memref_squeeze %dma_start3A_97 : memref<1x1x128xi32, #tpu.memory_space<hbm>> -> memref<128xi32, #tpu.memory_space<hbm>>
      tpu.enqueue_dma source(%dma_start3A_98 : memref<128xi32, #tpu.memory_space<hbm>>) target(%arg6 : memref<128xi32, #tpu.memory_space<vmem>>) target_semaphore(%arg15 : memref<!tpu.dma_semaphore, #tpu.memory_space<semaphore_mem>>)
      %add3A_99 = arith.constant 1 : i32
      %add3A_100 = arith.addi %select_n3A, %add3A_99 : i32
      %dma_start3A_101 = arith.constant 1 : i32
      %dma_start3A_102 = arith.constant 0 : i32
      %dma_start3A_103 = tpu.memref_slice %arg3[%add3A_100, %dma_start3A_101, %dma_start3A_102] : memref<2560x2x128xi32, #tpu.memory_space<hbm>> -> memref<1x1x128xi32, #tpu.memory_space<hbm>>
      %dma_start3A_104 = tpu.memref_squeeze %dma_start3A_103 : memref<1x1x128xi32, #tpu.memory_space<hbm>> -> memref<128xi32, #tpu.memory_space<hbm>>
      %dma_start3A_105 = arith.constant 0 : i32
      %dma_start3A_106 = tpu.memref_slice %arg3[%add3A_100, %dma_start3A_101, %dma_start3A_105] : memref<2560x2x128xi32, #tpu.memory_space<hbm>> -> memref<1x1x128xi32, #tpu.memory_space<hbm>>
      %dma_start3A_107 = tpu.memref_squeeze %dma_start3A_106 : memref<1x1x128xi32, #tpu.memory_space<hbm>> -> memref<128xi32, #tpu.memory_space<hbm>>
      tpu.enqueue_dma source(%dma_start3A_107 : memref<128xi32, #tpu.memory_space<hbm>>) target(%arg8 : memref<128xi32, #tpu.memory_space<vmem>>) target_semaphore(%arg17 : memref<!tpu.dma_semaphore, #tpu.memory_space<semaphore_mem>>)
    } else {
    }
    %barrier3A = arith.constant 0 : index
    tpu.barrier barrier_id(%barrier3A)
    %gt3A_12 = arith.constant 0 : i32
    %gt3A_13 = arith.cmpi sgt, %select_n3A_8, %gt3A_12 : i32
    %convert_element_type3A_14 = arith.extui %gt3A_13 : i1 to i32
    %cond3A_15 = arith.constant 0 : i32
    %cond3A_16 = arith.cmpi ne, %convert_element_type3A_14, %cond3A_15 : i32
    scf.if %cond3A_16 {
      %dma_wait3A = arith.constant 0 : i32
      %dma_wait3A_52 = arith.constant 0 : i32
      %dma_wait3A_53 = tpu.memref_slice %arg3[%select_n3A, %dma_wait3A, %dma_wait3A_52] : memref<2560x2x128xi32, #tpu.memory_space<hbm>> -> memref<1x1x128xi32, #tpu.memory_space<hbm>>
      %dma_wait3A_54 = tpu.memref_squeeze %dma_wait3A_53 : memref<1x1x128xi32, #tpu.memory_space<hbm>> -> memref<128xi32, #tpu.memory_space<hbm>>
      %dma_wait3A_55 = arith.constant 0 : i32
      %dma_wait3A_56 = tpu.memref_slice %arg3[%select_n3A, %dma_wait3A, %dma_wait3A_55] : memref<2560x2x128xi32, #tpu.memory_space<hbm>> -> memref<1x1x128xi32, #tpu.memory_space<hbm>>
      %dma_wait3A_57 = tpu.memref_squeeze %dma_wait3A_56 : memref<1x1x128xi32, #tpu.memory_space<hbm>> -> memref<128xi32, #tpu.memory_space<hbm>>
      tpu.wait_dma2 semaphore(%arg14 : memref<!tpu.dma_semaphore, #tpu.memory_space<semaphore_mem>>) src(%dma_wait3A_57 : memref<128xi32, #tpu.memory_space<hbm>>) dst(%arg5 : memref<128xi32, #tpu.memory_space<vmem>>)
      %dma_start3A = arith.constant 0 : i32
      %dma_start3A_58 = arith.constant 0 : i32
      %dma_start3A_59 = tpu.memref_slice %arg2[%dma_start3A, %dma_start3A_58] : memref<10240x128xf32, #tpu.memory_space<hbm>> -> memref<10240x128xf32, #tpu.memory_space<hbm>>
      tpu.enqueue_indirect_dma source(%dma_start3A_59 : memref<10240x128xf32, #tpu.memory_space<hbm>>) target(%arg9 : memref<128x128xf32, #tpu.memory_space<vmem>>) offsets(%arg5 : memref<128xi32, #tpu.memory_space<vmem>>) semaphore(%arg12 : memref<!tpu.dma_semaphore, #tpu.memory_space<semaphore_mem>>)
    } else {
    }
    %add3A_17 = arith.constant 1 : i32
    %add3A_18 = arith.addi %select_n3A_8, %add3A_17 : i32
    %jit3A_19 = arith.constant 2 : i32
    %div3A = arith.divsi %add3A_18, %jit3A_19 : i32
    %sign3A = arith.constant 0 : i32
    %sign3A_20 = arith.cmpi sgt, %add3A_18, %sign3A : i32
    %sign3A_21 = arith.extui %sign3A_20 : i1 to i32
    %sign3A_22 = arith.constant 0 : i32
    %sign3A_23 = arith.cmpi slt, %add3A_18, %sign3A_22 : i32
    %sign3A_24 = arith.extui %sign3A_23 : i1 to i32
    %sign3A_25 = arith.subi %sign3A_21, %sign3A_24 : i32
    %sign3A_26 = arith.constant 0 : i32
    %sign3A_27 = arith.cmpi sgt, %jit3A_19, %sign3A_26 : i32
    %sign3A_28 = arith.extui %sign3A_27 : i1 to i32
    %sign3A_29 = arith.constant 0 : i32
    %sign3A_30 = arith.cmpi slt, %jit3A_19, %sign3A_29 : i32
    %sign3A_31 = arith.extui %sign3A_30 : i1 to i32
    %sign3A_32 = arith.subi %sign3A_28, %sign3A_31 : i32
    %ne3A = arith.cmpi ne, %sign3A_25, %sign3A_32 : i32
    %rem3A = arith.remsi %add3A_18, %jit3A_19 : i32
    %ne3A_33 = arith.constant 0 : i32
    %ne3A_34 = arith.cmpi ne, %rem3A, %ne3A_33 : i32
    %and3A = arith.andi %ne3A, %ne3A_34 : i1
    %sub3A = arith.constant 1 : i32
    %sub3A_35 = arith.subi %div3A, %sub3A : i32
    %select_n3A_36 = arith.select %and3A, %sub3A_35, %div3A : i32
    %while3A = arith.constant 0 : i32
    %while3A_37 = arith.constant 0 : i32
    %while3A_38 = arith.subi %select_n3A_36, %while3A_37 : i32
    %while3A_39 = arith.addi %while3A_37, %while3A_38 : i32
    %while3A_40 = arith.constant 1 : i32
    %while3A_41 = arith.divsi %while3A_38, %while3A_40 : i32
    %while3A_42 = arith.muli %while3A_41, %while3A_40 : i32
    %while3A_43 = arith.addi %while3A_37, %while3A_42 : i32
    %while3A_44 = arith.constant 1 : i32
    scf.for %while3A_52 = %while3A_37 to %while3A_43 step %while3A_44  : i32 {
      %mul3A_53 = arith.constant 2 : i32
      %mul3A_54 = arith.muli %while3A_52, %mul3A_53 : i32
      %add3A_55 = arith.constant 0 : i32
      %add3A_56 = arith.addi %mul3A_54, %add3A_55 : i32
      %sub3A_57 = arith.constant 1 : i32
      %sub3A_58 = arith.subi %select_n3A_8, %sub3A_57 : i32
      %lt3A = arith.cmpi slt, %add3A_56, %sub3A_58 : i32
      %convert_element_type3A_59 = arith.extui %lt3A : i1 to i32
      %cond3A_60 = arith.constant 0 : i32
      %cond3A_61 = arith.cmpi ne, %convert_element_type3A_59, %cond3A_60 : i32
      scf.if %cond3A_61 {
        %add3A_105 = arith.addi %select_n3A, %add3A_56 : i32
        %add3A_106 = arith.constant 1 : i32
        %add3A_107 = arith.addi %add3A_105, %add3A_106 : i32
        %dma_wait3A_108 = arith.constant 0 : i32
        %dma_wait3A_109 = arith.constant 0 : i32
        %dma_wait3A_110 = tpu.memref_slice %arg3[%add3A_107, %dma_wait3A_108, %dma_wait3A_109] : memref<2560x2x128xi32, #tpu.memory_space<hbm>> -> memref<1x1x128xi32, #tpu.memory_space<hbm>>
        %dma_wait3A_111 = tpu.memref_squeeze %dma_wait3A_110 : memref<1x1x128xi32, #tpu.memory_space<hbm>> -> memref<128xi32, #tpu.memory_space<hbm>>
        %dma_wait3A_112 = arith.constant 0 : i32
        %dma_wait3A_113 = tpu.memref_slice %arg3[%add3A_107, %dma_wait3A_108, %dma_wait3A_112] : memref<2560x2x128xi32, #tpu.memory_space<hbm>> -> memref<1x1x128xi32, #tpu.memory_space<hbm>>
        %dma_wait3A_114 = tpu.memref_squeeze %dma_wait3A_113 : memref<1x1x128xi32, #tpu.memory_space<hbm>> -> memref<128xi32, #tpu.memory_space<hbm>>
        tpu.wait_dma2 semaphore(%arg15 : memref<!tpu.dma_semaphore, #tpu.memory_space<semaphore_mem>>) src(%dma_wait3A_114 : memref<128xi32, #tpu.memory_space<hbm>>) dst(%arg6 : memref<128xi32, #tpu.memory_space<vmem>>)
        %dma_start3A = arith.constant 0 : i32
        %dma_start3A_115 = arith.constant 0 : i32
        %dma_start3A_116 = tpu.memref_slice %arg2[%dma_start3A, %dma_start3A_115] : memref<10240x128xf32, #tpu.memory_space<hbm>> -> memref<10240x128xf32, #tpu.memory_space<hbm>>
        tpu.enqueue_indirect_dma source(%dma_start3A_116 : memref<10240x128xf32, #tpu.memory_space<hbm>>) target(%arg10 : memref<128x128xf32, #tpu.memory_space<vmem>>) offsets(%arg6 : memref<128xi32, #tpu.memory_space<vmem>>) semaphore(%arg13 : memref<!tpu.dma_semaphore, #tpu.memory_space<semaphore_mem>>)
      } else {
      }
      %dma_wait3A = arith.constant 0 : i32
      %dma_wait3A_62 = arith.constant 0 : i32
      %dma_wait3A_63 = tpu.memref_slice %arg2[%dma_wait3A, %dma_wait3A_62] : memref<10240x128xf32, #tpu.memory_space<hbm>> -> memref<10240x128xf32, #tpu.memory_space<hbm>>
      tpu.wait_indirect_dma semaphore(%arg12 : memref<!tpu.dma_semaphore, #tpu.memory_space<semaphore_mem>>) src(%dma_wait3A_63 : memref<10240x128xf32, #tpu.memory_space<hbm>>) dst(%arg9 : memref<128x128xf32, #tpu.memory_space<vmem>>)
      %add3A_64 = arith.addi %select_n3A, %add3A_56 : i32
      %dma_wait3A_65 = arith.constant 1 : i32
      %dma_wait3A_66 = arith.constant 0 : i32
      %dma_wait3A_67 = tpu.memref_slice %arg3[%add3A_64, %dma_wait3A_65, %dma_wait3A_66] : memref<2560x2x128xi32, #tpu.memory_space<hbm>> -> memref<1x1x128xi32, #tpu.memory_space<hbm>>
      %dma_wait3A_68 = tpu.memref_squeeze %dma_wait3A_67 : memref<1x1x128xi32, #tpu.memory_space<hbm>> -> memref<128xi32, #tpu.memory_space<hbm>>
      %dma_wait3A_69 = arith.constant 0 : i32
      %dma_wait3A_70 = tpu.memref_slice %arg3[%add3A_64, %dma_wait3A_65, %dma_wait3A_69] : memref<2560x2x128xi32, #tpu.memory_space<hbm>> -> memref<1x1x128xi32, #tpu.memory_space<hbm>>
      %dma_wait3A_71 = tpu.memref_squeeze %dma_wait3A_70 : memref<1x1x128xi32, #tpu.memory_space<hbm>> -> memref<128xi32, #tpu.memory_space<hbm>>
      tpu.wait_dma2 semaphore(%arg16 : memref<!tpu.dma_semaphore, #tpu.memory_space<semaphore_mem>>) src(%dma_wait3A_71 : memref<128xi32, #tpu.memory_space<hbm>>) dst(%arg7 : memref<128xi32, #tpu.memory_space<vmem>>)
      "tpu.region"() ({
        %run_scoped3A = tpu.sem_alloc : memref<!tpu.dma_semaphore, #tpu.memory_space<semaphore_mem>>
        %dma_start3A = arith.constant 0 : i32
        %dma_start3A_105 = arith.constant 0 : i32
        %dma_start3A_106 = tpu.memref_slice %arg11[%dma_start3A, %dma_start3A_105] : memref<10240x128xf32, #tpu.memory_space<vmem_shared>> -> memref<10240x128xf32, #tpu.memory_space<vmem_shared>>
        tpu.enqueue_indirect_dma source(%arg9 : memref<128x128xf32, #tpu.memory_space<vmem>>) target(%dma_start3A_106 : memref<10240x128xf32, #tpu.memory_space<vmem_shared>>) offsets(%arg7 : memref<128xi32, #tpu.memory_space<vmem>>) semaphore(%run_scoped3A : memref<!tpu.dma_semaphore, #tpu.memory_space<semaphore_mem>>) {add = true}
        %dma_wait3A_107 = arith.constant 0 : i32
        %dma_wait3A_108 = arith.constant 0 : i32
        %dma_wait3A_109 = tpu.memref_slice %arg11[%dma_wait3A_107, %dma_wait3A_108] : memref<10240x128xf32, #tpu.memory_space<vmem_shared>> -> memref<10240x128xf32, #tpu.memory_space<vmem_shared>>
        tpu.wait_indirect_dma semaphore(%run_scoped3A : memref<!tpu.dma_semaphore, #tpu.memory_space<semaphore_mem>>) src(%arg9 : memref<128x128xf32, #tpu.memory_space<vmem>>) dst(%dma_wait3A_109 : memref<10240x128xf32, #tpu.memory_space<vmem_shared>>)
        tpu.yield
      }) : () -> ()
      %sub3A_72 = arith.constant 2 : i32
      %sub3A_73 = arith.subi %select_n3A_8, %sub3A_72 : i32
      %lt3A_74 = arith.cmpi slt, %add3A_56, %sub3A_73 : i32
      %convert_element_type3A_75 = arith.extui %lt3A_74 : i1 to i32
      %cond3A_76 = arith.constant 0 : i32
      %cond3A_77 = arith.cmpi ne, %convert_element_type3A_75, %cond3A_76 : i32
      scf.if %cond3A_77 {
        %add3A_105 = arith.addi %select_n3A, %add3A_56 : i32
        %add3A_106 = arith.constant 2 : i32
        %add3A_107 = arith.addi %add3A_105, %add3A_106 : i32
        %dma_start3A = arith.constant 0 : i32
        %dma_start3A_108 = arith.constant 0 : i32
        %dma_start3A_109 = tpu.memref_slice %arg3[%add3A_107, %dma_start3A, %dma_start3A_108] : memref<2560x2x128xi32, #tpu.memory_space<hbm>> -> memref<1x1x128xi32, #tpu.memory_space<hbm>>
        %dma_start3A_110 = tpu.memref_squeeze %dma_start3A_109 : memref<1x1x128xi32, #tpu.memory_space<hbm>> -> memref<128xi32, #tpu.memory_space<hbm>>
        %dma_start3A_111 = arith.constant 0 : i32
        %dma_start3A_112 = tpu.memref_slice %arg3[%add3A_107, %dma_start3A, %dma_start3A_111] : memref<2560x2x128xi32, #tpu.memory_space<hbm>> -> memref<1x1x128xi32, #tpu.memory_space<hbm>>
        %dma_start3A_113 = tpu.memref_squeeze %dma_start3A_112 : memref<1x1x128xi32, #tpu.memory_space<hbm>> -> memref<128xi32, #tpu.memory_space<hbm>>
        tpu.enqueue_dma source(%dma_start3A_113 : memref<128xi32, #tpu.memory_space<hbm>>) target(%arg5 : memref<128xi32, #tpu.memory_space<vmem>>) target_semaphore(%arg14 : memref<!tpu.dma_semaphore, #tpu.memory_space<semaphore_mem>>)
        %add3A_114 = arith.addi %select_n3A, %add3A_56 : i32
        %add3A_115 = arith.constant 2 : i32
        %add3A_116 = arith.addi %add3A_114, %add3A_115 : i32
        %dma_start3A_117 = arith.constant 1 : i32
        %dma_start3A_118 = arith.constant 0 : i32
        %dma_start3A_119 = tpu.memref_slice %arg3[%add3A_116, %dma_start3A_117, %dma_start3A_118] : memref<2560x2x128xi32, #tpu.memory_space<hbm>> -> memref<1x1x128xi32, #tpu.memory_space<hbm>>
        %dma_start3A_120 = tpu.memref_squeeze %dma_start3A_119 : memref<1x1x128xi32, #tpu.memory_space<hbm>> -> memref<128xi32, #tpu.memory_space<hbm>>
        %dma_start3A_121 = arith.constant 0 : i32
        %dma_start3A_122 = tpu.memref_slice %arg3[%add3A_116, %dma_start3A_117, %dma_start3A_121] : memref<2560x2x128xi32, #tpu.memory_space<hbm>> -> memref<1x1x128xi32, #tpu.memory_space<hbm>>
        %dma_start3A_123 = tpu.memref_squeeze %dma_start3A_122 : memref<1x1x128xi32, #tpu.memory_space<hbm>> -> memref<128xi32, #tpu.memory_space<hbm>>
        tpu.enqueue_dma source(%dma_start3A_123 : memref<128xi32, #tpu.memory_space<hbm>>) target(%arg7 : memref<128xi32, #tpu.memory_space<vmem>>) target_semaphore(%arg16 : memref<!tpu.dma_semaphore, #tpu.memory_space<semaphore_mem>>)
      } else {
      }
      %mul3A_78 = arith.constant 2 : i32
      %mul3A_79 = arith.muli %while3A_52, %mul3A_78 : i32
      %add3A_80 = arith.constant 1 : i32
      %add3A_81 = arith.addi %mul3A_79, %add3A_80 : i32
      %sub3A_82 = arith.constant 1 : i32
      %sub3A_83 = arith.subi %select_n3A_8, %sub3A_82 : i32
      %lt3A_84 = arith.cmpi slt, %add3A_81, %sub3A_83 : i32
      %convert_element_type3A_85 = arith.extui %lt3A_84 : i1 to i32
      %cond3A_86 = arith.constant 0 : i32
      %cond3A_87 = arith.cmpi ne, %convert_element_type3A_85, %cond3A_86 : i32
      scf.if %cond3A_87 {
        %add3A_105 = arith.addi %select_n3A, %add3A_81 : i32
        %add3A_106 = arith.constant 1 : i32
        %add3A_107 = arith.addi %add3A_105, %add3A_106 : i32
        %dma_wait3A_108 = arith.constant 0 : i32
        %dma_wait3A_109 = arith.constant 0 : i32
        %dma_wait3A_110 = tpu.memref_slice %arg3[%add3A_107, %dma_wait3A_108, %dma_wait3A_109] : memref<2560x2x128xi32, #tpu.memory_space<hbm>> -> memref<1x1x128xi32, #tpu.memory_space<hbm>>
        %dma_wait3A_111 = tpu.memref_squeeze %dma_wait3A_110 : memref<1x1x128xi32, #tpu.memory_space<hbm>> -> memref<128xi32, #tpu.memory_space<hbm>>
        %dma_wait3A_112 = arith.constant 0 : i32
        %dma_wait3A_113 = tpu.memref_slice %arg3[%add3A_107, %dma_wait3A_108, %dma_wait3A_112] : memref<2560x2x128xi32, #tpu.memory_space<hbm>> -> memref<1x1x128xi32, #tpu.memory_space<hbm>>
        %dma_wait3A_114 = tpu.memref_squeeze %dma_wait3A_113 : memref<1x1x128xi32, #tpu.memory_space<hbm>> -> memref<128xi32, #tpu.memory_space<hbm>>
        tpu.wait_dma2 semaphore(%arg14 : memref<!tpu.dma_semaphore, #tpu.memory_space<semaphore_mem>>) src(%dma_wait3A_114 : memref<128xi32, #tpu.memory_space<hbm>>) dst(%arg5 : memref<128xi32, #tpu.memory_space<vmem>>)
        %dma_start3A = arith.constant 0 : i32
        %dma_start3A_115 = arith.constant 0 : i32
        %dma_start3A_116 = tpu.memref_slice %arg2[%dma_start3A, %dma_start3A_115] : memref<10240x128xf32, #tpu.memory_space<hbm>> -> memref<10240x128xf32, #tpu.memory_space<hbm>>
        tpu.enqueue_indirect_dma source(%dma_start3A_116 : memref<10240x128xf32, #tpu.memory_space<hbm>>) target(%arg9 : memref<128x128xf32, #tpu.memory_space<vmem>>) offsets(%arg5 : memref<128xi32, #tpu.memory_space<vmem>>) semaphore(%arg12 : memref<!tpu.dma_semaphore, #tpu.memory_space<semaphore_mem>>)
      } else {
      }
      %dma_wait3A_88 = arith.constant 0 : i32
      %dma_wait3A_89 = arith.constant 0 : i32
      %dma_wait3A_90 = tpu.memref_slice %arg2[%dma_wait3A_88, %dma_wait3A_89] : memref<10240x128xf32, #tpu.memory_space<hbm>> -> memref<10240x128xf32, #tpu.memory_space<hbm>>
      tpu.wait_indirect_dma semaphore(%arg13 : memref<!tpu.dma_semaphore, #tpu.memory_space<semaphore_mem>>) src(%dma_wait3A_90 : memref<10240x128xf32, #tpu.memory_space<hbm>>) dst(%arg10 : memref<128x128xf32, #tpu.memory_space<vmem>>)
      %add3A_91 = arith.addi %select_n3A, %add3A_81 : i32
      %dma_wait3A_92 = arith.constant 1 : i32
      %dma_wait3A_93 = arith.constant 0 : i32
      %dma_wait3A_94 = tpu.memref_slice %arg3[%add3A_91, %dma_wait3A_92, %dma_wait3A_93] : memref<2560x2x128xi32, #tpu.memory_space<hbm>> -> memref<1x1x128xi32, #tpu.memory_space<hbm>>
      %dma_wait3A_95 = tpu.memref_squeeze %dma_wait3A_94 : memref<1x1x128xi32, #tpu.memory_space<hbm>> -> memref<128xi32, #tpu.memory_space<hbm>>
      %dma_wait3A_96 = arith.constant 0 : i32
      %dma_wait3A_97 = tpu.memref_slice %arg3[%add3A_91, %dma_wait3A_92, %dma_wait3A_96] : memref<2560x2x128xi32, #tpu.memory_space<hbm>> -> memref<1x1x128xi32, #tpu.memory_space<hbm>>
      %dma_wait3A_98 = tpu.memref_squeeze %dma_wait3A_97 : memref<1x1x128xi32, #tpu.memory_space<hbm>> -> memref<128xi32, #tpu.memory_space<hbm>>
      tpu.wait_dma2 semaphore(%arg17 : memref<!tpu.dma_semaphore, #tpu.memory_space<semaphore_mem>>) src(%dma_wait3A_98 : memref<128xi32, #tpu.memory_space<hbm>>) dst(%arg8 : memref<128xi32, #tpu.memory_space<vmem>>)
      "tpu.region"() ({
        %run_scoped3A = tpu.sem_alloc : memref<!tpu.dma_semaphore, #tpu.memory_space<semaphore_mem>>
        %dma_start3A = arith.constant 0 : i32
        %dma_start3A_105 = arith.constant 0 : i32
        %dma_start3A_106 = tpu.memref_slice %arg11[%dma_start3A, %dma_start3A_105] : memref<10240x128xf32, #tpu.memory_space<vmem_shared>> -> memref<10240x128xf32, #tpu.memory_space<vmem_shared>>
        tpu.enqueue_indirect_dma source(%arg10 : memref<128x128xf32, #tpu.memory_space<vmem>>) target(%dma_start3A_106 : memref<10240x128xf32, #tpu.memory_space<vmem_shared>>) offsets(%arg8 : memref<128xi32, #tpu.memory_space<vmem>>) semaphore(%run_scoped3A : memref<!tpu.dma_semaphore, #tpu.memory_space<semaphore_mem>>) {add = true}
        %dma_wait3A_107 = arith.constant 0 : i32
        %dma_wait3A_108 = arith.constant 0 : i32
        %dma_wait3A_109 = tpu.memref_slice %arg11[%dma_wait3A_107, %dma_wait3A_108] : memref<10240x128xf32, #tpu.memory_space<vmem_shared>> -> memref<10240x128xf32, #tpu.memory_space<vmem_shared>>
        tpu.wait_indirect_dma semaphore(%run_scoped3A : memref<!tpu.dma_semaphore, #tpu.memory_space<semaphore_mem>>) src(%arg10 : memref<128x128xf32, #tpu.memory_space<vmem>>) dst(%dma_wait3A_109 : memref<10240x128xf32, #tpu.memory_space<vmem_shared>>)
        tpu.yield
      }) : () -> ()
      %sub3A_99 = arith.constant 2 : i32
      %sub3A_100 = arith.subi %select_n3A_8, %sub3A_99 : i32
      %lt3A_101 = arith.cmpi slt, %add3A_81, %sub3A_100 : i32
      %convert_element_type3A_102 = arith.extui %lt3A_101 : i1 to i32
      %cond3A_103 = arith.constant 0 : i32
      %cond3A_104 = arith.cmpi ne, %convert_element_type3A_102, %cond3A_103 : i32
      scf.if %cond3A_104 {
        %add3A_105 = arith.addi %select_n3A, %add3A_81 : i32
        %add3A_106 = arith.constant 2 : i32
        %add3A_107 = arith.addi %add3A_105, %add3A_106 : i32
        %dma_start3A = arith.constant 0 : i32
        %dma_start3A_108 = arith.constant 0 : i32
        %dma_start3A_109 = tpu.memref_slice %arg3[%add3A_107, %dma_start3A, %dma_start3A_108] : memref<2560x2x128xi32, #tpu.memory_space<hbm>> -> memref<1x1x128xi32, #tpu.memory_space<hbm>>
        %dma_start3A_110 = tpu.memref_squeeze %dma_start3A_109 : memref<1x1x128xi32, #tpu.memory_space<hbm>> -> memref<128xi32, #tpu.memory_space<hbm>>
        %dma_start3A_111 = arith.constant 0 : i32
        %dma_start3A_112 = tpu.memref_slice %arg3[%add3A_107, %dma_start3A, %dma_start3A_111] : memref<2560x2x128xi32, #tpu.memory_space<hbm>> -> memref<1x1x128xi32, #tpu.memory_space<hbm>>
        %dma_start3A_113 = tpu.memref_squeeze %dma_start3A_112 : memref<1x1x128xi32, #tpu.memory_space<hbm>> -> memref<128xi32, #tpu.memory_space<hbm>>
        tpu.enqueue_dma source(%dma_start3A_113 : memref<128xi32, #tpu.memory_space<hbm>>) target(%arg6 : memref<128xi32, #tpu.memory_space<vmem>>) target_semaphore(%arg15 : memref<!tpu.dma_semaphore, #tpu.memory_space<semaphore_mem>>)
        %add3A_114 = arith.addi %select_n3A, %add3A_81 : i32
        %add3A_115 = arith.constant 2 : i32
        %add3A_116 = arith.addi %add3A_114, %add3A_115 : i32
        %dma_start3A_117 = arith.constant 1 : i32
        %dma_start3A_118 = arith.constant 0 : i32
        %dma_start3A_119 = tpu.memref_slice %arg3[%add3A_116, %dma_start3A_117, %dma_start3A_118] : memref<2560x2x128xi32, #tpu.memory_space<hbm>> -> memref<1x1x128xi32, #tpu.memory_space<hbm>>
        %dma_start3A_120 = tpu.memref_squeeze %dma_start3A_119 : memref<1x1x128xi32, #tpu.memory_space<hbm>> -> memref<128xi32, #tpu.memory_space<hbm>>
        %dma_start3A_121 = arith.constant 0 : i32
        %dma_start3A_122 = tpu.memref_slice %arg3[%add3A_116, %dma_start3A_117, %dma_start3A_121] : memref<2560x2x128xi32, #tpu.memory_space<hbm>> -> memref<1x1x128xi32, #tpu.memory_space<hbm>>
        %dma_start3A_123 = tpu.memref_squeeze %dma_start3A_122 : memref<1x1x128xi32, #tpu.memory_space<hbm>> -> memref<128xi32, #tpu.memory_space<hbm>>
        tpu.enqueue_dma source(%dma_start3A_123 : memref<128xi32, #tpu.memory_space<hbm>>) target(%arg8 : memref<128xi32, #tpu.memory_space<vmem>>) target_semaphore(%arg17 : memref<!tpu.dma_semaphore, #tpu.memory_space<semaphore_mem>>)
      } else {
      }
    }
    %while3A_45 = arith.constant 1 : i32
    scf.for %while3A_52 = %while3A_43 to %while3A_39 step %while3A_45  : i32 {
      %mul3A_53 = arith.constant 2 : i32
      %mul3A_54 = arith.muli %while3A_52, %mul3A_53 : i32
      %add3A_55 = arith.constant 0 : i32
      %add3A_56 = arith.addi %mul3A_54, %add3A_55 : i32
      %sub3A_57 = arith.constant 1 : i32
      %sub3A_58 = arith.subi %select_n3A_8, %sub3A_57 : i32
      %lt3A = arith.cmpi slt, %add3A_56, %sub3A_58 : i32
      %convert_element_type3A_59 = arith.extui %lt3A : i1 to i32
      %cond3A_60 = arith.constant 0 : i32
      %cond3A_61 = arith.cmpi ne, %convert_element_type3A_59, %cond3A_60 : i32
      scf.if %cond3A_61 {
        %add3A_105 = arith.addi %select_n3A, %add3A_56 : i32
        %add3A_106 = arith.constant 1 : i32
        %add3A_107 = arith.addi %add3A_105, %add3A_106 : i32
        %dma_wait3A_108 = arith.constant 0 : i32
        %dma_wait3A_109 = arith.constant 0 : i32
        %dma_wait3A_110 = tpu.memref_slice %arg3[%add3A_107, %dma_wait3A_108, %dma_wait3A_109] : memref<2560x2x128xi32, #tpu.memory_space<hbm>> -> memref<1x1x128xi32, #tpu.memory_space<hbm>>
        %dma_wait3A_111 = tpu.memref_squeeze %dma_wait3A_110 : memref<1x1x128xi32, #tpu.memory_space<hbm>> -> memref<128xi32, #tpu.memory_space<hbm>>
        %dma_wait3A_112 = arith.constant 0 : i32
        %dma_wait3A_113 = tpu.memref_slice %arg3[%add3A_107, %dma_wait3A_108, %dma_wait3A_112] : memref<2560x2x128xi32, #tpu.memory_space<hbm>> -> memref<1x1x128xi32, #tpu.memory_space<hbm>>
        %dma_wait3A_114 = tpu.memref_squeeze %dma_wait3A_113 : memref<1x1x128xi32, #tpu.memory_space<hbm>> -> memref<128xi32, #tpu.memory_space<hbm>>
        tpu.wait_dma2 semaphore(%arg15 : memref<!tpu.dma_semaphore, #tpu.memory_space<semaphore_mem>>) src(%dma_wait3A_114 : memref<128xi32, #tpu.memory_space<hbm>>) dst(%arg6 : memref<128xi32, #tpu.memory_space<vmem>>)
        %dma_start3A = arith.constant 0 : i32
        %dma_start3A_115 = arith.constant 0 : i32
        %dma_start3A_116 = tpu.memref_slice %arg2[%dma_start3A, %dma_start3A_115] : memref<10240x128xf32, #tpu.memory_space<hbm>> -> memref<10240x128xf32, #tpu.memory_space<hbm>>
        tpu.enqueue_indirect_dma source(%dma_start3A_116 : memref<10240x128xf32, #tpu.memory_space<hbm>>) target(%arg10 : memref<128x128xf32, #tpu.memory_space<vmem>>) offsets(%arg6 : memref<128xi32, #tpu.memory_space<vmem>>) semaphore(%arg13 : memref<!tpu.dma_semaphore, #tpu.memory_space<semaphore_mem>>)
      } else {
      }
      %dma_wait3A = arith.constant 0 : i32
      %dma_wait3A_62 = arith.constant 0 : i32
      %dma_wait3A_63 = tpu.memref_slice %arg2[%dma_wait3A, %dma_wait3A_62] : memref<10240x128xf32, #tpu.memory_space<hbm>> -> memref<10240x128xf32, #tpu.memory_space<hbm>>
      tpu.wait_indirect_dma semaphore(%arg12 : memref<!tpu.dma_semaphore, #tpu.memory_space<semaphore_mem>>) src(%dma_wait3A_63 : memref<10240x128xf32, #tpu.memory_space<hbm>>) dst(%arg9 : memref<128x128xf32, #tpu.memory_space<vmem>>)
      %add3A_64 = arith.addi %select_n3A, %add3A_56 : i32
      %dma_wait3A_65 = arith.constant 1 : i32
      %dma_wait3A_66 = arith.constant 0 : i32
      %dma_wait3A_67 = tpu.memref_slice %arg3[%add3A_64, %dma_wait3A_65, %dma_wait3A_66] : memref<2560x2x128xi32, #tpu.memory_space<hbm>> -> memref<1x1x128xi32, #tpu.memory_space<hbm>>
      %dma_wait3A_68 = tpu.memref_squeeze %dma_wait3A_67 : memref<1x1x128xi32, #tpu.memory_space<hbm>> -> memref<128xi32, #tpu.memory_space<hbm>>
      %dma_wait3A_69 = arith.constant 0 : i32
      %dma_wait3A_70 = tpu.memref_slice %arg3[%add3A_64, %dma_wait3A_65, %dma_wait3A_69] : memref<2560x2x128xi32, #tpu.memory_space<hbm>> -> memref<1x1x128xi32, #tpu.memory_space<hbm>>
      %dma_wait3A_71 = tpu.memref_squeeze %dma_wait3A_70 : memref<1x1x128xi32, #tpu.memory_space<hbm>> -> memref<128xi32, #tpu.memory_space<hbm>>
      tpu.wait_dma2 semaphore(%arg16 : memref<!tpu.dma_semaphore, #tpu.memory_space<semaphore_mem>>) src(%dma_wait3A_71 : memref<128xi32, #tpu.memory_space<hbm>>) dst(%arg7 : memref<128xi32, #tpu.memory_space<vmem>>)
      "tpu.region"() ({
        %run_scoped3A = tpu.sem_alloc : memref<!tpu.dma_semaphore, #tpu.memory_space<semaphore_mem>>
        %dma_start3A = arith.constant 0 : i32
        %dma_start3A_105 = arith.constant 0 : i32
        %dma_start3A_106 = tpu.memref_slice %arg11[%dma_start3A, %dma_start3A_105] : memref<10240x128xf32, #tpu.memory_space<vmem_shared>> -> memref<10240x128xf32, #tpu.memory_space<vmem_shared>>
        tpu.enqueue_indirect_dma source(%arg9 : memref<128x128xf32, #tpu.memory_space<vmem>>) target(%dma_start3A_106 : memref<10240x128xf32, #tpu.memory_space<vmem_shared>>) offsets(%arg7 : memref<128xi32, #tpu.memory_space<vmem>>) semaphore(%run_scoped3A : memref<!tpu.dma_semaphore, #tpu.memory_space<semaphore_mem>>) {add = true}
        %dma_wait3A_107 = arith.constant 0 : i32
        %dma_wait3A_108 = arith.constant 0 : i32
        %dma_wait3A_109 = tpu.memref_slice %arg11[%dma_wait3A_107, %dma_wait3A_108] : memref<10240x128xf32, #tpu.memory_space<vmem_shared>> -> memref<10240x128xf32, #tpu.memory_space<vmem_shared>>
        tpu.wait_indirect_dma semaphore(%run_scoped3A : memref<!tpu.dma_semaphore, #tpu.memory_space<semaphore_mem>>) src(%arg9 : memref<128x128xf32, #tpu.memory_space<vmem>>) dst(%dma_wait3A_109 : memref<10240x128xf32, #tpu.memory_space<vmem_shared>>)
        tpu.yield
      }) : () -> ()
      %sub3A_72 = arith.constant 2 : i32
      %sub3A_73 = arith.subi %select_n3A_8, %sub3A_72 : i32
      %lt3A_74 = arith.cmpi slt, %add3A_56, %sub3A_73 : i32
      %convert_element_type3A_75 = arith.extui %lt3A_74 : i1 to i32
      %cond3A_76 = arith.constant 0 : i32
      %cond3A_77 = arith.cmpi ne, %convert_element_type3A_75, %cond3A_76 : i32
      scf.if %cond3A_77 {
        %add3A_105 = arith.addi %select_n3A, %add3A_56 : i32
        %add3A_106 = arith.constant 2 : i32
        %add3A_107 = arith.addi %add3A_105, %add3A_106 : i32
        %dma_start3A = arith.constant 0 : i32
        %dma_start3A_108 = arith.constant 0 : i32
        %dma_start3A_109 = tpu.memref_slice %arg3[%add3A_107, %dma_start3A, %dma_start3A_108] : memref<2560x2x128xi32, #tpu.memory_space<hbm>> -> memref<1x1x128xi32, #tpu.memory_space<hbm>>
        %dma_start3A_110 = tpu.memref_squeeze %dma_start3A_109 : memref<1x1x128xi32, #tpu.memory_space<hbm>> -> memref<128xi32, #tpu.memory_space<hbm>>
        %dma_start3A_111 = arith.constant 0 : i32
        %dma_start3A_112 = tpu.memref_slice %arg3[%add3A_107, %dma_start3A, %dma_start3A_111] : memref<2560x2x128xi32, #tpu.memory_space<hbm>> -> memref<1x1x128xi32, #tpu.memory_space<hbm>>
        %dma_start3A_113 = tpu.memref_squeeze %dma_start3A_112 : memref<1x1x128xi32, #tpu.memory_space<hbm>> -> memref<128xi32, #tpu.memory_space<hbm>>
        tpu.enqueue_dma source(%dma_start3A_113 : memref<128xi32, #tpu.memory_space<hbm>>) target(%arg5 : memref<128xi32, #tpu.memory_space<vmem>>) target_semaphore(%arg14 : memref<!tpu.dma_semaphore, #tpu.memory_space<semaphore_mem>>)
        %add3A_114 = arith.addi %select_n3A, %add3A_56 : i32
        %add3A_115 = arith.constant 2 : i32
        %add3A_116 = arith.addi %add3A_114, %add3A_115 : i32
        %dma_start3A_117 = arith.constant 1 : i32
        %dma_start3A_118 = arith.constant 0 : i32
        %dma_start3A_119 = tpu.memref_slice %arg3[%add3A_116, %dma_start3A_117, %dma_start3A_118] : memref<2560x2x128xi32, #tpu.memory_space<hbm>> -> memref<1x1x128xi32, #tpu.memory_space<hbm>>
        %dma_start3A_120 = tpu.memref_squeeze %dma_start3A_119 : memref<1x1x128xi32, #tpu.memory_space<hbm>> -> memref<128xi32, #tpu.memory_space<hbm>>
        %dma_start3A_121 = arith.constant 0 : i32
        %dma_start3A_122 = tpu.memref_slice %arg3[%add3A_116, %dma_start3A_117, %dma_start3A_121] : memref<2560x2x128xi32, #tpu.memory_space<hbm>> -> memref<1x1x128xi32, #tpu.memory_space<hbm>>
        %dma_start3A_123 = tpu.memref_squeeze %dma_start3A_122 : memref<1x1x128xi32, #tpu.memory_space<hbm>> -> memref<128xi32, #tpu.memory_space<hbm>>
        tpu.enqueue_dma source(%dma_start3A_123 : memref<128xi32, #tpu.memory_space<hbm>>) target(%arg7 : memref<128xi32, #tpu.memory_space<vmem>>) target_semaphore(%arg16 : memref<!tpu.dma_semaphore, #tpu.memory_space<semaphore_mem>>)
      } else {
      }
      %mul3A_78 = arith.constant 2 : i32
      %mul3A_79 = arith.muli %while3A_52, %mul3A_78 : i32
      %add3A_80 = arith.constant 1 : i32
      %add3A_81 = arith.addi %mul3A_79, %add3A_80 : i32
      %sub3A_82 = arith.constant 1 : i32
      %sub3A_83 = arith.subi %select_n3A_8, %sub3A_82 : i32
      %lt3A_84 = arith.cmpi slt, %add3A_81, %sub3A_83 : i32
      %convert_element_type3A_85 = arith.extui %lt3A_84 : i1 to i32
      %cond3A_86 = arith.constant 0 : i32
      %cond3A_87 = arith.cmpi ne, %convert_element_type3A_85, %cond3A_86 : i32
      scf.if %cond3A_87 {
        %add3A_105 = arith.addi %select_n3A, %add3A_81 : i32
        %add3A_106 = arith.constant 1 : i32
        %add3A_107 = arith.addi %add3A_105, %add3A_106 : i32
        %dma_wait3A_108 = arith.constant 0 : i32
        %dma_wait3A_109 = arith.constant 0 : i32
        %dma_wait3A_110 = tpu.memref_slice %arg3[%add3A_107, %dma_wait3A_108, %dma_wait3A_109] : memref<2560x2x128xi32, #tpu.memory_space<hbm>> -> memref<1x1x128xi32, #tpu.memory_space<hbm>>
        %dma_wait3A_111 = tpu.memref_squeeze %dma_wait3A_110 : memref<1x1x128xi32, #tpu.memory_space<hbm>> -> memref<128xi32, #tpu.memory_space<hbm>>
        %dma_wait3A_112 = arith.constant 0 : i32
        %dma_wait3A_113 = tpu.memref_slice %arg3[%add3A_107, %dma_wait3A_108, %dma_wait3A_112] : memref<2560x2x128xi32, #tpu.memory_space<hbm>> -> memref<1x1x128xi32, #tpu.memory_space<hbm>>
        %dma_wait3A_114 = tpu.memref_squeeze %dma_wait3A_113 : memref<1x1x128xi32, #tpu.memory_space<hbm>> -> memref<128xi32, #tpu.memory_space<hbm>>
        tpu.wait_dma2 semaphore(%arg14 : memref<!tpu.dma_semaphore, #tpu.memory_space<semaphore_mem>>) src(%dma_wait3A_114 : memref<128xi32, #tpu.memory_space<hbm>>) dst(%arg5 : memref<128xi32, #tpu.memory_space<vmem>>)
        %dma_start3A = arith.constant 0 : i32
        %dma_start3A_115 = arith.constant 0 : i32
        %dma_start3A_116 = tpu.memref_slice %arg2[%dma_start3A, %dma_start3A_115] : memref<10240x128xf32, #tpu.memory_space<hbm>> -> memref<10240x128xf32, #tpu.memory_space<hbm>>
        tpu.enqueue_indirect_dma source(%dma_start3A_116 : memref<10240x128xf32, #tpu.memory_space<hbm>>) target(%arg9 : memref<128x128xf32, #tpu.memory_space<vmem>>) offsets(%arg5 : memref<128xi32, #tpu.memory_space<vmem>>) semaphore(%arg12 : memref<!tpu.dma_semaphore, #tpu.memory_space<semaphore_mem>>)
      } else {
      }
      %dma_wait3A_88 = arith.constant 0 : i32
      %dma_wait3A_89 = arith.constant 0 : i32
      %dma_wait3A_90 = tpu.memref_slice %arg2[%dma_wait3A_88, %dma_wait3A_89] : memref<10240x128xf32, #tpu.memory_space<hbm>> -> memref<10240x128xf32, #tpu.memory_space<hbm>>
      tpu.wait_indirect_dma semaphore(%arg13 : memref<!tpu.dma_semaphore, #tpu.memory_space<semaphore_mem>>) src(%dma_wait3A_90 : memref<10240x128xf32, #tpu.memory_space<hbm>>) dst(%arg10 : memref<128x128xf32, #tpu.memory_space<vmem>>)
      %add3A_91 = arith.addi %select_n3A, %add3A_81 : i32
      %dma_wait3A_92 = arith.constant 1 : i32
      %dma_wait3A_93 = arith.constant 0 : i32
      %dma_wait3A_94 = tpu.memref_slice %arg3[%add3A_91, %dma_wait3A_92, %dma_wait3A_93] : memref<2560x2x128xi32, #tpu.memory_space<hbm>> -> memref<1x1x128xi32, #tpu.memory_space<hbm>>
      %dma_wait3A_95 = tpu.memref_squeeze %dma_wait3A_94 : memref<1x1x128xi32, #tpu.memory_space<hbm>> -> memref<128xi32, #tpu.memory_space<hbm>>
      %dma_wait3A_96 = arith.constant 0 : i32
      %dma_wait3A_97 = tpu.memref_slice %arg3[%add3A_91, %dma_wait3A_92, %dma_wait3A_96] : memref<2560x2x128xi32, #tpu.memory_space<hbm>> -> memref<1x1x128xi32, #tpu.memory_space<hbm>>
      %dma_wait3A_98 = tpu.memref_squeeze %dma_wait3A_97 : memref<1x1x128xi32, #tpu.memory_space<hbm>> -> memref<128xi32, #tpu.memory_space<hbm>>
      tpu.wait_dma2 semaphore(%arg17 : memref<!tpu.dma_semaphore, #tpu.memory_space<semaphore_mem>>) src(%dma_wait3A_98 : memref<128xi32, #tpu.memory_space<hbm>>) dst(%arg8 : memref<128xi32, #tpu.memory_space<vmem>>)
      "tpu.region"() ({
        %run_scoped3A = tpu.sem_alloc : memref<!tpu.dma_semaphore, #tpu.memory_space<semaphore_mem>>
        %dma_start3A = arith.constant 0 : i32
        %dma_start3A_105 = arith.constant 0 : i32
        %dma_start3A_106 = tpu.memref_slice %arg11[%dma_start3A, %dma_start3A_105] : memref<10240x128xf32, #tpu.memory_space<vmem_shared>> -> memref<10240x128xf32, #tpu.memory_space<vmem_shared>>
        tpu.enqueue_indirect_dma source(%arg10 : memref<128x128xf32, #tpu.memory_space<vmem>>) target(%dma_start3A_106 : memref<10240x128xf32, #tpu.memory_space<vmem_shared>>) offsets(%arg8 : memref<128xi32, #tpu.memory_space<vmem>>) semaphore(%run_scoped3A : memref<!tpu.dma_semaphore, #tpu.memory_space<semaphore_mem>>) {add = true}
        %dma_wait3A_107 = arith.constant 0 : i32
        %dma_wait3A_108 = arith.constant 0 : i32
        %dma_wait3A_109 = tpu.memref_slice %arg11[%dma_wait3A_107, %dma_wait3A_108] : memref<10240x128xf32, #tpu.memory_space<vmem_shared>> -> memref<10240x128xf32, #tpu.memory_space<vmem_shared>>
        tpu.wait_indirect_dma semaphore(%run_scoped3A : memref<!tpu.dma_semaphore, #tpu.memory_space<semaphore_mem>>) src(%arg10 : memref<128x128xf32, #tpu.memory_space<vmem>>) dst(%dma_wait3A_109 : memref<10240x128xf32, #tpu.memory_space<vmem_shared>>)
        tpu.yield
      }) : () -> ()
      %sub3A_99 = arith.constant 2 : i32
      %sub3A_100 = arith.subi %select_n3A_8, %sub3A_99 : i32
      %lt3A_101 = arith.cmpi slt, %add3A_81, %sub3A_100 : i32
      %convert_element_type3A_102 = arith.extui %lt3A_101 : i1 to i32
      %cond3A_103 = arith.constant 0 : i32
      %cond3A_104 = arith.cmpi ne, %convert_element_type3A_102, %cond3A_103 : i32
      scf.if %cond3A_104 {
        %add3A_105 = arith.addi %select_n3A, %add3A_81 : i32
        %add3A_106 = arith.constant 2 : i32
        %add3A_107 = arith.addi %add3A_105, %add3A_106 : i32
        %dma_start3A = arith.constant 0 : i32
        %dma_start3A_108 = arith.constant 0 : i32
        %dma_start3A_109 = tpu.memref_slice %arg3[%add3A_107, %dma_start3A, %dma_start3A_108] : memref<2560x2x128xi32, #tpu.memory_space<hbm>> -> memref<1x1x128xi32, #tpu.memory_space<hbm>>
        %dma_start3A_110 = tpu.memref_squeeze %dma_start3A_109 : memref<1x1x128xi32, #tpu.memory_space<hbm>> -> memref<128xi32, #tpu.memory_space<hbm>>
        %dma_start3A_111 = arith.constant 0 : i32
        %dma_start3A_112 = tpu.memref_slice %arg3[%add3A_107, %dma_start3A, %dma_start3A_111] : memref<2560x2x128xi32, #tpu.memory_space<hbm>> -> memref<1x1x128xi32, #tpu.memory_space<hbm>>
        %dma_start3A_113 = tpu.memref_squeeze %dma_start3A_112 : memref<1x1x128xi32, #tpu.memory_space<hbm>> -> memref<128xi32, #tpu.memory_space<hbm>>
        tpu.enqueue_dma source(%dma_start3A_113 : memref<128xi32, #tpu.memory_space<hbm>>) target(%arg6 : memref<128xi32, #tpu.memory_space<vmem>>) target_semaphore(%arg15 : memref<!tpu.dma_semaphore, #tpu.memory_space<semaphore_mem>>)
        %add3A_114 = arith.addi %select_n3A, %add3A_81 : i32
        %add3A_115 = arith.constant 2 : i32
        %add3A_116 = arith.addi %add3A_114, %add3A_115 : i32
        %dma_start3A_117 = arith.constant 1 : i32
        %dma_start3A_118 = arith.constant 0 : i32
        %dma_start3A_119 = tpu.memref_slice %arg3[%add3A_116, %dma_start3A_117, %dma_start3A_118] : memref<2560x2x128xi32, #tpu.memory_space<hbm>> -> memref<1x1x128xi32, #tpu.memory_space<hbm>>
        %dma_start3A_120 = tpu.memref_squeeze %dma_start3A_119 : memref<1x1x128xi32, #tpu.memory_space<hbm>> -> memref<128xi32, #tpu.memory_space<hbm>>
        %dma_start3A_121 = arith.constant 0 : i32
        %dma_start3A_122 = tpu.memref_slice %arg3[%add3A_116, %dma_start3A_117, %dma_start3A_121] : memref<2560x2x128xi32, #tpu.memory_space<hbm>> -> memref<1x1x128xi32, #tpu.memory_space<hbm>>
        %dma_start3A_123 = tpu.memref_squeeze %dma_start3A_122 : memref<1x1x128xi32, #tpu.memory_space<hbm>> -> memref<128xi32, #tpu.memory_space<hbm>>
        tpu.enqueue_dma source(%dma_start3A_123 : memref<128xi32, #tpu.memory_space<hbm>>) target(%arg8 : memref<128xi32, #tpu.memory_space<vmem>>) target_semaphore(%arg17 : memref<!tpu.dma_semaphore, #tpu.memory_space<semaphore_mem>>)
      } else {
      }
    }
    %barrier3A_46 = arith.constant 0 : index
    tpu.barrier barrier_id(%barrier3A_46)
    %gt3A_47 = arith.constant 0 : i32
    %gt3A_48 = arith.cmpi sgt, %select_n3A_8, %gt3A_47 : i32
    %convert_element_type3A_49 = arith.extui %gt3A_48 : i1 to i32
    %cond3A_50 = arith.constant 0 : i32
    %cond3A_51 = arith.cmpi ne, %convert_element_type3A_49, %cond3A_50 : i32
    scf.if %cond3A_51 {
      %mul3A_52 = arith.constant 640 : i32
      %mul3A_53 = arith.muli %arg1, %mul3A_52 : i32
      %mul3A_54 = arith.constant 640 : i32
      %mul3A_55 = arith.muli %arg1, %mul3A_54 : i32
      "tpu.region"() ({
        %run_scoped3A = tpu.sem_alloc : memref<!tpu.dma_semaphore, #tpu.memory_space<semaphore_mem>>
        %dma_start3A = arith.constant 0 : i32
        %dma_start3A_56 = tpu.memref_slice %arg4[%arg0, %mul3A_55, %dma_start3A] : memref<2x10240x128xf32, #tpu.memory_space<hbm>> -> memref<1x640x128xf32, #tpu.memory_space<hbm>>
        %dma_start3A_57 = tpu.memref_squeeze %dma_start3A_56 : memref<1x640x128xf32, #tpu.memory_space<hbm>> -> memref<640x128xf32, #tpu.memory_space<hbm>>
        %dma_start3A_58 = arith.constant 0 : i32
        %dma_start3A_59 = tpu.memref_slice %arg11[%mul3A_53, %dma_start3A_58] : memref<10240x128xf32, #tpu.memory_space<vmem_shared>> -> memref<640x128xf32, #tpu.memory_space<vmem_shared>>
        tpu.enqueue_dma source(%dma_start3A_59 : memref<640x128xf32, #tpu.memory_space<vmem_shared>>) target(%dma_start3A_57 : memref<640x128xf32, #tpu.memory_space<hbm>>) target_semaphore(%run_scoped3A : memref<!tpu.dma_semaphore, #tpu.memory_space<semaphore_mem>>)
        %dma_wait3A = arith.constant 0 : i32
        %dma_wait3A_60 = tpu.memref_slice %arg4[%arg0, %mul3A_55, %dma_wait3A] : memref<2x10240x128xf32, #tpu.memory_space<hbm>> -> memref<1x640x128xf32, #tpu.memory_space<hbm>>
        %dma_wait3A_61 = tpu.memref_squeeze %dma_wait3A_60 : memref<1x640x128xf32, #tpu.memory_space<hbm>> -> memref<640x128xf32, #tpu.memory_space<hbm>>
        %dma_wait3A_62 = arith.constant 0 : i32
        %dma_wait3A_63 = tpu.memref_slice %arg11[%mul3A_53, %dma_wait3A_62] : memref<10240x128xf32, #tpu.memory_space<vmem_shared>> -> memref<640x128xf32, #tpu.memory_space<vmem_shared>>
        tpu.wait_dma2 semaphore(%run_scoped3A : memref<!tpu.dma_semaphore, #tpu.memory_space<semaphore_mem>>) src(%dma_wait3A_63 : memref<640x128xf32, #tpu.memory_space<vmem_shared>>) dst(%dma_wait3A_61 : memref<640x128xf32, #tpu.memory_space<hbm>>)
        tpu.yield
      }) : () -> ()
    } else {
    }
    return
  }
}

module attributes {stable_mosaic.version = 14 : i64} {
  func.func @body(%arg0: i32, %arg1: memref<512x128xf32, #tpu.memory_space<vmem>>, %arg2: memref<2x512x16xf32, #tpu.memory_space<vmem>>, %arg3: memref<512x128xf32, #tpu.memory_space<vmem>>, %arg4: memref<512x1xf32, #tpu.memory_space<vmem>>, %arg5: memref<512x1xf32, #tpu.memory_space<vmem>>) attributes {dimension_semantics = [#tpu.dimension_semantics<arbitrary>], iteration_bounds = array<i64: 20>, scalar_prefetch = 0 : i64, scratch_operands = 0 : i64, tpu.core_type = #tpu.core_type<tc>, window_params = [{transform_indices = @transform_0, window_bounds = array<i64: 512, 128>}, {transform_indices = @transform_1, window_bounds = array<i64: 2, 512, 16>}, {transform_indices = @transform_2, window_bounds = array<i64: 512, 128>}, {transform_indices = @transform_3, window_bounds = array<i64: 512, 1>}, {transform_indices = @transform_4, window_bounds = array<i64: 512, 1>}]} {
    %get3A = arith.constant 0 : index
    %get3A_0 = arith.constant 0 : index
    %get3A_1 = arith.constant 0 : index
    %get3A_2 = vector.load %arg2[%get3A, %get3A_0, %get3A_1] : memref<2x512x16xf32, #tpu.memory_space<vmem>>, vector<2x512x16xf32>
    %slice3A = vector.extract_strided_slice %get3A_2 {offsets = [0, 0, 0], sizes = [1, 512, 1], strides = [1, 1, 1]} : vector<2x512x16xf32> to vector<1x512x1xf32>
    %squeeze3A = vector.shape_cast %slice3A : vector<1x512x1xf32> to vector<512x1xf32>
    %slice3A_3 = vector.extract_strided_slice %get3A_2 {offsets = [1, 0, 0], sizes = [1, 512, 1], strides = [1, 1, 1]} : vector<2x512x16xf32> to vector<1x512x1xf32>
    %squeeze3A_4 = vector.shape_cast %slice3A_3 : vector<1x512x1xf32> to vector<512x1xf32>
    %add3A = arith.addf %squeeze3A, %squeeze3A_4 : vector<512x1xf32>
    %slice3A_5 = vector.extract_strided_slice %get3A_2 {offsets = [0, 0, 1], sizes = [1, 512, 1], strides = [1, 1, 1]} : vector<2x512x16xf32> to vector<1x512x1xf32>
    %squeeze3A_6 = vector.shape_cast %slice3A_5 : vector<1x512x1xf32> to vector<512x1xf32>
    %slice3A_7 = vector.extract_strided_slice %get3A_2 {offsets = [1, 0, 1], sizes = [1, 512, 1], strides = [1, 1, 1]} : vector<2x512x16xf32> to vector<1x512x1xf32>
    %squeeze3A_8 = vector.shape_cast %slice3A_7 : vector<1x512x1xf32> to vector<512x1xf32>
    %add3A_9 = arith.addf %squeeze3A_6, %squeeze3A_8 : vector<512x1xf32>
    %max3A = arith.constant 1.000000e+00 : f32
    %max3A_10 = vector.broadcast %max3A : f32 to vector<512x1xf32>
    %max3A_11 = arith.maximumf %add3A, %max3A_10 : vector<512x1xf32>
    %rsqrt3A = math.rsqrt %max3A_11 : vector<512x1xf32>
    %max3A_12 = arith.constant 1.000000e+00 : f32
    %max3A_13 = vector.broadcast %max3A_12 : f32 to vector<512x1xf32>
    %max3A_14 = arith.maximumf %add3A_9, %max3A_13 : vector<512x1xf32>
    %rsqrt3A_15 = math.rsqrt %max3A_14 : vector<512x1xf32>
    %swap3A = arith.constant 0 : index
    %swap3A_16 = arith.constant 0 : index
    %swap3A_17 = vector.load %arg4[%swap3A, %swap3A_16] : memref<512x1xf32, #tpu.memory_space<vmem>>, vector<512x1xf32>
    tpu.vector_store %arg4[%swap3A, %swap3A_16], %rsqrt3A {strides = array<i32>} : memref<512x1xf32, #tpu.memory_space<vmem>>, vector<512x1xf32>,
    %swap3A_18 = arith.constant 0 : index
    %swap3A_19 = arith.constant 0 : index
    %swap3A_20 = vector.load %arg5[%swap3A_18, %swap3A_19] : memref<512x1xf32, #tpu.memory_space<vmem>>, vector<512x1xf32>
    tpu.vector_store %arg5[%swap3A_18, %swap3A_19], %rsqrt3A_15 {strides = array<i32>} : memref<512x1xf32, #tpu.memory_space<vmem>>, vector<512x1xf32>,
    %get3A_21 = arith.constant 0 : index
    %get3A_22 = arith.constant 0 : index
    %get3A_23 = vector.load %arg1[%get3A_21, %get3A_22] : memref<512x128xf32, #tpu.memory_space<vmem>>, vector<512x128xf32>
    %mul3A = vector.broadcast %rsqrt3A : vector<512x1xf32> to vector<512x128xf32>
    %mul3A_24 = arith.mulf %get3A_23, %mul3A : vector<512x128xf32>
    %swap3A_25 = arith.constant 0 : index
    %swap3A_26 = arith.constant 0 : index
    %swap3A_27 = vector.load %arg3[%swap3A_25, %swap3A_26] : memref<512x128xf32, #tpu.memory_space<vmem>>, vector<512x128xf32>
    tpu.vector_store %arg3[%swap3A_25, %swap3A_26], %mul3A_24 {strides = array<i32>} : memref<512x128xf32, #tpu.memory_space<vmem>>, vector<512x128xf32>,
    return
  }
  func.func @transform_0(%arg0: i32) -> (i32, i32) {
    %c0_i32 = arith.constant 0 : i32
    %c0_i32_0 = arith.constant 0 : i32
    return %arg0, %c0_i32 : i32, i32
  }
  func.func @transform_1(%arg0: i32) -> (i32, i32, i32) {
    %c0_i32 = arith.constant 0 : i32
    %c0_i32_0 = arith.constant 0 : i32
    %c0_i32_1 = arith.constant 0 : i32
    return %c0_i32, %arg0, %c0_i32_0 : i32, i32, i32
  }
  func.func @transform_2(%arg0: i32) -> (i32, i32) {
    %c0_i32 = arith.constant 0 : i32
    %c0_i32_0 = arith.constant 0 : i32
    return %arg0, %c0_i32 : i32, i32
  }
  func.func @transform_3(%arg0: i32) -> (i32, i32) {
    %c0_i32 = arith.constant 0 : i32
    %c0_i32_0 = arith.constant 0 : i32
    return %arg0, %c0_i32 : i32, i32
  }
  func.func @transform_4(%arg0: i32) -> (i32, i32) {
    %c0_i32 = arith.constant 0 : i32
    %c0_i32_0 = arith.constant 0 : i32
    return %arg0, %c0_i32 : i32, i32
  }
}

module attributes {stable_mosaic.version = 14 : i64} {
  func.func @body(%arg0: i32, %arg1: memref<2x512x128xf32, #tpu.memory_space<vmem>>, %arg2: memref<128x128xf32, #tpu.memory_space<vmem>>, %arg3: memref<1x128xf32, #tpu.memory_space<vmem>>, %arg4: memref<512x1xf32, #tpu.memory_space<vmem>>, %arg5: memref<512x1xf32, #tpu.memory_space<vmem>>, %arg6: memref<512x128xf32, #tpu.memory_space<vmem>>) attributes {dimension_semantics = [#tpu.dimension_semantics<arbitrary>], iteration_bounds = array<i64: 20>, scalar_prefetch = 0 : i64, scratch_operands = 0 : i64, tpu.core_type = #tpu.core_type<tc>, window_params = [{transform_indices = @transform_0, window_bounds = array<i64: 2, 512, 128>}, {pipeline_mode = #tpu.pipeline_mode<synchronous>, transform_indices = @transform_1, window_bounds = array<i64: 128, 128>}, {pipeline_mode = #tpu.pipeline_mode<synchronous>, transform_indices = @transform_2, window_bounds = array<i64: 1, 128>}, {transform_indices = @transform_3, window_bounds = array<i64: 512, 1>}, {transform_indices = @transform_4, window_bounds = array<i64: 512, 1>}, {transform_indices = @transform_5, window_bounds = array<i64: 512, 128>}]} {
    %get3A = arith.constant 0 : index
    %get3A_0 = arith.constant 0 : index
    %get3A_1 = arith.constant 0 : index
    %get3A_2 = vector.load %arg1[%get3A, %get3A_0, %get3A_1] : memref<2x512x128xf32, #tpu.memory_space<vmem>>, vector<1x512x128xf32>
    %get3A_3 = vector.shape_cast %get3A_2 : vector<1x512x128xf32> to vector<512x128xf32>
    %get3A_4 = arith.constant 1 : index
    %get3A_5 = arith.constant 0 : index
    %get3A_6 = arith.constant 0 : index
    %get3A_7 = vector.load %arg1[%get3A_4, %get3A_5, %get3A_6] : memref<2x512x128xf32, #tpu.memory_space<vmem>>, vector<1x512x128xf32>
    %get3A_8 = vector.shape_cast %get3A_7 : vector<1x512x128xf32> to vector<512x128xf32>
    %add3A = arith.addf %get3A_3, %get3A_8 : vector<512x128xf32>
    %get3A_9 = arith.constant 0 : index
    %get3A_10 = arith.constant 0 : index
    %get3A_11 = vector.load %arg2[%get3A_9, %get3A_10] : memref<128x128xf32, #tpu.memory_space<vmem>>, vector<128x128xf32>
    %dot_general3A = arith.constant dense<0.000000e+00> : vector<512x128xf32>
    %dot_general3A_12 = tpu.matmul %add3A, %get3A_11, %dot_general3A {dimension_numbers = #tpu.dot_dimension_numbers<[1], [0], [0], [1], [0, 0, 1, 1], [], []>, precision = #tpu.contract_precision<fp32>, transpose_lhs_hint = false} : vector<512x128xf32>, vector<128x128xf32>, vector<512x128xf32> -> vector<512x128xf32>
    %get3A_13 = arith.constant 0 : index
    %get3A_14 = arith.constant 0 : index
    %get3A_15 = vector.load %arg4[%get3A_13, %get3A_14] : memref<512x1xf32, #tpu.memory_space<vmem>>, vector<512x1xf32>
    %mul3A = vector.broadcast %get3A_15 : vector<512x1xf32> to vector<512x128xf32>
    %mul3A_16 = arith.mulf %dot_general3A_12, %mul3A : vector<512x128xf32>
    %get3A_17 = arith.constant 0 : index
    %get3A_18 = arith.constant 0 : index
    %get3A_19 = vector.load %arg3[%get3A_17, %get3A_18] : memref<1x128xf32, #tpu.memory_space<vmem>>, vector<1x128xf32>
    %add3A_20 = vector.broadcast %get3A_19 : vector<1x128xf32> to vector<512x128xf32>
    %add3A_21 = arith.addf %mul3A_16, %add3A_20 : vector<512x128xf32>
    %max3A = arith.constant 0.000000e+00 : f32
    %max3A_22 = vector.broadcast %max3A : f32 to vector<512x128xf32>
    %max3A_23 = arith.maximumf %add3A_21, %max3A_22 : vector<512x128xf32>
    %get3A_24 = arith.constant 0 : index
    %get3A_25 = arith.constant 0 : index
    %get3A_26 = vector.load %arg5[%get3A_24, %get3A_25] : memref<512x1xf32, #tpu.memory_space<vmem>>, vector<512x1xf32>
    %mul3A_27 = vector.broadcast %get3A_26 : vector<512x1xf32> to vector<512x128xf32>
    %mul3A_28 = arith.mulf %max3A_23, %mul3A_27 : vector<512x128xf32>
    %swap3A = arith.constant 0 : index
    %swap3A_29 = arith.constant 0 : index
    %swap3A_30 = vector.load %arg6[%swap3A, %swap3A_29] : memref<512x128xf32, #tpu.memory_space<vmem>>, vector<512x128xf32>
    tpu.vector_store %arg6[%swap3A, %swap3A_29], %mul3A_28 {strides = array<i32>} : memref<512x128xf32, #tpu.memory_space<vmem>>, vector<512x128xf32>,
    return
  }
  func.func @transform_0(%arg0: i32) -> (i32, i32, i32) {
    %c0_i32 = arith.constant 0 : i32
    %c0_i32_0 = arith.constant 0 : i32
    %c0_i32_1 = arith.constant 0 : i32
    return %c0_i32, %arg0, %c0_i32_0 : i32, i32, i32
  }
  func.func @transform_1(%arg0: i32) -> (i32, i32) {
    %c0_i32 = arith.constant 0 : i32
    %c0_i32_0 = arith.constant 0 : i32
    %c0_i32_1 = arith.constant 0 : i32
    return %c0_i32, %c0_i32_0 : i32, i32
  }
  func.func @transform_2(%arg0: i32) -> (i32, i32) {
    %c0_i32 = arith.constant 0 : i32
    %c0_i32_0 = arith.constant 0 : i32
    %c0_i32_1 = arith.constant 0 : i32
    return %c0_i32, %c0_i32_0 : i32, i32
  }
  func.func @transform_3(%arg0: i32) -> (i32, i32) {
    %c0_i32 = arith.constant 0 : i32
    %c0_i32_0 = arith.constant 0 : i32
    return %arg0, %c0_i32 : i32, i32
  }
  func.func @transform_4(%arg0: i32) -> (i32, i32) {
    %c0_i32 = arith.constant 0 : i32
    %c0_i32_0 = arith.constant 0 : i32
    return %arg0, %c0_i32 : i32, i32
  }
  func.func @transform_5(%arg0: i32) -> (i32, i32) {
    %c0_i32 = arith.constant 0 : i32
    %c0_i32_0 = arith.constant 0 : i32
    return %arg0, %c0_i32 : i32, i32
  }
}

module attributes {stable_mosaic.version = 14 : i64} {
  func.func @body(%arg0: i32, %arg1: memref<2x512x128xf32, #tpu.memory_space<vmem>>, %arg2: memref<128x128xf32, #tpu.memory_space<vmem>>, %arg3: memref<1x128xf32, #tpu.memory_space<vmem>>, %arg4: memref<512x1xf32, #tpu.memory_space<vmem>>, %arg5: memref<512x1xf32, #tpu.memory_space<vmem>>, %arg6: memref<512x128xf32, #tpu.memory_space<vmem>>) attributes {dimension_semantics = [#tpu.dimension_semantics<arbitrary>], iteration_bounds = array<i64: 20>, scalar_prefetch = 0 : i64, scratch_operands = 0 : i64, tpu.core_type = #tpu.core_type<tc>, window_params = [{transform_indices = @transform_0, window_bounds = array<i64: 2, 512, 128>}, {pipeline_mode = #tpu.pipeline_mode<synchronous>, transform_indices = @transform_1, window_bounds = array<i64: 128, 128>}, {pipeline_mode = #tpu.pipeline_mode<synchronous>, transform_indices = @transform_2, window_bounds = array<i64: 1, 128>}, {transform_indices = @transform_3, window_bounds = array<i64: 512, 1>}, {transform_indices = @transform_4, window_bounds = array<i64: 512, 1>}, {transform_indices = @transform_5, window_bounds = array<i64: 512, 128>}]} {
    %get3A = arith.constant 0 : index
    %get3A_0 = arith.constant 0 : index
    %get3A_1 = arith.constant 0 : index
    %get3A_2 = vector.load %arg1[%get3A, %get3A_0, %get3A_1] : memref<2x512x128xf32, #tpu.memory_space<vmem>>, vector<1x512x128xf32>
    %get3A_3 = vector.shape_cast %get3A_2 : vector<1x512x128xf32> to vector<512x128xf32>
    %get3A_4 = arith.constant 1 : index
    %get3A_5 = arith.constant 0 : index
    %get3A_6 = arith.constant 0 : index
    %get3A_7 = vector.load %arg1[%get3A_4, %get3A_5, %get3A_6] : memref<2x512x128xf32, #tpu.memory_space<vmem>>, vector<1x512x128xf32>
    %get3A_8 = vector.shape_cast %get3A_7 : vector<1x512x128xf32> to vector<512x128xf32>
    %add3A = arith.addf %get3A_3, %get3A_8 : vector<512x128xf32>
    %get3A_9 = arith.constant 0 : index
    %get3A_10 = arith.constant 0 : index
    %get3A_11 = vector.load %arg2[%get3A_9, %get3A_10] : memref<128x128xf32, #tpu.memory_space<vmem>>, vector<128x128xf32>
    %dot_general3A = arith.constant dense<0.000000e+00> : vector<512x128xf32>
    %dot_general3A_12 = tpu.matmul %add3A, %get3A_11, %dot_general3A {dimension_numbers = #tpu.dot_dimension_numbers<[1], [0], [0], [1], [0, 0, 1, 1], [], []>, precision = #tpu.contract_precision<fp32>, transpose_lhs_hint = false} : vector<512x128xf32>, vector<128x128xf32>, vector<512x128xf32> -> vector<512x128xf32>
    %get3A_13 = arith.constant 0 : index
    %get3A_14 = arith.constant 0 : index
    %get3A_15 = vector.load %arg4[%get3A_13, %get3A_14] : memref<512x1xf32, #tpu.memory_space<vmem>>, vector<512x1xf32>
    %mul3A = vector.broadcast %get3A_15 : vector<512x1xf32> to vector<512x128xf32>
    %mul3A_16 = arith.mulf %dot_general3A_12, %mul3A : vector<512x128xf32>
    %get3A_17 = arith.constant 0 : index
    %get3A_18 = arith.constant 0 : index
    %get3A_19 = vector.load %arg3[%get3A_17, %get3A_18] : memref<1x128xf32, #tpu.memory_space<vmem>>, vector<1x128xf32>
    %add3A_20 = vector.broadcast %get3A_19 : vector<1x128xf32> to vector<512x128xf32>
    %add3A_21 = arith.addf %mul3A_16, %add3A_20 : vector<512x128xf32>
    %swap3A = arith.constant 0 : index
    %swap3A_22 = arith.constant 0 : index
    %swap3A_23 = vector.load %arg6[%swap3A, %swap3A_22] : memref<512x128xf32, #tpu.memory_space<vmem>>, vector<512x128xf32>
    tpu.vector_store %arg6[%swap3A, %swap3A_22], %add3A_21 {strides = array<i32>} : memref<512x128xf32, #tpu.memory_space<vmem>>, vector<512x128xf32>,
    return
  }
  func.func @transform_0(%arg0: i32) -> (i32, i32, i32) {
    %c0_i32 = arith.constant 0 : i32
    %c0_i32_0 = arith.constant 0 : i32
    %c0_i32_1 = arith.constant 0 : i32
    return %c0_i32, %arg0, %c0_i32_0 : i32, i32, i32
  }
  func.func @transform_1(%arg0: i32) -> (i32, i32) {
    %c0_i32 = arith.constant 0 : i32
    %c0_i32_0 = arith.constant 0 : i32
    %c0_i32_1 = arith.constant 0 : i32
    return %c0_i32, %c0_i32_0 : i32, i32
  }
  func.func @transform_2(%arg0: i32) -> (i32, i32) {
    %c0_i32 = arith.constant 0 : i32
    %c0_i32_0 = arith.constant 0 : i32
    %c0_i32_1 = arith.constant 0 : i32
    return %c0_i32, %c0_i32_0 : i32, i32
  }
  func.func @transform_3(%arg0: i32) -> (i32, i32) {
    %c0_i32 = arith.constant 0 : i32
    %c0_i32_0 = arith.constant 0 : i32
    return %arg0, %c0_i32 : i32, i32
  }
  func.func @transform_4(%arg0: i32) -> (i32, i32) {
    %c0_i32 = arith.constant 0 : i32
    %c0_i32_0 = arith.constant 0 : i32
    return %arg0, %c0_i32 : i32, i32
  }
  func.func @transform_5(%arg0: i32) -> (i32, i32) {
    %c0_i32 = arith.constant 0 : i32
    %c0_i32_0 = arith.constant 0 : i32
    return %arg0, %c0_i32 : i32, i32
  }
}

</mosaic_0001>

<sc_bundles>
// kernel: kernel.11.cloned.1.call-start
scs
__scs_entry_jumppad:
0x0: {  	(pc) =	sbr.rel $0x88, $3  }
0x1: {  	(tag) =	ssettag $0x0;
	lr =	simm.s32 $0x1  }
0x2: {  	[smem:$0x3F9B] =	sst lr;
	_ =	strace $0xD0000000  }
0x3: {  	_ = 	snop  }
0x4: {  	_ = 	snop  }
0x5: {  	_ = 	snop  }
0x6: {  	_ = 	snop  }
0x7: {  	_ = 	snop  }
__scs_overlays_trampoline_lowered:
0x8: {  	[smem:$0x3FAA] =	sst s0  }
0x9: {  	[smem:$0x3FAB] =	sst s1  }
0xa: {  	[smem:$0x3FAC] =	sst s2  }
0xb: {  	[smem:$0x3FAD] =	sst s3  }
0xc: {  	[smem:$0x3FAE] =	sst s4  }
0xd: {  	[smem:$0x3FAF] =	sst s5  }
0xe: {  	[smem:$0x3FB0] =	sst s6  }
0xf: {  	[smem:$0x3FB1] =	sst s7  }
0x10: {  	[smem:$0x3FB2] =	sst s8  }
0x11: {  	[smem:$0x3FB3] =	sst s9;
	s0 =	simm.s32 @!p0 $0x0  }
0x12: {  	s1 =	sld [smem:$0x3F99];
	s0 =	simm.s32 @p0 $0x1  }
0x13: {  	[smem:$0x3FB4] =	sst s0;
	s0 =	simm.s32 @!p1 $0x0  }
0x14: {  	s2 =	sld [smem:$0x3F98];
	s0 =	simm.s32 @p1 $0x1  }
0x15: {  	[smem:$0x3FB5] =	sst s0;
	s0 =	simm.s32 @!p2 $0x0  }
0x16: {  	s3 =	sld [smem:$0x3FDB];
	s0 =	simm.s32 @p2 $0x1  }
0x17: {  	s4 =	simm.s32 $0x1BF5;
	[smem:$0x3FB7] =	sst s0  }
0x18: {  	s0 =	sld [smem:$0x3F9A];
	_ =	swait.ge [sflag:s4], $0x0  }
0x19: {  	s7 =	sld [smem:$0x3F9B]  }
0x1a: {  	s8 =	sadd.s32 $0xFFFFE003, lr  }
0x1b: {  	s9 =	sadd.s32 $0xFFFFFEF7, lr;
	s5 =	simm.s32 $0xFFFFFFFF;
	p2 =	slt.u32 s8, $0xFFFFF086  }
0x1c: {  	p1 =	slt.u32 s9, $0xF7A;
	s5 =	simm.s32 @!p2 $0x0  }
0x1d: {  	s5 =	simm.s32 @p1 $0x1;
	p0 =	seq.s32 s7, s2  }
0x1e: {  	s7 =	smul.u32 @!p0 $0xF7A, s2;
	p2 =	seq.s32 @!p0 s5, $0x0  }
0x1f: {  	s9 =	smul.u32 $0xF7A, s1;
	s8 =	simm.s32 @!p0 $0x1BF5;
	p2 =	por !p2, p0  }
0x20: {  	[sflag:s8] =	ssyncset.s32 @!p0 $0xFFFFF086;
	s6 =	sadd.s32 @!p0 s3, s7;
	s7 =	simm.s32 @!p0 $0x108  }
0x21: {  	s3 =	sadd.s32 s3, s9;
	s6 =	sadd.s32 @!p0 $0x88, s6;
	s7 =	simm.s32 @p2 $0x1082  }
0x22: {  	[simem:s7], [sflag:s8] =	dma.local @!p0 [hbm:s6], $0xF7A  }
0x23: {  	s9 =	sor.u32 $0xD0000000, s2;
	s6 =	simm.s32 $0x108;
	_ =	swait.ge @!p0 [sflag:s8], $0x0  }
0x24: {  	s3 =	sadd.s32 $0x88, s3;
	s6 =	simm.s32 @!p1 $0x1082;
	[sflag:s4] =	ssyncset.s32 $0xFFFFF086  }
0x25: {  	[simem:s6], [sflag:s4] =	dma.local [hbm:s3], $0xF7A  }
0x26: {  	[smem:$0x3F9B] =	sst s1;
	(tag) =	ssettag s2;
	_ =	strace s9  }
0x27: {  	s1 =	sld [smem:$0x3FAB]  }
0x28: {  	s2 =	sld [smem:$0x3FAC]  }
0x29: {  	s4 =	sld [smem:$0x3FAE]  }
0x2a: {  	p0 =	seq.s32 s5, $0x0;
	s5 =	sld [smem:$0x3FAF]  }
0x2b: {  	s6 =	sld [smem:$0x3FB0]  }
0x2c: {  	s7 =	sld [smem:$0x3FB1]  }
0x2d: {  	s3 =	simm.s32 $0x108;
	s8 =	sld [smem:$0x3FB2]  }
0x2e: {  	s3 =	simm.s32 @!p0 $0x1082;
	s9 =	sld [smem:$0x3FB3]  }
0x2f: {  	lr =	sadd.s32 s0, s3;
	s0 =	sld [smem:$0x3FAA]  }
0x30: {  	s3 =	sld [smem:$0x3FAD]  }
0x31: {  	[smem:$0x3FB6] =	sst s10  }
0x32: {  	s10 =	sld [smem:$0x3FB4];
	_ =	sdelay $0x3  }
0x33: {  	p0 =	seq.s32 s10, $0x1;
	s10 =	sld [smem:$0x3FB6];
	_ =	sdelay $0x3  }
0x34: {  	[smem:$0x3FB6] =	sst s10  }
0x35: {  	s10 =	sld [smem:$0x3FB5];
	_ =	sdelay $0x3  }
0x36: {  	p1 =	seq.s32 s10, $0x1;
	s10 =	sld [smem:$0x3FB6];
	_ =	sdelay $0x3  }
0x37: {  	[smem:$0x3FB6] =	sst s10  }
0x38: {  	s10 =	sld [smem:$0x3FB7]  }
0x39: {  	_ = 	snop;
	(pc) =	sbr.ind lr, $3  }
0x3a: {  	_ = 	snop  }
0x3b: {  	_ = 	snop  }
0x3c: {  	p2 =	seq.s32 s10, $0x1;
	s10 =	sld [smem:$0x3FB6]  }
0x3d: {  	_ =	shalt  }
0x3e: {  	_ =	shalt  }
0x3f: {  	_ =	shalt  }
0x40: {  	_ =	shalt  }
0x41: {  	_ =	shalt  }
0x42: {  	_ =	shalt  }
0x43: {  	_ =	shalt  }
0x44: {  	_ =	shalt  }
0x45: {  	_ =	shalt  }
0x46: {  	_ =	shalt  }
0x47: {  	_ =	shalt  }
0x48: {  	_ =	shalt  }
0x49: {  	_ =	shalt  }
0x4a: {  	_ =	shalt  }
0x4b: {  	_ =	shalt  }
0x4c: {  	_ =	shalt  }
0x4d: {  	_ =	shalt  }
0x4e: {  	_ =	shalt  }
0x4f: {  	_ =	shalt  }
0x50: {  	_ =	shalt  }
0x51: {  	_ =	shalt  }
0x52: {  	_ =	shalt  }
0x53: {  	_ =	shalt  }
0x54: {  	_ =	shalt  }
0x55: {  	_ =	shalt  }
0x56: {  	_ =	shalt  }
0x57: {  	_ =	shalt  }
0x58: {  	_ =	shalt  }
0x59: {  	_ =	shalt  }
0x5a: {  	_ =	shalt  }
0x5b: {  	_ =	shalt  }
0x5c: {  	_ =	shalt  }
0x5d: {  	_ =	shalt  }
0x5e: {  	_ =	shalt  }
0x5f: {  	_ =	shalt  }
0x60: {  	_ =	shalt  }
0x61: {  	_ =	shalt  }
0x62: {  	_ =	shalt  }
0x63: {  	_ =	shalt  }
0x64: {  	_ =	shalt  }
0x65: {  	_ =	shalt  }
0x66: {  	_ =	shalt  }
0x67: {  	_ =	shalt  }
0x68: {  	_ =	shalt  }
0x69: {  	_ =	shalt  }
0x6a: {  	_ =	shalt  }
0x6b: {  	_ =	shalt  }
0x6c: {  	_ =	shalt  }
0x6d: {  	_ =	shalt  }
0x6e: {  	_ =	shalt  }
0x6f: {  	_ =	shalt  }
0x70: {  	_ =	shalt  }
0x71: {  	_ =	shalt  }
0x72: {  	_ =	shalt  }
0x73: {  	_ =	shalt  }
0x74: {  	_ =	shalt  }
0x75: {  	_ =	shalt  }
0x76: {  	_ =	shalt  }
0x77: {  	_ =	shalt  }
0x78: {  	_ =	shalt  }
0x79: {  	_ =	shalt  }
0x7a: {  	_ =	shalt  }
0x7b: {  	_ =	shalt  }
0x7c: {  	_ =	shalt  }
0x7d: {  	_ =	shalt  }
0x7e: {  	_ =	shalt  }
0x7f: {  	_ =	shalt  }
0x80: {  	_ =	shalt  }
0x81: {  	_ =	shalt  }
0x82: {  	_ =	shalt  }
0x83: {  	_ =	shalt  }
0x84: {  	_ =	shalt  }
0x85: {  	_ =	shalt  }
0x86: {  	_ =	shalt  }
0x87: {  	_ =	shalt  }
.Lfunc_end0:
.L_simem_size_0:
called_computation.1_lowered:
.L_overlay_start_0:
0x88: {  	s2 =	sld [smem:$0x3FD9]  }
0x89: {  	s3 =	sld [smem:$0x3FFE];
	_ =	sdelay $0x1  }
0x8a: {  	s1 =	srdreg.scid  }
0x8b: {  	s0 =	sand.u32 $0x1, s1  }
0x8c: {  	s17 =	sshll.u32 s0, $0xA;
	s2 =	sadd.s32 s3, s2  }
0x8d: {  	s2 =	sadd.s32 s2, s17  }
0x8e: {  	[smem:$0x3FC2] =	sst s2  }
0x8f: {  	_ = 	snop  }
0x90: {  	s2 =	sld [smem:$0x3FD0];
	(tm) =	ssettm $0x1  }
0x91: {  	s18 =	sld [smem:$0x3FFB];
	_ =	sdelay $0x3  }
0x92: {  	_ =	strace s18  }
0x93: {  	s3 =	sld [smem:$0x3FFC];
	_ =	sdelay $0x3  }
0x94: {  	_ =	strace s3  }
0x95: {  	s3 =	sld [smem:$0x3FFD];
	_ =	sdelay $0x3  }
0x96: {  	_ =	strace s3  }
0x97: {  	_ =	strace $0x8FFFFFFF  }
0x98: {  	s19 =	sld [smem:$0x3FDB];
	_ =	sdelay $0x1  }
0x99: {  	s4 =	simm.s32 $_scs_section_size  }
0x9a: {  	s5 =	simm.s32 $_size__tile_overlayer_lowered;
	s6 =	simm.s32 $_tile_overlayer_lowered  }
0x9b: {  	s22 =	simm.s32 $0x1BFF;
	s21 =	sshll.u32 s6, $0x1;
	s3 =	sadd.s32 s4, s19  }
0x9c: {  	s7 =	simm.s32 $0x0;
	s20 =	sshll.u32 s5, $0x1;
	s5 =	sadd.s32 s21, s3  }
0x9d: {  	[timem:s7], [sflag:s22] =	dma.local [hbm:s5], s20  }
0x9e: {  	_ =	swait.ge [sflag:s22], s20  }
0x9f: {  	s4 =	ssub.s32 $0x0, s20;
	[sflag:s22] =	ssyncset.done $0x0  }
0xa0: {  	[sflag:s22] =	ssyncadd.s32 s4;
	_ =	sdelay $0x1  }
0xa1: {  	s23 =	simm.s32 $0x1B8B  }
0xa2: {  	_ =	swait.ge [sflag:s23], $0x1  }
0xa3: {  	[sflag:s23] =	ssyncset.done $0x0  }
0xa4: {  	s25 =	simm.s32 $0x1B8E;
	s24 =	sld [smem:$0x3FFE];
	[sflag:s23] =	ssyncadd.s32 $0xFFFFFFFF  }
0xa5: {  	s26 =	simm.s32 $execute0_lowered;
	[smem:$0x3FD2] =	sst s25  }
0xa6: {  	s5 =	sshll.u32 s26, $0x1;
	_ =	strace $0x80000049;
	[dreg:$0x1] =	wrdreg $0xFFFFFFFF  }
0xa7: {  	s28 =	simm.s32 $_size_execute0_lowered;
	s3 =	sadd.s32 s3, s5;
	[dreg:$0x0] =	wrdreg $0x0  }
0xa8: {  	s5 =	sshll.u32 s28, $0x1;
	[dreg:$0x2] =	wrdreg s3  }
0xa9: {  	[dreg:$0x3] =	wrdreg s5  }
0xaa: {  	[dreg:$0x4] =	wrdreg $0xC0  }
0xab: {  	_ =	task [dreg:s7], $0x5FFFF  }
0xac: {  	[dreg:$0x1] =	wrdreg $0xFFFFFFFF  }
0xad: {  	[dreg:$0x0] =	wrdreg $0x60  }
0xae: {  	[dreg:$0x2] =	wrdreg s24  }
0xaf: {  	[dreg:$0x3] =	wrdreg s2  }
0xb0: {  	[dreg:$0x4] =	wrdreg $0x82000  }
0xb1: {  	[dreg:$0x5] =	wrdreg $0x9  }
0xb2: {  	_ =	task.clear_ibuf [dreg:s7], $0x6FFFF;
	_ =	strace $0x90000049  }
0xb3: {  	s29 =	simm.s32 $0x9;
	_ =	strace $0x8000004B  }
0xb4: {  	_ =	swait.ge [sflag:s29], $0x1  }
0xb5: {  	[sflag:s29] =	ssyncadd.s32 $0xFFFFFFFF  }
0xb6: {  	_ =	strace $0x9000004B  }
0xb7: {  	_ =	sfence  }
0xb8: {  	s30 =	sld [smem:$0x0];
	_ =	sdelay $0x2  }
0xb9: {  	s31 =	sshll.u32 s1, $0xD;
	s1 =	sshrl.u32 s1, $0x2  }
0xba: {  	s3 =	sand.u32 $0x4000, s31;
	s1 =	sadd.s32 s1, s30  }
0xbb: {  	s0 =	sor.u32 s3, s0;
	s1 =	sshll.u32 s1, $0x11  }
0xbc: {  	s0 =	sor.u32 s1, s0  }
0xbd: {  	s0 =	sadd.s32 $0x8F2B, s0  }
0xbe: {  	[sflag:s0] =	ssyncadd.remote.s32 $0x1  }
0xbf: {  	_ =	sfence.sel $0xFFFF  }
0xc0: {  	[dreg:$0x0] =	wrdreg $0xFFFFFFFF;
	(pc) =	sbr.abs _section_cstart, $3  }
0xc1: {  	[dreg:$0x1] =	wrdreg $0xFFFFFFFF  }
0xc2: {  	_ =	task.clear_ibuf [dreg:s7], $0x2FFFF;
	_ =	strace $0x9FFFFFFF  }
0xc3: {  	(tm) =	ssettm $0x7FFFFFFF  }
tec
execute0_lowered:
.L_overlay_start_1:
0x0: {  	(tag) =	ssettag $0x1  }
0x1: {  	s0 =	rddreg [dreg:$0x0]  }
0x2: {  	s2 =	rddreg [dreg:$0x1]  }
0x3: {  	s1 =	rddreg [dreg:$0x2]  }
0x4: {  	s3 =	srdreg.scid;
	s10 =	stileid.u32;
	s26 =	simm.s32 $0x4200  }
0x5: {  	s28 =	simm.s32 $0x5;
	s29 =	simm.s32 $0x2;
	s30 =	simm.s32 $0x6  }
0x6: {  	s31 =	simm.s32 $0x0;
	s5 =	sand.u32 $0x1, s3;
	s7 =	smul.u32 $0x14000, s10  }
0x7: {  	s3 =	simm.s32 $0x0;
	s4 =	sadd.s32 $0x1C00, s0;
	s6 =	smul.u32 $0x140000, s5  }
0x8: {  	s9 =	smul.u32 $0x28, s10;
	[smem:$0x7FF] =	sst s3;
	s8 =	ssub.s32 $0x2, s5  }
0x9: {  	p0 =	seq.s32 s5, $0x0;
	s6 =	sadd.s32 s7, s6;
	s7 =	smul.u32 $0x78, s10  }
0xa: {  	_ =	strace $0x8000004A;
	s10 =	smul.u32 $0x50000, s10;
	s6 =	sshrl.u32 s6, $0x3  }
0xb: {  	s17 =	sshrl.u32 s8, $0x1;
	[dreg:$0x4] =	wrdreg s26;
	s0 =	sadd.s32 s6, s0  }
0xc: {  	s6 =	ssub.s32 s8, s17;
	s8 =	sadd.s32 $0x780, s9;
	s18 =	sshrl.u32 s10, $0x2  }
0xd: {  	s26 =	simm.s32 $0x1;
	s8 =	smov.u32 @p0 s7;
	s5 =	sadd.s32 s18, s1  }
0xe: {  	s7 =	simm.s32 $0x78;
	s17 =	sadd.s32 $0x29C00, s0;
	s19 =	sadd.s32 $0x4000, s5  }
0xf: {  	s18 =	smax.u32 s6, $0x1;
	s20 =	sadd.s32 $0x8000, s5;
	[dreg:$0x5] =	wrdreg s19  }
0x10: {  	s7 =	simm.s32 @!p0 $0x28;
	s21 =	sadd.s32 $0xC000, s5;
	[dreg:$0x6] =	wrdreg s20  }
0x11: {  	s8 =	sshll.u32 s8, $0x5;
	s22 =	sadd.s32 $0x10000, s5;
	[dreg:$0x7] =	wrdreg s21  }
0x12: {  	s8 =	sadd.s32 s2, s8;
	[dreg:$0x8] =	wrdreg s22;
	s14 =	sshrl.u32 s7, $0x1  }
0x13: {  	s15 =	sadd.s32 $0xFFFFFFFF, s7;
	s16 =	sadd.s32 $0xFFFFFFFE, s7;
	s23 =	sadd.s32 $0x10, s8  }
0x14: {  	s20 =	simm.s32 $0x200;
	s24 =	sadd.s32 $0x20, s8;
	[dreg:$0x9] =	wrdreg s23  }
0x15: {  	s21 =	simm.s32 $0x7;
	s25 =	sadd.s32 $0x30, s8;
	[dreg:$0xa] =	wrdreg s24  }
0x16: {  	s22 =	simm.s32 $0x100;
	s7 =	sadd.s32 $0x40, s8;
	[dreg:$0xb] =	wrdreg s25  }
0x17: {  	v0 =	vimm.f32 $0.0e+00;
	s23 =	simm.s32 $0x80;
	s24 =	simm.s32 $0x180;
	s25 =	simm.s32 $0x3  }
.LBB2_1:
0x18: {  	s0 =	simm.s32 $0x0;
	s2 =	simm.s32 $0x200  }
.LBB2_2:
0x19: {  	p0 =	sne.s32 s2, $0xFE00;
	[tilespmem:s0+$0x270] =	vst v0  }
0x1a: {  	[tilespmem:s0+$0x200] =	vst v0  }
0x1b: {  	[tilespmem:s0+$0x210] =	vst v0  }
.Ltmp0:
0x1c: {  	[tilespmem:s0+$0x220] =	vst v0;
	(pc) =	sbr.rel @p0 .LBB2_2-.Ltmp0, $4  }
0x1d: {  	[tilespmem:s0+$0x230] =	vst v0  }
0x1e: {  	[tilespmem:s0+$0x240] =	vst v0  }
0x1f: {  	[tilespmem:s0+$0x250] =	vst v0  }
0x20: {  	[tilespmem:s0+$0x260] =	vst v0;
	s0 =	sshra.s32 s2, $0x2;
	s2 =	sadd.s32 $0x200, s2  }
0x21: {  	[tilespmem:s0+$0x270] =	vst v0  }
0x22: {  	[tilespmem:s0+$0x200] =	vst v0  }
0x23: {  	[tilespmem:s0+$0x210] =	vst v0  }
0x24: {  	[tilespmem:s0+$0x220] =	vst v0  }
0x25: {  	[tilespmem:s0+$0x230] =	vst v0  }
0x26: {  	[tilespmem:s0+$0x240] =	vst v0  }
0x27: {  	[tilespmem:s0+$0x250] =	vst v0  }
0x28: {  	[tilespmem:s0+$0x260] =	vst v0  }
0x29: {  	[spmem:s5] =	stream.linear.scatter [tilespmem:s20], [sflag:$0x7], $0x4000, $0x38;
	[tilespmem:$0x1C200] =	vst v63  }
0x2a: {  	_ =	swait.ge [sflag:s21], $0x4000  }
0x2b: {  	[sflag:s21] =	ssyncset.done $0x0  }
0x2c: {  	s6 =	rddreg [dreg:$0x5];
	[sflag:s21] =	ssyncadd.s32 $0xFFFFC000  }
0x2d: {  	[spmem:s6] =	stream.linear.scatter [tilespmem:s20], [sflag:$0x7], $0x4000, $0x38;
	[tilespmem:$0x1C200] =	vst v63  }
0x2e: {  	_ =	swait.ge [sflag:s21], $0x4000  }
0x2f: {  	[sflag:s21] =	ssyncset.done $0x0  }
0x30: {  	s9 =	rddreg [dreg:$0x6];
	[sflag:s21] =	ssyncadd.s32 $0xFFFFC000  }
0x31: {  	[spmem:s9] =	stream.linear.scatter [tilespmem:s20], [sflag:$0x7], $0x4000, $0x38;
	[tilespmem:$0x1C200] =	vst v63  }
0x32: {  	_ =	swait.ge [sflag:s21], $0x4000  }
0x33: {  	[sflag:s21] =	ssyncset.done $0x0  }
0x34: {  	s10 =	rddreg [dreg:$0x7];
	[sflag:s21] =	ssyncadd.s32 $0xFFFFC000  }
0x35: {  	[spmem:s10] =	stream.linear.scatter [tilespmem:s20], [sflag:$0x7], $0x4000, $0x38;
	[tilespmem:$0x1C200] =	vst v63  }
0x36: {  	_ =	swait.ge [sflag:s21], $0x4000  }
0x37: {  	[sflag:s21] =	ssyncset.done $0x0  }
0x38: {  	s11 =	rddreg [dreg:$0x8];
	[sflag:s21] =	ssyncadd.s32 $0xFFFFC000  }
0x39: {  	[spmem:s11] =	stream.linear.scatter [tilespmem:s20], [sflag:$0x7], $0x4000, $0x38;
	[tilespmem:$0x1C200] =	vst v63  }
0x3a: {  	_ =	swait.ge [sflag:s21], $0x4000  }
0x3b: {  	[sflag:s21] =	ssyncset.done $0x0  }
0x3c: {  	[sflag:s21] =	ssyncadd.s32 $0xFFFFC000  }
0x3d: {  	[tilespmem:s3], [sflag:$0x3] =	stream.linear.gather [hbm4b:s8+s3], $0x80, $0x38;
	[tilespmem:$0x1C200] =	vst v63  }
0x3e: {  	s12 =	rddreg [dreg:$0x9]  }
0x3f: {  	[tilespmem:s22], [sflag:$0x5] =	stream.linear.gather [hbm4b:s12+s3], $0x80, $0x38;
	[tilespmem:$0x1C200] =	vst v63  }
0x40: {  	s0 =	sadd.s32 $0xFFFFFFFF, s14;
	s13 =	rddreg [dreg:$0xa]  }
0x41: {  	[tilespmem:s23], [sflag:$0x4] =	stream.linear.gather [hbm4b:s13+s3], $0x80, $0x38;
	[tilespmem:$0x1C200] =	vst v63  }
0x42: {  	p1 =	sne.s32 s0, $0x0;
	s19 =	rddreg [dreg:$0xb]  }
0x43: {  	[tilespmem:s24], [sflag:$0x6] =	stream.linear.gather [hbm4b:s19+s3], $0x80, $0x38;
	[tilespmem:$0x1C200] =	vst v63  }
.Ltmp1:
0x44: {  	[bflag:$0x0] =	sbarrier.arrive $0xFFFF;
	(pc) =	sbr.rel @!p1 .LBB2_4-.Ltmp1, $4  }
0x45: {  	_ =	swait.ge [sflag:s25], $0x80  }
0x46: {  	s2 =	simm.s32 $0x1;
	p2 =	sle.u32 s15, $0x0;
	[sflag:s25] =	ssyncset.done $0x0  }
0x47: {  	p0 =	por $0x0, $0x0;
	s9 =	simm.s32 $0x0;
	[sflag:s25] =	ssyncadd.s32 $0xFFFFFF80  }
0x48: {  	[tilespmem:s20], [sflag:$0x1] =	stream.indirect.gather [hbm4b:s4+s23], $0x80, s3, s23, $0xb8;
	[tilespmem:$0x1C200] =	vst v63  }
0x49: {  	s2 =	simm.s32 @!p2 $0x4  }
0x4a: {  	_ =	swait.ge @!p2 [sflag:s2], $0x80  }
0x4b: {  	[sflag:s2] =	ssyncset.done @!p2 $0x0  }
0x4c: {  	s6 =	simm.s32 @!p2 $0x80;
	s9 =	simm.s32 @!p2 $0x4200;
	[sflag:s2] =	ssyncadd.s32 @!p2 $0xFFFFFF80  }
0x4d: {  	[tilespmem:s9], [sflag:$0x2] =	stream.indirect.gather @!p2 [hbm4b:s4+s6], $0x80, s6, s6, $0xb8;
	[tilespmem:$0x1C200] =	vst v63  }
0x4e: {  	_ =	swait.ge [sflag:s26], $0x4000  }
0x4f: {  	[sflag:s26] =	ssyncset.done $0x0  }
0x50: {  	[sflag:s26] =	ssyncadd.s32 $0xFFFFC000  }
0x51: {  	_ =	swait.ge [sflag:s28], $0x80  }
0x52: {  	[sflag:s28] =	ssyncset.done $0x0  }
0x53: {  	[sflag:s28] =	ssyncadd.s32 $0xFFFFFF80  }
0x54: {  	[spmem:s1] =	stream.indirect.scatter.add.f32 [tilespmem:s20], [sflag:$0x7], $0x80, s22, s23, $0xb8;
	[tilespmem:$0x1C200] =	vst v63  }
0x55: {  	_ =	swait.ge [sflag:s21], $0x4000  }
0x56: {  	p0 =	sle.u32 s16, $0x0;
	[sflag:s21] =	ssyncset.done $0x0  }
0x57: {  	s2 =	simm.s32 @!p0 $0x0;
	[sflag:s21] =	ssyncadd.s32 $0xFFFFC000  }
0x58: {  	[tilespmem:s2], [sflag:$0x3] =	stream.linear.gather @!p0 [hbm4b:s7+s2], $0x80, $0x38;
	[tilespmem:$0x1C200] =	vst v63  }
0x59: {  	p1 =	sle.u32 s15, $0x1;
	s6 =	sadd.s32 @!p0 $0x10, s7;
	s9 =	simm.s32 @!p0 $0x100  }
0x5a: {  	[tilespmem:s9], [sflag:$0x5] =	stream.linear.gather @!p0 [hbm4b:s6+s2], $0x80, $0x38;
	[tilespmem:$0x1C200] =	vst v63  }
0x5b: {  	s2 =	simm.s32 @!p1 $0x3  }
0x5c: {  	_ =	swait.ge @!p1 [sflag:s2], $0x80  }
0x5d: {  	s10 =	simm.s32 @!p1 $0x0;
	[sflag:s2] =	ssyncset.done @!p1 $0x0  }
0x5e: {  	s6 =	simm.s32 @!p1 $0x200;
	s9 =	simm.s32 @!p1 $0x80;
	[sflag:s2] =	ssyncadd.s32 @!p1 $0xFFFFFF80  }
0x5f: {  	[tilespmem:s6], [sflag:$0x1] =	stream.indirect.gather @!p1 [hbm4b:s4+s9], $0x80, s10, s9, $0xb8;
	[tilespmem:$0x1C200] =	vst v63  }
0x60: {  	_ =	swait.ge [sflag:s29], $0x4000  }
0x61: {  	s19 =	sadd.s32 $0x40, s7;
	s6 =	sadd.s32 $0xFFFFFFFF, s0;
	[sflag:s29] =	ssyncset.done $0x0  }
0x62: {  	p3 =	sle.u32 s16, $0x1;
	p1 =	sne.s32 s6, $0x0;
	[sflag:s29] =	ssyncadd.s32 $0xFFFFC000  }
.Ltmp2:
0x63: {  	p2 =	sle.u32 s15, $0x2;
	_ =	swait.ge [sflag:s30], $0x80;
	(pc) =	sbr.rel @!p1 .LBB2_6-.Ltmp2, $4  }
0x64: {  	p0 =	por $0x1, $0x1;
	s2 =	simm.s32 $0x3;
	[sflag:s30] =	ssyncset.done $0x0  }
0x65: {  	s9 =	simm.s32 $0x2;
	s13 =	rddreg [dreg:$0x4];
	[sflag:s30] =	ssyncadd.s32 $0xFFFFFF80  }
0x66: {  	[spmem:s1] =	stream.indirect.scatter.add.f32 [tilespmem:s13], [sflag:$0x7], $0x80, s24, s23, $0xb8;
	[tilespmem:$0x1C200] =	vst v63  }
0x67: {  	s10 =	simm.s32 @!p3 $0x180;
	s0 =	smov.u32 s7;
	_ =	swait.ge [sflag:s21], $0x4000  }
.LBB2_7:
0x68: {  	[sflag:s21] =	ssyncset.done $0x0;
	s11 =	sadd.s32 @!p3 $0x20, s0  }
0x69: {  	s12 =	simm.s32 @!p3 $0x0;
	s13 =	simm.s32 @!p3 $0x80;
	[sflag:s21] =	ssyncadd.s32 $0xFFFFC000  }
0x6a: {  	[tilespmem:s13], [sflag:$0x4] =	stream.linear.gather @!p3 [hbm4b:s11+s12], $0x80, $0x38;
	[tilespmem:$0x1C200] =	vst v63  }
0x6b: {  	s0 =	sadd.s32 @!p3 $0x30, s0;
	s11 =	simm.s32 @!p2 $0x4  }
0x6c: {  	[tilespmem:s10], [sflag:$0x6] =	stream.linear.gather @!p3 [hbm4b:s0+s12], $0x80, $0x38;
	[tilespmem:$0x1C200] =	vst v63  }
0x6d: {  	_ =	swait.ge @!p2 [sflag:s11], $0x80  }
0x6e: {  	[sflag:s11] =	ssyncset.done @!p2 $0x0  }
0x6f: {  	s13 =	simm.s32 @!p2 $0x4200;
	s12 =	simm.s32 @!p2 $0x80;
	[sflag:s11] =	ssyncadd.s32 @!p2 $0xFFFFFF80  }
0x70: {  	[tilespmem:s13], [sflag:$0x2] =	stream.indirect.gather @!p2 [hbm4b:s4+s12], $0x80, s12, s12, $0xb8;
	[tilespmem:$0x1C200] =	vst v63  }
0x71: {  	_ =	swait.ge [sflag:s26], $0x4000  }
0x72: {  	[sflag:s26] =	ssyncset.done $0x0  }
0x73: {  	[sflag:s26] =	ssyncadd.s32 $0xFFFFC000  }
0x74: {  	_ =	swait.ge [sflag:s28], $0x80  }
0x75: {  	[sflag:s28] =	ssyncset.done $0x0  }
0x76: {  	[sflag:s28] =	ssyncadd.s32 $0xFFFFFF80  }
0x77: {  	[spmem:s1] =	stream.indirect.scatter.add.f32 [tilespmem:s20], [sflag:$0x7], $0x80, s22, s23, $0xb8;
	[tilespmem:$0x1C200] =	vst v63  }
0x78: {  	_ =	swait.ge [sflag:s21], $0x4000  }
0x79: {  	p2 =	sge.u32 s9, s16;
	[sflag:s21] =	ssyncset.done $0x0  }
0x7a: {  	s9 =	simm.s32 @!p2 $0x0;
	[sflag:s21] =	ssyncadd.s32 $0xFFFFC000  }
0x7b: {  	[tilespmem:s9], [sflag:$0x3] =	stream.linear.gather @!p2 [hbm4b:s19+s9], $0x80, $0x38;
	[tilespmem:$0x1C200] =	vst v63  }
0x7c: {  	p3 =	sge.u32 s2, s15;
	s11 =	sadd.s32 @!p2 $0x10, s19;
	s12 =	simm.s32 @!p2 $0x100  }
0x7d: {  	[tilespmem:s12], [sflag:$0x5] =	stream.linear.gather @!p2 [hbm4b:s11+s9], $0x80, $0x38;
	[tilespmem:$0x1C200] =	vst v63  }
0x7e: {  	s9 =	simm.s32 @!p3 $0x3  }
0x7f: {  	_ =	swait.ge @!p3 [sflag:s9], $0x80  }
0x80: {  	s13 =	simm.s32 @!p3 $0x0;
	[sflag:s9] =	ssyncset.done @!p3 $0x0  }
0x81: {  	s11 =	simm.s32 @!p3 $0x200;
	s12 =	simm.s32 @!p3 $0x80;
	[sflag:s9] =	ssyncadd.s32 @!p3 $0xFFFFFF80  }
0x82: {  	[tilespmem:s11], [sflag:$0x1] =	stream.indirect.gather @!p3 [hbm4b:s4+s12], $0x80, s13, s12, $0xb8;
	[tilespmem:$0x1C200] =	vst v63  }
0x83: {  	s6 =	sadd.s32 $0xFFFFFFFF, s6;
	_ =	swait.ge [sflag:s29], $0x4000  }
0x84: {  	p1 =	sne.s32 s6, $0x0;
	[sflag:s29] =	ssyncset.done $0x0  }
0x85: {  	s0 =	smov.u32 s19;
	s10 =	smov.u32 s2;
	[sflag:s29] =	ssyncadd.s32 $0xFFFFC000  }
.Ltmp3:
0x86: {  	s2 =	sadd.s32 $0x2, s2;
	_ =	swait.ge [sflag:s30], $0x80;
	(pc) =	sbr.rel @p1 .LBB2_7-.Ltmp3, $4  }
0x87: {  	s19 =	sadd.s32 $0x40, s19;
	s9 =	sadd.s32 $0xFFFFFFFF, s2;
	[sflag:s30] =	ssyncset.done $0x0  }
0x88: {  	p3 =	sge.u32 s10, s16;
	s13 =	rddreg [dreg:$0x4];
	[sflag:s30] =	ssyncadd.s32 $0xFFFFFF80  }
0x89: {  	[spmem:s1] =	stream.indirect.scatter.add.f32 [tilespmem:s13], [sflag:$0x7], $0x80, s24, s23, $0xb8;
	[tilespmem:$0x1C200] =	vst v63  }
0x8a: {  	p2 =	sge.u32 s9, s15;
	s10 =	simm.s32 @!p3 $0x180;
	_ =	swait.ge [sflag:s21], $0x4000  }
.LBB2_8:
0x8b: {  	p1 =	por p3, !p0  }
0x8c: {  	[sflag:s21] =	ssyncset.done @p0 $0x0;
	s6 =	sadd.s32 @!p1 $0x20, s0  }
0x8d: {  	s11 =	simm.s32 @!p1 $0x0;
	[sflag:s21] =	ssyncadd.s32 @p0 $0xFFFFC000;
	s12 =	simm.s32 @!p1 $0x80  }
0x8e: {  	[tilespmem:s12], [sflag:$0x4] =	stream.linear.gather @!p1 [hbm4b:s6+s11], $0x80, $0x38;
	[tilespmem:$0x1C200] =	vst v63  }
0x8f: {  	s0 =	sadd.s32 @!p1 $0x30, s0;
	s6 =	simm.s32 @!p2 $0x4  }
0x90: {  	[tilespmem:s10], [sflag:$0x6] =	stream.linear.gather @!p1 [hbm4b:s0+s11], $0x80, $0x38;
	[tilespmem:$0x1C200] =	vst v63  }
0x91: {  	_ =	swait.ge @!p2 [sflag:s6], $0x80  }
0x92: {  	[sflag:s6] =	ssyncset.done @!p2 $0x0  }
0x93: {  	s0 =	simm.s32 @!p2 $0x80;
	s10 =	simm.s32 @!p2 $0x4200;
	[sflag:s6] =	ssyncadd.s32 @!p2 $0xFFFFFF80  }
0x94: {  	[tilespmem:s10], [sflag:$0x2] =	stream.indirect.gather @!p2 [hbm4b:s4+s0], $0x80, s0, s0, $0xb8;
	[tilespmem:$0x1C200] =	vst v63  }
0x95: {  	_ =	swait.ge [sflag:s26], $0x4000  }
0x96: {  	[sflag:s26] =	ssyncset.done $0x0  }
0x97: {  	[sflag:s26] =	ssyncadd.s32 $0xFFFFC000  }
0x98: {  	_ =	swait.ge [sflag:s28], $0x80  }
0x99: {  	[sflag:s28] =	ssyncset.done $0x0  }
0x9a: {  	[sflag:s28] =	ssyncadd.s32 $0xFFFFFF80  }
0x9b: {  	[spmem:s1] =	stream.indirect.scatter.add.f32 [tilespmem:s20], [sflag:$0x7], $0x80, s22, s23, $0xb8;
	[tilespmem:$0x1C200] =	vst v63  }
0x9c: {  	_ =	swait.ge [sflag:s21], $0x4000  }
0x9d: {  	p0 =	sge.u32 s9, s16;
	[sflag:s21] =	ssyncset.done $0x0  }
0x9e: {  	s0 =	simm.s32 @!p0 $0x0;
	[sflag:s21] =	ssyncadd.s32 $0xFFFFC000  }
0x9f: {  	[tilespmem:s0], [sflag:$0x3] =	stream.linear.gather @!p0 [hbm4b:s19+s0], $0x80, $0x38;
	[tilespmem:$0x1C200] =	vst v63  }
0xa0: {  	s9 =	simm.s32 @!p0 $0x100;
	p1 =	sge.u32 s2, s15;
	s6 =	sadd.s32 @!p0 $0x10, s19  }
0xa1: {  	[tilespmem:s9], [sflag:$0x5] =	stream.linear.gather @!p0 [hbm4b:s6+s0], $0x80, $0x38;
	[tilespmem:$0x1C200] =	vst v63  }
0xa2: {  	s0 =	simm.s32 @!p1 $0x3  }
0xa3: {  	_ =	swait.ge @!p1 [sflag:s0], $0x80  }
0xa4: {  	s10 =	simm.s32 @!p1 $0x0;
	[sflag:s0] =	ssyncset.done @!p1 $0x0  }
0xa5: {  	s6 =	simm.s32 @!p1 $0x200;
	s9 =	simm.s32 @!p1 $0x80;
	[sflag:s0] =	ssyncadd.s32 @!p1 $0xFFFFFF80  }
0xa6: {  	[tilespmem:s6], [sflag:$0x1] =	stream.indirect.gather @!p1 [hbm4b:s4+s9], $0x80, s10, s9, $0xb8;
	[tilespmem:$0x1C200] =	vst v63  }
0xa7: {  	_ =	swait.ge [sflag:s29], $0x4000  }
0xa8: {  	[sflag:s29] =	ssyncset.done $0x0  }
0xa9: {  	[sflag:s29] =	ssyncadd.s32 $0xFFFFC000  }
0xaa: {  	_ =	swait.ge [sflag:s30], $0x80  }
0xab: {  	[sflag:s30] =	ssyncset.done $0x0  }
0xac: {  	s12 =	rddreg [dreg:$0x4];
	[sflag:s30] =	ssyncadd.s32 $0xFFFFFF80  }
0xad: {  	[spmem:s1] =	stream.indirect.scatter.add.f32 [tilespmem:s12], [sflag:$0x7], $0x80, s24, s23, $0xb8;
	[tilespmem:$0x1C200] =	vst v63  }
0xae: {  	p0 =	sge.u32 s2, s16;
	_ =	swait.ge [sflag:s21], $0x4000  }
0xaf: {  	s2 =	simm.s32 @!p0 $0x0;
	[sflag:s21] =	ssyncset.done $0x0  }
0xb0: {  	s0 =	sadd.s32 @!p0 $0x20, s19;
	s6 =	simm.s32 @!p0 $0x80;
	[sflag:s21] =	ssyncadd.s32 $0xFFFFC000  }
0xb1: {  	[tilespmem:s6], [sflag:$0x4] =	stream.linear.gather @!p0 [hbm4b:s0+s2], $0x80, $0x38;
	[tilespmem:$0x1C200] =	vst v63  }
0xb2: {  	s13 =	stileid.u32;
	s0 =	simm.s32 @!p0 $0x180;
	s6 =	sadd.s32 @!p0 $0x30, s19  }
0xb3: {  	[tilespmem:s0], [sflag:$0x6] =	stream.linear.gather @!p0 [hbm4b:s6+s2], $0x80, $0x38;
	[tilespmem:$0x1C200] =	vst v63  }
0xb4: {  	s31 =	sadd.s32 $0x1, s31;
	s19 =	sshrl.u32 s5, $0x3;
	s0 =	sshll.u32 s13, $0x6  }
0xb5: {  	p0 =	sne.s32 s31, s18;
	[bflag:$0x0] =	sbarrier.arrive $0xFFFF;
	s0 =	sor.u32 $0x1C07, s0  }
0xb6: {  	[hbm:s17], [sflag:s0] =	dma.local [spmem:s19], $0x2800  }
.Ltmp4:
0xb7: {  	_ = 	snop;
	(pc) =	sbr.rel @p0 .LBB2_1-.Ltmp4, $4  }
.Ltmp5:
0xb8: {  	_ = 	snop;
	(pc) =	sbr.rel @!p0 .LBB2_9-.Ltmp5, $4  }
0xb9: {  	_ =	swait.ge [sflag:s21], $0x2800  }
0xba: {  	[sflag:s21] =	ssyncset.done $0x0  }
0xbb: {  	[sflag:s21] =	ssyncadd.s32 $0xFFFFD800  }
0xbc: {  	_ = 	snop  }
.LBB2_4:
.Ltmp6:
0xbd: {  	(pc) =	sbr.rel .LBB2_8-.Ltmp6, $2  }
0xbe: {  	_ =	sdelay $0x2  }
0xbf: {  	s19 =	smov.u32 s7  }
.LBB2_6:
.Ltmp7:
0xc0: {  	(pc) =	sbr.rel .LBB2_8-.Ltmp7, $2  }
0xc1: {  	_ =	sdelay $0x2  }
0xc2: {  	s0 =	smov.u32 s7  }
.LBB2_9:
0xc3: {  	_ =	sfence.sel $0x180000  }
0xc4: {  	[bflag:$0x0] =	sbarrier.arrive $0xFFFF  }
0xc5: {  	_ =	strace $0x9000004A  }
0xc6: {  	s0 =	stileid.u32;
	[bflag:$0x2] =	sbarrier.arrive $0xFFFF  }
0xc7: {  	p0 =	sne.s32 s0, $0x0;
	s0 =	rddreg [dreg:$0x3]  }
0xc8: {  	s0 =	sadd.s32 @!p0 $0x100000, s0  }
0xc9: {  	[sflag:s0] =	ssyncadd.tile.s32 @!p0 $0x1;
	_ =	shalt  }
.Lfunc_end2:
_tile_overlayer_lowered:
.L_overlay_start_2:
0xca: {  	(tag) =	ssettag $0x2  }
0xcb: {  	s0 =	rddreg [dreg:$0x0];
	s2 =	stileid.u32  }
0xcc: {  	s1 =	rddreg [dreg:$0x1];
	p0 =	sne.s32 s2, $0x0  }
0xcd: {  	s3 =	rddreg [dreg:$0x2];
	[bflag:$0x3] =	sbarrier.arrive $0xFFFF;
	s2 =	simm.s32 @!p0 $0x1C07  }
0xce: {  	[timem:s3], [sflag:s2] =	dma.local @!p0 [hbm:s0], s1  }
0xcf: {  	s0 =	simm.s32 @!p0 $0x7  }
0xd0: {  	_ =	swait.ge @!p0 [sflag:s0], s1  }
0xd1: {  	s1 =	ssub.s32 @!p0 $0x0, s1;
	[sflag:s0] =	ssyncset.done @!p0 $0x0  }
0xd2: {  	[sflag:s0] =	ssyncadd.s32 @!p0 s1  }
0xd3: {  	[bflag:$0x3] =	sbarrier.arrive $0xFFFF  }
0xd4: {  	_ =	shalt  }

// kernel: kernel.14.cloned.1.call-start
scs
__scs_entry_jumppad:
0x0: {  	(pc) =	sbr.rel $0x88, $3  }
0x1: {  	(tag) =	ssettag $0x0;
	lr =	simm.s32 $0x1  }
0x2: {  	[smem:$0x3F9B] =	sst lr;
	_ =	strace $0xD0000000  }
0x3: {  	_ = 	snop  }
0x4: {  	_ = 	snop  }
0x5: {  	_ = 	snop  }
0x6: {  	_ = 	snop  }
0x7: {  	_ = 	snop  }
__scs_overlays_trampoline_lowered:
0x8: {  	[smem:$0x3FAA] =	sst s0  }
0x9: {  	[smem:$0x3FAB] =	sst s1  }
0xa: {  	[smem:$0x3FAC] =	sst s2  }
0xb: {  	[smem:$0x3FAD] =	sst s3  }
0xc: {  	[smem:$0x3FAE] =	sst s4  }
0xd: {  	[smem:$0x3FAF] =	sst s5  }
0xe: {  	[smem:$0x3FB0] =	sst s6  }
0xf: {  	[smem:$0x3FB1] =	sst s7  }
0x10: {  	[smem:$0x3FB2] =	sst s8  }
0x11: {  	[smem:$0x3FB3] =	sst s9;
	s0 =	simm.s32 @!p0 $0x0  }
0x12: {  	s1 =	sld [smem:$0x3F99];
	s0 =	simm.s32 @p0 $0x1  }
0x13: {  	[smem:$0x3FB4] =	sst s0;
	s0 =	simm.s32 @!p1 $0x0  }
0x14: {  	s2 =	sld [smem:$0x3F98];
	s0 =	simm.s32 @p1 $0x1  }
0x15: {  	[smem:$0x3FB5] =	sst s0;
	s0 =	simm.s32 @!p2 $0x0  }
0x16: {  	s3 =	sld [smem:$0x3FDB];
	s0 =	simm.s32 @p2 $0x1  }
0x17: {  	s4 =	simm.s32 $0x1BF5;
	[smem:$0x3FB7] =	sst s0  }
0x18: {  	s0 =	sld [smem:$0x3F9A];
	_ =	swait.ge [sflag:s4], $0x0  }
0x19: {  	s7 =	sld [smem:$0x3F9B]  }
0x1a: {  	s8 =	sadd.s32 $0xFFFFE003, lr  }
0x1b: {  	s9 =	sadd.s32 $0xFFFFFEF7, lr;
	s5 =	simm.s32 $0xFFFFFFFF;
	p2 =	slt.u32 s8, $0xFFFFF086  }
0x1c: {  	p1 =	slt.u32 s9, $0xF7A;
	s5 =	simm.s32 @!p2 $0x0  }
0x1d: {  	s5 =	simm.s32 @p1 $0x1;
	p0 =	seq.s32 s7, s2  }
0x1e: {  	s7 =	smul.u32 @!p0 $0xF7A, s2;
	p2 =	seq.s32 @!p0 s5, $0x0  }
0x1f: {  	s9 =	smul.u32 $0xF7A, s1;
	s8 =	simm.s32 @!p0 $0x1BF5;
	p2 =	por !p2, p0  }
0x20: {  	[sflag:s8] =	ssyncset.s32 @!p0 $0xFFFFF086;
	s6 =	sadd.s32 @!p0 s3, s7;
	s7 =	simm.s32 @!p0 $0x108  }
0x21: {  	s3 =	sadd.s32 s3, s9;
	s6 =	sadd.s32 @!p0 $0x88, s6;
	s7 =	simm.s32 @p2 $0x1082  }
0x22: {  	[simem:s7], [sflag:s8] =	dma.local @!p0 [hbm:s6], $0xF7A  }
0x23: {  	s9 =	sor.u32 $0xD0000000, s2;
	s6 =	simm.s32 $0x108;
	_ =	swait.ge @!p0 [sflag:s8], $0x0  }
0x24: {  	s3 =	sadd.s32 $0x88, s3;
	s6 =	simm.s32 @!p1 $0x1082;
	[sflag:s4] =	ssyncset.s32 $0xFFFFF086  }
0x25: {  	[simem:s6], [sflag:s4] =	dma.local [hbm:s3], $0xF7A  }
0x26: {  	[smem:$0x3F9B] =	sst s1;
	(tag) =	ssettag s2;
	_ =	strace s9  }
0x27: {  	s1 =	sld [smem:$0x3FAB]  }
0x28: {  	s2 =	sld [smem:$0x3FAC]  }
0x29: {  	s4 =	sld [smem:$0x3FAE]  }
0x2a: {  	p0 =	seq.s32 s5, $0x0;
	s5 =	sld [smem:$0x3FAF]  }
0x2b: {  	s6 =	sld [smem:$0x3FB0]  }
0x2c: {  	s7 =	sld [smem:$0x3FB1]  }
0x2d: {  	s3 =	simm.s32 $0x108;
	s8 =	sld [smem:$0x3FB2]  }
0x2e: {  	s3 =	simm.s32 @!p0 $0x1082;
	s9 =	sld [smem:$0x3FB3]  }
0x2f: {  	lr =	sadd.s32 s0, s3;
	s0 =	sld [smem:$0x3FAA]  }
0x30: {  	s3 =	sld [smem:$0x3FAD]  }
0x31: {  	[smem:$0x3FB6] =	sst s10  }
0x32: {  	s10 =	sld [smem:$0x3FB4];
	_ =	sdelay $0x3  }
0x33: {  	p0 =	seq.s32 s10, $0x1;
	s10 =	sld [smem:$0x3FB6];
	_ =	sdelay $0x3  }
0x34: {  	[smem:$0x3FB6] =	sst s10  }
0x35: {  	s10 =	sld [smem:$0x3FB5];
	_ =	sdelay $0x3  }
0x36: {  	p1 =	seq.s32 s10, $0x1;
	s10 =	sld [smem:$0x3FB6];
	_ =	sdelay $0x3  }
0x37: {  	[smem:$0x3FB6] =	sst s10  }
0x38: {  	s10 =	sld [smem:$0x3FB7]  }
0x39: {  	_ = 	snop;
	(pc) =	sbr.ind lr, $3  }
0x3a: {  	_ = 	snop  }
0x3b: {  	_ = 	snop  }
0x3c: {  	p2 =	seq.s32 s10, $0x1;
	s10 =	sld [smem:$0x3FB6]  }
0x3d: {  	_ =	shalt  }
0x3e: {  	_ =	shalt  }
0x3f: {  	_ =	shalt  }
0x40: {  	_ =	shalt  }
0x41: {  	_ =	shalt  }
0x42: {  	_ =	shalt  }
0x43: {  	_ =	shalt  }
0x44: {  	_ =	shalt  }
0x45: {  	_ =	shalt  }
0x46: {  	_ =	shalt  }
0x47: {  	_ =	shalt  }
0x48: {  	_ =	shalt  }
0x49: {  	_ =	shalt  }
0x4a: {  	_ =	shalt  }
0x4b: {  	_ =	shalt  }
0x4c: {  	_ =	shalt  }
0x4d: {  	_ =	shalt  }
0x4e: {  	_ =	shalt  }
0x4f: {  	_ =	shalt  }
0x50: {  	_ =	shalt  }
0x51: {  	_ =	shalt  }
0x52: {  	_ =	shalt  }
0x53: {  	_ =	shalt  }
0x54: {  	_ =	shalt  }
0x55: {  	_ =	shalt  }
0x56: {  	_ =	shalt  }
0x57: {  	_ =	shalt  }
0x58: {  	_ =	shalt  }
0x59: {  	_ =	shalt  }
0x5a: {  	_ =	shalt  }
0x5b: {  	_ =	shalt  }
0x5c: {  	_ =	shalt  }
0x5d: {  	_ =	shalt  }
0x5e: {  	_ =	shalt  }
0x5f: {  	_ =	shalt  }
0x60: {  	_ =	shalt  }
0x61: {  	_ =	shalt  }
0x62: {  	_ =	shalt  }
0x63: {  	_ =	shalt  }
0x64: {  	_ =	shalt  }
0x65: {  	_ =	shalt  }
0x66: {  	_ =	shalt  }
0x67: {  	_ =	shalt  }
0x68: {  	_ =	shalt  }
0x69: {  	_ =	shalt  }
0x6a: {  	_ =	shalt  }
0x6b: {  	_ =	shalt  }
0x6c: {  	_ =	shalt  }
0x6d: {  	_ =	shalt  }
0x6e: {  	_ =	shalt  }
0x6f: {  	_ =	shalt  }
0x70: {  	_ =	shalt  }
0x71: {  	_ =	shalt  }
0x72: {  	_ =	shalt  }
0x73: {  	_ =	shalt  }
0x74: {  	_ =	shalt  }
0x75: {  	_ =	shalt  }
0x76: {  	_ =	shalt  }
0x77: {  	_ =	shalt  }
0x78: {  	_ =	shalt  }
0x79: {  	_ =	shalt  }
0x7a: {  	_ =	shalt  }
0x7b: {  	_ =	shalt  }
0x7c: {  	_ =	shalt  }
0x7d: {  	_ =	shalt  }
0x7e: {  	_ =	shalt  }
0x7f: {  	_ =	shalt  }
0x80: {  	_ =	shalt  }
0x81: {  	_ =	shalt  }
0x82: {  	_ =	shalt  }
0x83: {  	_ =	shalt  }
0x84: {  	_ =	shalt  }
0x85: {  	_ =	shalt  }
0x86: {  	_ =	shalt  }
0x87: {  	_ =	shalt  }
.Lfunc_end0:
.L_simem_size_0:
called_computation.2_lowered:
.L_overlay_start_0:
0x88: {  	s2 =	sld [smem:$0x3FD9]  }
0x89: {  	s3 =	sld [smem:$0x3FFE];
	_ =	sdelay $0x1  }
0x8a: {  	s1 =	srdreg.scid  }
0x8b: {  	s0 =	sand.u32 $0x1, s1  }
0x8c: {  	s17 =	sshll.u32 s0, $0xA;
	s2 =	sadd.s32 s3, s2  }
0x8d: {  	s2 =	sadd.s32 s2, s17  }
0x8e: {  	[smem:$0x3FC2] =	sst s2  }
0x8f: {  	_ = 	snop  }
0x90: {  	s2 =	sld [smem:$0x3FD0];
	(tm) =	ssettm $0x1  }
0x91: {  	s18 =	sld [smem:$0x3FFB];
	_ =	sdelay $0x3  }
0x92: {  	_ =	strace s18  }
0x93: {  	s3 =	sld [smem:$0x3FFC];
	_ =	sdelay $0x3  }
0x94: {  	_ =	strace s3  }
0x95: {  	s3 =	sld [smem:$0x3FFD];
	_ =	sdelay $0x3  }
0x96: {  	_ =	strace s3  }
0x97: {  	_ =	strace $0x8FFFFFFF  }
0x98: {  	s19 =	sld [smem:$0x3FDB];
	_ =	sdelay $0x1  }
0x99: {  	s4 =	simm.s32 $_scs_section_size  }
0x9a: {  	s5 =	simm.s32 $_size__tile_overlayer_lowered;
	s6 =	simm.s32 $_tile_overlayer_lowered  }
0x9b: {  	s22 =	simm.s32 $0x1BFF;
	s21 =	sshll.u32 s6, $0x1;
	s3 =	sadd.s32 s4, s19  }
0x9c: {  	s7 =	simm.s32 $0x0;
	s20 =	sshll.u32 s5, $0x1;
	s5 =	sadd.s32 s21, s3  }
0x9d: {  	[timem:s7], [sflag:s22] =	dma.local [hbm:s5], s20  }
0x9e: {  	_ =	swait.ge [sflag:s22], s20  }
0x9f: {  	s4 =	ssub.s32 $0x0, s20;
	[sflag:s22] =	ssyncset.done $0x0  }
0xa0: {  	[sflag:s22] =	ssyncadd.s32 s4;
	_ =	sdelay $0x1  }
0xa1: {  	s23 =	simm.s32 $0x1B8B  }
0xa2: {  	_ =	swait.ge [sflag:s23], $0x1  }
0xa3: {  	[sflag:s23] =	ssyncset.done $0x0  }
0xa4: {  	s25 =	simm.s32 $0x1B8E;
	s24 =	sld [smem:$0x3FFE];
	[sflag:s23] =	ssyncadd.s32 $0xFFFFFFFF  }
0xa5: {  	s26 =	simm.s32 $execute0_lowered;
	[smem:$0x3FD2] =	sst s25  }
0xa6: {  	s5 =	sshll.u32 s26, $0x1;
	_ =	strace $0x8000004C;
	[dreg:$0x1] =	wrdreg $0xFFFFFFFF  }
0xa7: {  	s28 =	simm.s32 $_size_execute0_lowered;
	s3 =	sadd.s32 s3, s5;
	[dreg:$0x0] =	wrdreg $0x0  }
0xa8: {  	s5 =	sshll.u32 s28, $0x1;
	[dreg:$0x2] =	wrdreg s3  }
0xa9: {  	[dreg:$0x3] =	wrdreg s5  }
0xaa: {  	[dreg:$0x4] =	wrdreg $0xC0  }
0xab: {  	_ =	task [dreg:s7], $0x5FFFF  }
0xac: {  	[dreg:$0x1] =	wrdreg $0xFFFFFFFF  }
0xad: {  	[dreg:$0x0] =	wrdreg $0x60  }
0xae: {  	[dreg:$0x2] =	wrdreg s24  }
0xaf: {  	[dreg:$0x3] =	wrdreg s2  }
0xb0: {  	[dreg:$0x4] =	wrdreg $0x82000  }
0xb1: {  	[dreg:$0x5] =	wrdreg $0x9  }
0xb2: {  	_ =	task.clear_ibuf [dreg:s7], $0x6FFFF;
	_ =	strace $0x9000004C  }
0xb3: {  	s29 =	simm.s32 $0x9;
	_ =	strace $0x8000004E  }
0xb4: {  	_ =	swait.ge [sflag:s29], $0x1  }
0xb5: {  	[sflag:s29] =	ssyncadd.s32 $0xFFFFFFFF  }
0xb6: {  	_ =	strace $0x9000004E  }
0xb7: {  	_ =	sfence  }
0xb8: {  	s30 =	sld [smem:$0x0];
	_ =	sdelay $0x2  }
0xb9: {  	s31 =	sshll.u32 s1, $0xD;
	s1 =	sshrl.u32 s1, $0x2  }
0xba: {  	s3 =	sand.u32 $0x4000, s31;
	s1 =	sadd.s32 s1, s30  }
0xbb: {  	s0 =	sor.u32 s3, s0;
	s1 =	sshll.u32 s1, $0x11  }
0xbc: {  	s0 =	sor.u32 s1, s0  }
0xbd: {  	s0 =	sadd.s32 $0x8F2B, s0  }
0xbe: {  	[sflag:s0] =	ssyncadd.remote.s32 $0x1  }
0xbf: {  	_ =	sfence.sel $0xFFFF  }
0xc0: {  	[dreg:$0x0] =	wrdreg $0xFFFFFFFF;
	(pc) =	sbr.abs _section_cstart, $3  }
0xc1: {  	[dreg:$0x1] =	wrdreg $0xFFFFFFFF  }
0xc2: {  	_ =	task.clear_ibuf [dreg:s7], $0x2FFFF;
	_ =	strace $0x9FFFFFFF  }
0xc3: {  	(tm) =	ssettm $0x7FFFFFFF  }
tec
execute0_lowered:
.L_overlay_start_1:
0x0: {  	(tag) =	ssettag $0x1  }
0x1: {  	s0 =	rddreg [dreg:$0x0]  }
0x2: {  	s2 =	rddreg [dreg:$0x1]  }
0x3: {  	s1 =	rddreg [dreg:$0x2]  }
0x4: {  	s3 =	srdreg.scid;
	s10 =	stileid.u32;
	s26 =	simm.s32 $0x4200  }
0x5: {  	s28 =	simm.s32 $0x5;
	s29 =	simm.s32 $0x2;
	s30 =	simm.s32 $0x6  }
0x6: {  	s31 =	simm.s32 $0x0;
	s5 =	sand.u32 $0x1, s3;
	s7 =	smul.u32 $0x14000, s10  }
0x7: {  	s3 =	simm.s32 $0x0;
	s4 =	sadd.s32 $0x1C00, s0;
	s6 =	smul.u32 $0x140000, s5  }
0x8: {  	s9 =	smul.u32 $0x28, s10;
	[smem:$0x7FF] =	sst s3;
	s8 =	ssub.s32 $0x2, s5  }
0x9: {  	p0 =	seq.s32 s5, $0x0;
	s6 =	sadd.s32 s7, s6;
	s7 =	smul.u32 $0x78, s10  }
0xa: {  	_ =	strace $0x8000004D;
	s10 =	smul.u32 $0x50000, s10;
	s6 =	sshrl.u32 s6, $0x3  }
0xb: {  	s17 =	sshrl.u32 s8, $0x1;
	[dreg:$0x4] =	wrdreg s26;
	s0 =	sadd.s32 s6, s0  }
0xc: {  	s6 =	ssub.s32 s8, s17;
	s8 =	sadd.s32 $0x780, s9;
	s18 =	sshrl.u32 s10, $0x2  }
0xd: {  	s26 =	simm.s32 $0x1;
	s8 =	smov.u32 @p0 s7;
	s5 =	sadd.s32 s18, s1  }
0xe: {  	s7 =	simm.s32 $0x78;
	s17 =	sadd.s32 $0x29C00, s0;
	s19 =	sadd.s32 $0x4000, s5  }
0xf: {  	s18 =	smax.u32 s6, $0x1;
	s20 =	sadd.s32 $0x8000, s5;
	[dreg:$0x5] =	wrdreg s19  }
0x10: {  	s7 =	simm.s32 @!p0 $0x28;
	s21 =	sadd.s32 $0xC000, s5;
	[dreg:$0x6] =	wrdreg s20  }
0x11: {  	s8 =	sshll.u32 s8, $0x5;
	s22 =	sadd.s32 $0x10000, s5;
	[dreg:$0x7] =	wrdreg s21  }
0x12: {  	s8 =	sadd.s32 s2, s8;
	[dreg:$0x8] =	wrdreg s22;
	s14 =	sshrl.u32 s7, $0x1  }
0x13: {  	s15 =	sadd.s32 $0xFFFFFFFF, s7;
	s16 =	sadd.s32 $0xFFFFFFFE, s7;
	s23 =	sadd.s32 $0x10, s8  }
0x14: {  	s20 =	simm.s32 $0x200;
	s24 =	sadd.s32 $0x20, s8;
	[dreg:$0x9] =	wrdreg s23  }
0x15: {  	s21 =	simm.s32 $0x7;
	s25 =	sadd.s32 $0x30, s8;
	[dreg:$0xa] =	wrdreg s24  }
0x16: {  	s22 =	simm.s32 $0x100;
	s7 =	sadd.s32 $0x40, s8;
	[dreg:$0xb] =	wrdreg s25  }
0x17: {  	v0 =	vimm.f32 $0.0e+00;
	s23 =	simm.s32 $0x80;
	s24 =	simm.s32 $0x180;
	s25 =	simm.s32 $0x3  }
.LBB2_1:
0x18: {  	s0 =	simm.s32 $0x0;
	s2 =	simm.s32 $0x200  }
.LBB2_2:
0x19: {  	p0 =	sne.s32 s2, $0xFE00;
	[tilespmem:s0+$0x270] =	vst v0  }
0x1a: {  	[tilespmem:s0+$0x200] =	vst v0  }
0x1b: {  	[tilespmem:s0+$0x210] =	vst v0  }
.Ltmp0:
0x1c: {  	[tilespmem:s0+$0x220] =	vst v0;
	(pc) =	sbr.rel @p0 .LBB2_2-.Ltmp0, $4  }
0x1d: {  	[tilespmem:s0+$0x230] =	vst v0  }
0x1e: {  	[tilespmem:s0+$0x240] =	vst v0  }
0x1f: {  	[tilespmem:s0+$0x250] =	vst v0  }
0x20: {  	[tilespmem:s0+$0x260] =	vst v0;
	s0 =	sshra.s32 s2, $0x2;
	s2 =	sadd.s32 $0x200, s2  }
0x21: {  	[tilespmem:s0+$0x270] =	vst v0  }
0x22: {  	[tilespmem:s0+$0x200] =	vst v0  }
0x23: {  	[tilespmem:s0+$0x210] =	vst v0  }
0x24: {  	[tilespmem:s0+$0x220] =	vst v0  }
0x25: {  	[tilespmem:s0+$0x230] =	vst v0  }
0x26: {  	[tilespmem:s0+$0x240] =	vst v0  }
0x27: {  	[tilespmem:s0+$0x250] =	vst v0  }
0x28: {  	[tilespmem:s0+$0x260] =	vst v0  }
0x29: {  	[spmem:s5] =	stream.linear.scatter [tilespmem:s20], [sflag:$0x7], $0x4000, $0x38;
	[tilespmem:$0x1C200] =	vst v63  }
0x2a: {  	_ =	swait.ge [sflag:s21], $0x4000  }
0x2b: {  	[sflag:s21] =	ssyncset.done $0x0  }
0x2c: {  	s6 =	rddreg [dreg:$0x5];
	[sflag:s21] =	ssyncadd.s32 $0xFFFFC000  }
0x2d: {  	[spmem:s6] =	stream.linear.scatter [tilespmem:s20], [sflag:$0x7], $0x4000, $0x38;
	[tilespmem:$0x1C200] =	vst v63  }
0x2e: {  	_ =	swait.ge [sflag:s21], $0x4000  }
0x2f: {  	[sflag:s21] =	ssyncset.done $0x0  }
0x30: {  	s9 =	rddreg [dreg:$0x6];
	[sflag:s21] =	ssyncadd.s32 $0xFFFFC000  }
0x31: {  	[spmem:s9] =	stream.linear.scatter [tilespmem:s20], [sflag:$0x7], $0x4000, $0x38;
	[tilespmem:$0x1C200] =	vst v63  }
0x32: {  	_ =	swait.ge [sflag:s21], $0x4000  }
0x33: {  	[sflag:s21] =	ssyncset.done $0x0  }
0x34: {  	s10 =	rddreg [dreg:$0x7];
	[sflag:s21] =	ssyncadd.s32 $0xFFFFC000  }
0x35: {  	[spmem:s10] =	stream.linear.scatter [tilespmem:s20], [sflag:$0x7], $0x4000, $0x38;
	[tilespmem:$0x1C200] =	vst v63  }
0x36: {  	_ =	swait.ge [sflag:s21], $0x4000  }
0x37: {  	[sflag:s21] =	ssyncset.done $0x0  }
0x38: {  	s11 =	rddreg [dreg:$0x8];
	[sflag:s21] =	ssyncadd.s32 $0xFFFFC000  }
0x39: {  	[spmem:s11] =	stream.linear.scatter [tilespmem:s20], [sflag:$0x7], $0x4000, $0x38;
	[tilespmem:$0x1C200] =	vst v63  }
0x3a: {  	_ =	swait.ge [sflag:s21], $0x4000  }
0x3b: {  	[sflag:s21] =	ssyncset.done $0x0  }
0x3c: {  	[sflag:s21] =	ssyncadd.s32 $0xFFFFC000  }
0x3d: {  	[tilespmem:s3], [sflag:$0x3] =	stream.linear.gather [hbm4b:s8+s3], $0x80, $0x38;
	[tilespmem:$0x1C200] =	vst v63  }
0x3e: {  	s12 =	rddreg [dreg:$0x9]  }
0x3f: {  	[tilespmem:s22], [sflag:$0x5] =	stream.linear.gather [hbm4b:s12+s3], $0x80, $0x38;
	[tilespmem:$0x1C200] =	vst v63  }
0x40: {  	s0 =	sadd.s32 $0xFFFFFFFF, s14;
	s13 =	rddreg [dreg:$0xa]  }
0x41: {  	[tilespmem:s23], [sflag:$0x4] =	stream.linear.gather [hbm4b:s13+s3], $0x80, $0x38;
	[tilespmem:$0x1C200] =	vst v63  }
0x42: {  	p1 =	sne.s32 s0, $0x0;
	s19 =	rddreg [dreg:$0xb]  }
0x43: {  	[tilespmem:s24], [sflag:$0x6] =	stream.linear.gather [hbm4b:s19+s3], $0x80, $0x38;
	[tilespmem:$0x1C200] =	vst v63  }
.Ltmp1:
0x44: {  	[bflag:$0x0] =	sbarrier.arrive $0xFFFF;
	(pc) =	sbr.rel @!p1 .LBB2_4-.Ltmp1, $4  }
0x45: {  	_ =	swait.ge [sflag:s25], $0x80  }
0x46: {  	s2 =	simm.s32 $0x1;
	p2 =	sle.u32 s15, $0x0;
	[sflag:s25] =	ssyncset.done $0x0  }
0x47: {  	p0 =	por $0x0, $0x0;
	s9 =	simm.s32 $0x0;
	[sflag:s25] =	ssyncadd.s32 $0xFFFFFF80  }
0x48: {  	[tilespmem:s20], [sflag:$0x1] =	stream.indirect.gather [hbm4b:s4+s23], $0x80, s3, s23, $0xb8;
	[tilespmem:$0x1C200] =	vst v63  }
0x49: {  	s2 =	simm.s32 @!p2 $0x4  }
0x4a: {  	_ =	swait.ge @!p2 [sflag:s2], $0x80  }
0x4b: {  	[sflag:s2] =	ssyncset.done @!p2 $0x0  }
0x4c: {  	s6 =	simm.s32 @!p2 $0x80;
	s9 =	simm.s32 @!p2 $0x4200;
	[sflag:s2] =	ssyncadd.s32 @!p2 $0xFFFFFF80  }
0x4d: {  	[tilespmem:s9], [sflag:$0x2] =	stream.indirect.gather @!p2 [hbm4b:s4+s6], $0x80, s6, s6, $0xb8;
	[tilespmem:$0x1C200] =	vst v63  }
0x4e: {  	_ =	swait.ge [sflag:s26], $0x4000  }
0x4f: {  	[sflag:s26] =	ssyncset.done $0x0  }
0x50: {  	[sflag:s26] =	ssyncadd.s32 $0xFFFFC000  }
0x51: {  	_ =	swait.ge [sflag:s28], $0x80  }
0x52: {  	[sflag:s28] =	ssyncset.done $0x0  }
0x53: {  	[sflag:s28] =	ssyncadd.s32 $0xFFFFFF80  }
0x54: {  	[spmem:s1] =	stream.indirect.scatter.add.f32 [tilespmem:s20], [sflag:$0x7], $0x80, s22, s23, $0xb8;
	[tilespmem:$0x1C200] =	vst v63  }
0x55: {  	_ =	swait.ge [sflag:s21], $0x4000  }
0x56: {  	p0 =	sle.u32 s16, $0x0;
	[sflag:s21] =	ssyncset.done $0x0  }
0x57: {  	s2 =	simm.s32 @!p0 $0x0;
	[sflag:s21] =	ssyncadd.s32 $0xFFFFC000  }
0x58: {  	[tilespmem:s2], [sflag:$0x3] =	stream.linear.gather @!p0 [hbm4b:s7+s2], $0x80, $0x38;
	[tilespmem:$0x1C200] =	vst v63  }
0x59: {  	p1 =	sle.u32 s15, $0x1;
	s6 =	sadd.s32 @!p0 $0x10, s7;
	s9 =	simm.s32 @!p0 $0x100  }
0x5a: {  	[tilespmem:s9], [sflag:$0x5] =	stream.linear.gather @!p0 [hbm4b:s6+s2], $0x80, $0x38;
	[tilespmem:$0x1C200] =	vst v63  }
0x5b: {  	s2 =	simm.s32 @!p1 $0x3  }
0x5c: {  	_ =	swait.ge @!p1 [sflag:s2], $0x80  }
0x5d: {  	s10 =	simm.s32 @!p1 $0x0;
	[sflag:s2] =	ssyncset.done @!p1 $0x0  }
0x5e: {  	s6 =	simm.s32 @!p1 $0x200;
	s9 =	simm.s32 @!p1 $0x80;
	[sflag:s2] =	ssyncadd.s32 @!p1 $0xFFFFFF80  }
0x5f: {  	[tilespmem:s6], [sflag:$0x1] =	stream.indirect.gather @!p1 [hbm4b:s4+s9], $0x80, s10, s9, $0xb8;
	[tilespmem:$0x1C200] =	vst v63  }
0x60: {  	_ =	swait.ge [sflag:s29], $0x4000  }
0x61: {  	s19 =	sadd.s32 $0x40, s7;
	s6 =	sadd.s32 $0xFFFFFFFF, s0;
	[sflag:s29] =	ssyncset.done $0x0  }
0x62: {  	p3 =	sle.u32 s16, $0x1;
	p1 =	sne.s32 s6, $0x0;
	[sflag:s29] =	ssyncadd.s32 $0xFFFFC000  }
.Ltmp2:
0x63: {  	p2 =	sle.u32 s15, $0x2;
	_ =	swait.ge [sflag:s30], $0x80;
	(pc) =	sbr.rel @!p1 .LBB2_6-.Ltmp2, $4  }
0x64: {  	p0 =	por $0x1, $0x1;
	s2 =	simm.s32 $0x3;
	[sflag:s30] =	ssyncset.done $0x0  }
0x65: {  	s9 =	simm.s32 $0x2;
	s13 =	rddreg [dreg:$0x4];
	[sflag:s30] =	ssyncadd.s32 $0xFFFFFF80  }
0x66: {  	[spmem:s1] =	stream.indirect.scatter.add.f32 [tilespmem:s13], [sflag:$0x7], $0x80, s24, s23, $0xb8;
	[tilespmem:$0x1C200] =	vst v63  }
0x67: {  	s10 =	simm.s32 @!p3 $0x180;
	s0 =	smov.u32 s7;
	_ =	swait.ge [sflag:s21], $0x4000  }
.LBB2_7:
0x68: {  	[sflag:s21] =	ssyncset.done $0x0;
	s11 =	sadd.s32 @!p3 $0x20, s0  }
0x69: {  	s12 =	simm.s32 @!p3 $0x0;
	s13 =	simm.s32 @!p3 $0x80;
	[sflag:s21] =	ssyncadd.s32 $0xFFFFC000  }
0x6a: {  	[tilespmem:s13], [sflag:$0x4] =	stream.linear.gather @!p3 [hbm4b:s11+s12], $0x80, $0x38;
	[tilespmem:$0x1C200] =	vst v63  }
0x6b: {  	s0 =	sadd.s32 @!p3 $0x30, s0;
	s11 =	simm.s32 @!p2 $0x4  }
0x6c: {  	[tilespmem:s10], [sflag:$0x6] =	stream.linear.gather @!p3 [hbm4b:s0+s12], $0x80, $0x38;
	[tilespmem:$0x1C200] =	vst v63  }
0x6d: {  	_ =	swait.ge @!p2 [sflag:s11], $0x80  }
0x6e: {  	[sflag:s11] =	ssyncset.done @!p2 $0x0  }
0x6f: {  	s13 =	simm.s32 @!p2 $0x4200;
	s12 =	simm.s32 @!p2 $0x80;
	[sflag:s11] =	ssyncadd.s32 @!p2 $0xFFFFFF80  }
0x70: {  	[tilespmem:s13], [sflag:$0x2] =	stream.indirect.gather @!p2 [hbm4b:s4+s12], $0x80, s12, s12, $0xb8;
	[tilespmem:$0x1C200] =	vst v63  }
0x71: {  	_ =	swait.ge [sflag:s26], $0x4000  }
0x72: {  	[sflag:s26] =	ssyncset.done $0x0  }
0x73: {  	[sflag:s26] =	ssyncadd.s32 $0xFFFFC000  }
0x74: {  	_ =	swait.ge [sflag:s28], $0x80  }
0x75: {  	[sflag:s28] =	ssyncset.done $0x0  }
0x76: {  	[sflag:s28] =	ssyncadd.s32 $0xFFFFFF80  }
0x77: {  	[spmem:s1] =	stream.indirect.scatter.add.f32 [tilespmem:s20], [sflag:$0x7], $0x80, s22, s23, $0xb8;
	[tilespmem:$0x1C200] =	vst v63  }
0x78: {  	_ =	swait.ge [sflag:s21], $0x4000  }
0x79: {  	p2 =	sge.u32 s9, s16;
	[sflag:s21] =	ssyncset.done $0x0  }
0x7a: {  	s9 =	simm.s32 @!p2 $0x0;
	[sflag:s21] =	ssyncadd.s32 $0xFFFFC000  }
0x7b: {  	[tilespmem:s9], [sflag:$0x3] =	stream.linear.gather @!p2 [hbm4b:s19+s9], $0x80, $0x38;
	[tilespmem:$0x1C200] =	vst v63  }
0x7c: {  	p3 =	sge.u32 s2, s15;
	s11 =	sadd.s32 @!p2 $0x10, s19;
	s12 =	simm.s32 @!p2 $0x100  }
0x7d: {  	[tilespmem:s12], [sflag:$0x5] =	stream.linear.gather @!p2 [hbm4b:s11+s9], $0x80, $0x38;
	[tilespmem:$0x1C200] =	vst v63  }
0x7e: {  	s9 =	simm.s32 @!p3 $0x3  }
0x7f: {  	_ =	swait.ge @!p3 [sflag:s9], $0x80  }
0x80: {  	s13 =	simm.s32 @!p3 $0x0;
	[sflag:s9] =	ssyncset.done @!p3 $0x0  }
0x81: {  	s11 =	simm.s32 @!p3 $0x200;
	s12 =	simm.s32 @!p3 $0x80;
	[sflag:s9] =	ssyncadd.s32 @!p3 $0xFFFFFF80  }
0x82: {  	[tilespmem:s11], [sflag:$0x1] =	stream.indirect.gather @!p3 [hbm4b:s4+s12], $0x80, s13, s12, $0xb8;
	[tilespmem:$0x1C200] =	vst v63  }
0x83: {  	s6 =	sadd.s32 $0xFFFFFFFF, s6;
	_ =	swait.ge [sflag:s29], $0x4000  }
0x84: {  	p1 =	sne.s32 s6, $0x0;
	[sflag:s29] =	ssyncset.done $0x0  }
0x85: {  	s0 =	smov.u32 s19;
	s10 =	smov.u32 s2;
	[sflag:s29] =	ssyncadd.s32 $0xFFFFC000  }
.Ltmp3:
0x86: {  	s2 =	sadd.s32 $0x2, s2;
	_ =	swait.ge [sflag:s30], $0x80;
	(pc) =	sbr.rel @p1 .LBB2_7-.Ltmp3, $4  }
0x87: {  	s19 =	sadd.s32 $0x40, s19;
	s9 =	sadd.s32 $0xFFFFFFFF, s2;
	[sflag:s30] =	ssyncset.done $0x0  }
0x88: {  	p3 =	sge.u32 s10, s16;
	s13 =	rddreg [dreg:$0x4];
	[sflag:s30] =	ssyncadd.s32 $0xFFFFFF80  }
0x89: {  	[spmem:s1] =	stream.indirect.scatter.add.f32 [tilespmem:s13], [sflag:$0x7], $0x80, s24, s23, $0xb8;
	[tilespmem:$0x1C200] =	vst v63  }
0x8a: {  	p2 =	sge.u32 s9, s15;
	s10 =	simm.s32 @!p3 $0x180;
	_ =	swait.ge [sflag:s21], $0x4000  }
.LBB2_8:
0x8b: {  	p1 =	por p3, !p0  }
0x8c: {  	[sflag:s21] =	ssyncset.done @p0 $0x0;
	s6 =	sadd.s32 @!p1 $0x20, s0  }
0x8d: {  	s11 =	simm.s32 @!p1 $0x0;
	[sflag:s21] =	ssyncadd.s32 @p0 $0xFFFFC000;
	s12 =	simm.s32 @!p1 $0x80  }
0x8e: {  	[tilespmem:s12], [sflag:$0x4] =	stream.linear.gather @!p1 [hbm4b:s6+s11], $0x80, $0x38;
	[tilespmem:$0x1C200] =	vst v63  }
0x8f: {  	s0 =	sadd.s32 @!p1 $0x30, s0;
	s6 =	simm.s32 @!p2 $0x4  }
0x90: {  	[tilespmem:s10], [sflag:$0x6] =	stream.linear.gather @!p1 [hbm4b:s0+s11], $0x80, $0x38;
	[tilespmem:$0x1C200] =	vst v63  }
0x91: {  	_ =	swait.ge @!p2 [sflag:s6], $0x80  }
0x92: {  	[sflag:s6] =	ssyncset.done @!p2 $0x0  }
0x93: {  	s0 =	simm.s32 @!p2 $0x80;
	s10 =	simm.s32 @!p2 $0x4200;
	[sflag:s6] =	ssyncadd.s32 @!p2 $0xFFFFFF80  }
0x94: {  	[tilespmem:s10], [sflag:$0x2] =	stream.indirect.gather @!p2 [hbm4b:s4+s0], $0x80, s0, s0, $0xb8;
	[tilespmem:$0x1C200] =	vst v63  }
0x95: {  	_ =	swait.ge [sflag:s26], $0x4000  }
0x96: {  	[sflag:s26] =	ssyncset.done $0x0  }
0x97: {  	[sflag:s26] =	ssyncadd.s32 $0xFFFFC000  }
0x98: {  	_ =	swait.ge [sflag:s28], $0x80  }
0x99: {  	[sflag:s28] =	ssyncset.done $0x0  }
0x9a: {  	[sflag:s28] =	ssyncadd.s32 $0xFFFFFF80  }
0x9b: {  	[spmem:s1] =	stream.indirect.scatter.add.f32 [tilespmem:s20], [sflag:$0x7], $0x80, s22, s23, $0xb8;
	[tilespmem:$0x1C200] =	vst v63  }
0x9c: {  	_ =	swait.ge [sflag:s21], $0x4000  }
0x9d: {  	p0 =	sge.u32 s9, s16;
	[sflag:s21] =	ssyncset.done $0x0  }
0x9e: {  	s0 =	simm.s32 @!p0 $0x0;
	[sflag:s21] =	ssyncadd.s32 $0xFFFFC000  }
0x9f: {  	[tilespmem:s0], [sflag:$0x3] =	stream.linear.gather @!p0 [hbm4b:s19+s0], $0x80, $0x38;
	[tilespmem:$0x1C200] =	vst v63  }
0xa0: {  	s9 =	simm.s32 @!p0 $0x100;
	p1 =	sge.u32 s2, s15;
	s6 =	sadd.s32 @!p0 $0x10, s19  }
0xa1: {  	[tilespmem:s9], [sflag:$0x5] =	stream.linear.gather @!p0 [hbm4b:s6+s0], $0x80, $0x38;
	[tilespmem:$0x1C200] =	vst v63  }
0xa2: {  	s0 =	simm.s32 @!p1 $0x3  }
0xa3: {  	_ =	swait.ge @!p1 [sflag:s0], $0x80  }
0xa4: {  	s10 =	simm.s32 @!p1 $0x0;
	[sflag:s0] =	ssyncset.done @!p1 $0x0  }
0xa5: {  	s6 =	simm.s32 @!p1 $0x200;
	s9 =	simm.s32 @!p1 $0x80;
	[sflag:s0] =	ssyncadd.s32 @!p1 $0xFFFFFF80  }
0xa6: {  	[tilespmem:s6], [sflag:$0x1] =	stream.indirect.gather @!p1 [hbm4b:s4+s9], $0x80, s10, s9, $0xb8;
	[tilespmem:$0x1C200] =	vst v63  }
0xa7: {  	_ =	swait.ge [sflag:s29], $0x4000  }
0xa8: {  	[sflag:s29] =	ssyncset.done $0x0  }
0xa9: {  	[sflag:s29] =	ssyncadd.s32 $0xFFFFC000  }
0xaa: {  	_ =	swait.ge [sflag:s30], $0x80  }
0xab: {  	[sflag:s30] =	ssyncset.done $0x0  }
0xac: {  	s12 =	rddreg [dreg:$0x4];
	[sflag:s30] =	ssyncadd.s32 $0xFFFFFF80  }
0xad: {  	[spmem:s1] =	stream.indirect.scatter.add.f32 [tilespmem:s12], [sflag:$0x7], $0x80, s24, s23, $0xb8;
	[tilespmem:$0x1C200] =	vst v63  }
0xae: {  	p0 =	sge.u32 s2, s16;
	_ =	swait.ge [sflag:s21], $0x4000  }
0xaf: {  	s2 =	simm.s32 @!p0 $0x0;
	[sflag:s21] =	ssyncset.done $0x0  }
0xb0: {  	s0 =	sadd.s32 @!p0 $0x20, s19;
	s6 =	simm.s32 @!p0 $0x80;
	[sflag:s21] =	ssyncadd.s32 $0xFFFFC000  }
0xb1: {  	[tilespmem:s6], [sflag:$0x4] =	stream.linear.gather @!p0 [hbm4b:s0+s2], $0x80, $0x38;
	[tilespmem:$0x1C200] =	vst v63  }
0xb2: {  	s13 =	stileid.u32;
	s0 =	simm.s32 @!p0 $0x180;
	s6 =	sadd.s32 @!p0 $0x30, s19  }
0xb3: {  	[tilespmem:s0], [sflag:$0x6] =	stream.linear.gather @!p0 [hbm4b:s6+s2], $0x80, $0x38;
	[tilespmem:$0x1C200] =	vst v63  }
0xb4: {  	s31 =	sadd.s32 $0x1, s31;
	s19 =	sshrl.u32 s5, $0x3;
	s0 =	sshll.u32 s13, $0x6  }
0xb5: {  	p0 =	sne.s32 s31, s18;
	[bflag:$0x0] =	sbarrier.arrive $0xFFFF;
	s0 =	sor.u32 $0x1C07, s0  }
0xb6: {  	[hbm:s17], [sflag:s0] =	dma.local [spmem:s19], $0x2800  }
.Ltmp4:
0xb7: {  	_ = 	snop;
	(pc) =	sbr.rel @p0 .LBB2_1-.Ltmp4, $4  }
.Ltmp5:
0xb8: {  	_ = 	snop;
	(pc) =	sbr.rel @!p0 .LBB2_9-.Ltmp5, $4  }
0xb9: {  	_ =	swait.ge [sflag:s21], $0x2800  }
0xba: {  	[sflag:s21] =	ssyncset.done $0x0  }
0xbb: {  	[sflag:s21] =	ssyncadd.s32 $0xFFFFD800  }
0xbc: {  	_ = 	snop  }
.LBB2_4:
.Ltmp6:
0xbd: {  	(pc) =	sbr.rel .LBB2_8-.Ltmp6, $2  }
0xbe: {  	_ =	sdelay $0x2  }
0xbf: {  	s19 =	smov.u32 s7  }
.LBB2_6:
.Ltmp7:
0xc0: {  	(pc) =	sbr.rel .LBB2_8-.Ltmp7, $2  }
0xc1: {  	_ =	sdelay $0x2  }
0xc2: {  	s0 =	smov.u32 s7  }
.LBB2_9:
0xc3: {  	_ =	sfence.sel $0x180000  }
0xc4: {  	[bflag:$0x0] =	sbarrier.arrive $0xFFFF  }
0xc5: {  	_ =	strace $0x9000004D  }
0xc6: {  	s0 =	stileid.u32;
	[bflag:$0x2] =	sbarrier.arrive $0xFFFF  }
0xc7: {  	p0 =	sne.s32 s0, $0x0;
	s0 =	rddreg [dreg:$0x3]  }
0xc8: {  	s0 =	sadd.s32 @!p0 $0x100000, s0  }
0xc9: {  	[sflag:s0] =	ssyncadd.tile.s32 @!p0 $0x1;
	_ =	shalt  }
.Lfunc_end2:
_tile_overlayer_lowered:
.L_overlay_start_2:
0xca: {  	(tag) =	ssettag $0x2  }
0xcb: {  	s0 =	rddreg [dreg:$0x0];
	s2 =	stileid.u32  }
0xcc: {  	s1 =	rddreg [dreg:$0x1];
	p0 =	sne.s32 s2, $0x0  }
0xcd: {  	s3 =	rddreg [dreg:$0x2];
	[bflag:$0x3] =	sbarrier.arrive $0xFFFF;
	s2 =	simm.s32 @!p0 $0x1C07  }
0xce: {  	[timem:s3], [sflag:s2] =	dma.local @!p0 [hbm:s0], s1  }
0xcf: {  	s0 =	simm.s32 @!p0 $0x7  }
0xd0: {  	_ =	swait.ge @!p0 [sflag:s0], s1  }
0xd1: {  	s1 =	ssub.s32 @!p0 $0x0, s1;
	[sflag:s0] =	ssyncset.done @!p0 $0x0  }
0xd2: {  	[sflag:s0] =	ssyncadd.s32 @!p0 s1  }
0xd3: {  	[bflag:$0x3] =	sbarrier.arrive $0xFFFF  }
0xd4: {  	_ =	shalt  }

// kernel: kernel.8.cloned.1.call-start
scs
__scs_entry_jumppad:
0x0: {  	(pc) =	sbr.rel $0x88, $3  }
0x1: {  	(tag) =	ssettag $0x0;
	lr =	simm.s32 $0x1  }
0x2: {  	[smem:$0x3F9B] =	sst lr;
	_ =	strace $0xD0000000  }
0x3: {  	_ = 	snop  }
0x4: {  	_ = 	snop  }
0x5: {  	_ = 	snop  }
0x6: {  	_ = 	snop  }
0x7: {  	_ = 	snop  }
__scs_overlays_trampoline_lowered:
0x8: {  	[smem:$0x3FAA] =	sst s0  }
0x9: {  	[smem:$0x3FAB] =	sst s1  }
0xa: {  	[smem:$0x3FAC] =	sst s2  }
0xb: {  	[smem:$0x3FAD] =	sst s3  }
0xc: {  	[smem:$0x3FAE] =	sst s4  }
0xd: {  	[smem:$0x3FAF] =	sst s5  }
0xe: {  	[smem:$0x3FB0] =	sst s6  }
0xf: {  	[smem:$0x3FB1] =	sst s7  }
0x10: {  	[smem:$0x3FB2] =	sst s8  }
0x11: {  	[smem:$0x3FB3] =	sst s9;
	s0 =	simm.s32 @!p0 $0x0  }
0x12: {  	s1 =	sld [smem:$0x3F99];
	s0 =	simm.s32 @p0 $0x1  }
0x13: {  	[smem:$0x3FB4] =	sst s0;
	s0 =	simm.s32 @!p1 $0x0  }
0x14: {  	s2 =	sld [smem:$0x3F98];
	s0 =	simm.s32 @p1 $0x1  }
0x15: {  	[smem:$0x3FB5] =	sst s0;
	s0 =	simm.s32 @!p2 $0x0  }
0x16: {  	s3 =	sld [smem:$0x3FDB];
	s0 =	simm.s32 @p2 $0x1  }
0x17: {  	s4 =	simm.s32 $0x1BF5;
	[smem:$0x3FB7] =	sst s0  }
0x18: {  	s0 =	sld [smem:$0x3F9A];
	_ =	swait.ge [sflag:s4], $0x0  }
0x19: {  	s7 =	sld [smem:$0x3F9B]  }
0x1a: {  	s8 =	sadd.s32 $0xFFFFE003, lr  }
0x1b: {  	s9 =	sadd.s32 $0xFFFFFEF7, lr;
	s5 =	simm.s32 $0xFFFFFFFF;
	p2 =	slt.u32 s8, $0xFFFFF086  }
0x1c: {  	p1 =	slt.u32 s9, $0xF7A;
	s5 =	simm.s32 @!p2 $0x0  }
0x1d: {  	s5 =	simm.s32 @p1 $0x1;
	p0 =	seq.s32 s7, s2  }
0x1e: {  	s7 =	smul.u32 @!p0 $0xF7A, s2;
	p2 =	seq.s32 @!p0 s5, $0x0  }
0x1f: {  	s9 =	smul.u32 $0xF7A, s1;
	s8 =	simm.s32 @!p0 $0x1BF5;
	p2 =	por !p2, p0  }
0x20: {  	[sflag:s8] =	ssyncset.s32 @!p0 $0xFFFFF086;
	s6 =	sadd.s32 @!p0 s3, s7;
	s7 =	simm.s32 @!p0 $0x108  }
0x21: {  	s3 =	sadd.s32 s3, s9;
	s6 =	sadd.s32 @!p0 $0x88, s6;
	s7 =	simm.s32 @p2 $0x1082  }
0x22: {  	[simem:s7], [sflag:s8] =	dma.local @!p0 [hbm:s6], $0xF7A  }
0x23: {  	s9 =	sor.u32 $0xD0000000, s2;
	s6 =	simm.s32 $0x108;
	_ =	swait.ge @!p0 [sflag:s8], $0x0  }
0x24: {  	s3 =	sadd.s32 $0x88, s3;
	s6 =	simm.s32 @!p1 $0x1082;
	[sflag:s4] =	ssyncset.s32 $0xFFFFF086  }
0x25: {  	[simem:s6], [sflag:s4] =	dma.local [hbm:s3], $0xF7A  }
0x26: {  	[smem:$0x3F9B] =	sst s1;
	(tag) =	ssettag s2;
	_ =	strace s9  }
0x27: {  	s1 =	sld [smem:$0x3FAB]  }
0x28: {  	s2 =	sld [smem:$0x3FAC]  }
0x29: {  	s4 =	sld [smem:$0x3FAE]  }
0x2a: {  	p0 =	seq.s32 s5, $0x0;
	s5 =	sld [smem:$0x3FAF]  }
0x2b: {  	s6 =	sld [smem:$0x3FB0]  }
0x2c: {  	s7 =	sld [smem:$0x3FB1]  }
0x2d: {  	s3 =	simm.s32 $0x108;
	s8 =	sld [smem:$0x3FB2]  }
0x2e: {  	s3 =	simm.s32 @!p0 $0x1082;
	s9 =	sld [smem:$0x3FB3]  }
0x2f: {  	lr =	sadd.s32 s0, s3;
	s0 =	sld [smem:$0x3FAA]  }
0x30: {  	s3 =	sld [smem:$0x3FAD]  }
0x31: {  	[smem:$0x3FB6] =	sst s10  }
0x32: {  	s10 =	sld [smem:$0x3FB4];
	_ =	sdelay $0x3  }
0x33: {  	p0 =	seq.s32 s10, $0x1;
	s10 =	sld [smem:$0x3FB6];
	_ =	sdelay $0x3  }
0x34: {  	[smem:$0x3FB6] =	sst s10  }
0x35: {  	s10 =	sld [smem:$0x3FB5];
	_ =	sdelay $0x3  }
0x36: {  	p1 =	seq.s32 s10, $0x1;
	s10 =	sld [smem:$0x3FB6];
	_ =	sdelay $0x3  }
0x37: {  	[smem:$0x3FB6] =	sst s10  }
0x38: {  	s10 =	sld [smem:$0x3FB7]  }
0x39: {  	_ = 	snop;
	(pc) =	sbr.ind lr, $3  }
0x3a: {  	_ = 	snop  }
0x3b: {  	_ = 	snop  }
0x3c: {  	p2 =	seq.s32 s10, $0x1;
	s10 =	sld [smem:$0x3FB6]  }
0x3d: {  	_ =	shalt  }
0x3e: {  	_ =	shalt  }
0x3f: {  	_ =	shalt  }
0x40: {  	_ =	shalt  }
0x41: {  	_ =	shalt  }
0x42: {  	_ =	shalt  }
0x43: {  	_ =	shalt  }
0x44: {  	_ =	shalt  }
0x45: {  	_ =	shalt  }
0x46: {  	_ =	shalt  }
0x47: {  	_ =	shalt  }
0x48: {  	_ =	shalt  }
0x49: {  	_ =	shalt  }
0x4a: {  	_ =	shalt  }
0x4b: {  	_ =	shalt  }
0x4c: {  	_ =	shalt  }
0x4d: {  	_ =	shalt  }
0x4e: {  	_ =	shalt  }
0x4f: {  	_ =	shalt  }
0x50: {  	_ =	shalt  }
0x51: {  	_ =	shalt  }
0x52: {  	_ =	shalt  }
0x53: {  	_ =	shalt  }
0x54: {  	_ =	shalt  }
0x55: {  	_ =	shalt  }
0x56: {  	_ =	shalt  }
0x57: {  	_ =	shalt  }
0x58: {  	_ =	shalt  }
0x59: {  	_ =	shalt  }
0x5a: {  	_ =	shalt  }
0x5b: {  	_ =	shalt  }
0x5c: {  	_ =	shalt  }
0x5d: {  	_ =	shalt  }
0x5e: {  	_ =	shalt  }
0x5f: {  	_ =	shalt  }
0x60: {  	_ =	shalt  }
0x61: {  	_ =	shalt  }
0x62: {  	_ =	shalt  }
0x63: {  	_ =	shalt  }
0x64: {  	_ =	shalt  }
0x65: {  	_ =	shalt  }
0x66: {  	_ =	shalt  }
0x67: {  	_ =	shalt  }
0x68: {  	_ =	shalt  }
0x69: {  	_ =	shalt  }
0x6a: {  	_ =	shalt  }
0x6b: {  	_ =	shalt  }
0x6c: {  	_ =	shalt  }
0x6d: {  	_ =	shalt  }
0x6e: {  	_ =	shalt  }
0x6f: {  	_ =	shalt  }
0x70: {  	_ =	shalt  }
0x71: {  	_ =	shalt  }
0x72: {  	_ =	shalt  }
0x73: {  	_ =	shalt  }
0x74: {  	_ =	shalt  }
0x75: {  	_ =	shalt  }
0x76: {  	_ =	shalt  }
0x77: {  	_ =	shalt  }
0x78: {  	_ =	shalt  }
0x79: {  	_ =	shalt  }
0x7a: {  	_ =	shalt  }
0x7b: {  	_ =	shalt  }
0x7c: {  	_ =	shalt  }
0x7d: {  	_ =	shalt  }
0x7e: {  	_ =	shalt  }
0x7f: {  	_ =	shalt  }
0x80: {  	_ =	shalt  }
0x81: {  	_ =	shalt  }
0x82: {  	_ =	shalt  }
0x83: {  	_ =	shalt  }
0x84: {  	_ =	shalt  }
0x85: {  	_ =	shalt  }
0x86: {  	_ =	shalt  }
0x87: {  	_ =	shalt  }
.Lfunc_end0:
.L_simem_size_0:
called_computation_lowered:
.L_overlay_start_0:
0x88: {  	s2 =	sld [smem:$0x3FD9]  }
0x89: {  	s3 =	sld [smem:$0x3FFE];
	_ =	sdelay $0x1  }
0x8a: {  	s1 =	srdreg.scid  }
0x8b: {  	s0 =	sand.u32 $0x1, s1  }
0x8c: {  	s17 =	sshll.u32 s0, $0xA;
	s2 =	sadd.s32 s3, s2  }
0x8d: {  	s2 =	sadd.s32 s2, s17  }
0x8e: {  	[smem:$0x3FC2] =	sst s2  }
0x8f: {  	_ = 	snop  }
0x90: {  	s2 =	sld [smem:$0x3FD0];
	(tm) =	ssettm $0x1  }
0x91: {  	s18 =	sld [smem:$0x3FFB];
	_ =	sdelay $0x3  }
0x92: {  	_ =	strace s18  }
0x93: {  	s3 =	sld [smem:$0x3FFC];
	_ =	sdelay $0x3  }
0x94: {  	_ =	strace s3  }
0x95: {  	s3 =	sld [smem:$0x3FFD];
	_ =	sdelay $0x3  }
0x96: {  	_ =	strace s3  }
0x97: {  	_ =	strace $0x8FFFFFFF  }
0x98: {  	s19 =	sld [smem:$0x3FDB];
	_ =	sdelay $0x1  }
0x99: {  	s4 =	simm.s32 $_scs_section_size  }
0x9a: {  	s5 =	simm.s32 $_size__tile_overlayer_lowered;
	s6 =	simm.s32 $_tile_overlayer_lowered  }
0x9b: {  	s22 =	simm.s32 $0x1BFF;
	s21 =	sshll.u32 s6, $0x1;
	s3 =	sadd.s32 s4, s19  }
0x9c: {  	s7 =	simm.s32 $0x0;
	s20 =	sshll.u32 s5, $0x1;
	s5 =	sadd.s32 s21, s3  }
0x9d: {  	[timem:s7], [sflag:s22] =	dma.local [hbm:s5], s20  }
0x9e: {  	_ =	swait.ge [sflag:s22], s20  }
0x9f: {  	s4 =	ssub.s32 $0x0, s20;
	[sflag:s22] =	ssyncset.done $0x0  }
0xa0: {  	[sflag:s22] =	ssyncadd.s32 s4;
	_ =	sdelay $0x1  }
0xa1: {  	s23 =	simm.s32 $0x1B8B  }
0xa2: {  	_ =	swait.ge [sflag:s23], $0x1  }
0xa3: {  	[sflag:s23] =	ssyncset.done $0x0  }
0xa4: {  	s25 =	simm.s32 $0x1B8E;
	s24 =	sld [smem:$0x3FFE];
	[sflag:s23] =	ssyncadd.s32 $0xFFFFFFFF  }
0xa5: {  	s26 =	simm.s32 $execute0_lowered;
	[smem:$0x3FD2] =	sst s25  }
0xa6: {  	s5 =	sshll.u32 s26, $0x1;
	_ =	strace $0x80000046;
	[dreg:$0x1] =	wrdreg $0xFFFFFFFF  }
0xa7: {  	s28 =	simm.s32 $_size_execute0_lowered;
	s3 =	sadd.s32 s3, s5;
	[dreg:$0x0] =	wrdreg $0x0  }
0xa8: {  	s5 =	sshll.u32 s28, $0x1;
	[dreg:$0x2] =	wrdreg s3  }
0xa9: {  	[dreg:$0x3] =	wrdreg s5  }
0xaa: {  	[dreg:$0x4] =	wrdreg $0xC0  }
0xab: {  	_ =	task [dreg:s7], $0x5FFFF  }
0xac: {  	[dreg:$0x1] =	wrdreg $0xFFFFFFFF  }
0xad: {  	[dreg:$0x0] =	wrdreg $0x60  }
0xae: {  	[dreg:$0x2] =	wrdreg s2  }
0xaf: {  	[dreg:$0x3] =	wrdreg s24  }
0xb0: {  	[dreg:$0x4] =	wrdreg $0x82000  }
0xb1: {  	[dreg:$0x5] =	wrdreg $0x9  }
0xb2: {  	_ =	task.clear_ibuf [dreg:s7], $0x6FFFF;
	_ =	strace $0x90000046  }
0xb3: {  	s29 =	simm.s32 $0x9;
	_ =	strace $0x80000048  }
0xb4: {  	_ =	swait.ge [sflag:s29], $0x1  }
0xb5: {  	[sflag:s29] =	ssyncadd.s32 $0xFFFFFFFF  }
0xb6: {  	_ =	strace $0x90000048  }
0xb7: {  	_ =	sfence  }
0xb8: {  	s30 =	sld [smem:$0x0];
	_ =	sdelay $0x2  }
0xb9: {  	s31 =	sshll.u32 s1, $0xD;
	s1 =	sshrl.u32 s1, $0x2  }
0xba: {  	s3 =	sand.u32 $0x4000, s31;
	s1 =	sadd.s32 s1, s30  }
0xbb: {  	s0 =	sor.u32 s3, s0;
	s1 =	sshll.u32 s1, $0x11  }
0xbc: {  	s0 =	sor.u32 s1, s0  }
0xbd: {  	s0 =	sadd.s32 $0x8F2B, s0  }
0xbe: {  	[sflag:s0] =	ssyncadd.remote.s32 $0x1  }
0xbf: {  	_ =	sfence.sel $0xFFFF  }
0xc0: {  	[dreg:$0x0] =	wrdreg $0xFFFFFFFF;
	(pc) =	sbr.abs _section_cstart, $3  }
0xc1: {  	[dreg:$0x1] =	wrdreg $0xFFFFFFFF  }
0xc2: {  	_ =	task.clear_ibuf [dreg:s7], $0x2FFFF;
	_ =	strace $0x9FFFFFFF  }
0xc3: {  	(tm) =	ssettm $0x7FFFFFFF  }
tec
execute0_lowered:
.L_overlay_start_1:
0x0: {  	(tag) =	ssettag $0x1  }
0x1: {  	s0 =	rddreg [dreg:$0x0]  }
0x2: {  	s8 =	rddreg [dreg:$0x1]  }
0x3: {  	s1 =	rddreg [dreg:$0x2];
	s2 =	srdreg.scid  }
0x4: {  	s3 =	simm.s32 $0x0;
	s23 =	stileid.u32;
	s20 =	simm.s32 $0x200  }
0x5: {  	s21 =	simm.s32 $0x4200;
	s22 =	simm.s32 $0x100;
	s28 =	simm.s32 $0x2  }
0x6: {  	s29 =	simm.s32 $0x4;
	s30 =	simm.s32 $0x0;
	s7 =	smul.u32 $0x14000, s23  }
0x7: {  	s6 =	sand.u32 $0x1, s2;
	[smem:$0x7FF] =	sst s3;
	s10 =	smul.u32 $0x50000, s23  }
0x8: {  	s4 =	sadd.s32 $0x1C00, s8;
	s13 =	smul.u32 $0x5000, s23;
	s26 =	sshll.u32 s23, $0x6  }
0x9: {  	s5 =	smul.u32 $0x140000, s6;
	_ =	strace $0x80000047;
	s9 =	sshll.u32 s6, $0x4  }
0xa: {  	s24 =	ssub.s32 $0x2, s6;
	s11 =	smul.u32 $0x50000, s6;
	s6 =	sor.u32 $0x1C05, s26  }
0xb: {  	s26 =	simm.s32 $0x3;
	s9 =	sor.u32 s23, s9;
	s25 =	sshrl.u32 s24, $0x1  }
0xc: {  	s10 =	sshrl.u32 s10, $0x2;
	s23 =	simm.s32 $0x80;
	s7 =	sadd.s32 s7, s5  }
0xd: {  	s5 =	sadd.s32 $0x2C00, s8;
	s9 =	smul.u32 $0xA00, s9;
	s14 =	ssub.s32 s24, s25  }
0xe: {  	s18 =	sadd.s32 s10, s1;
	s15 =	sadd.s32 s13, s11;
	s24 =	simm.s32 $0x180  }
0xf: {  	s25 =	simm.s32 $0x1;
	s7 =	sshrl.u32 s7, $0x3;
	s13 =	sor.u32 $0x380, s15  }
0x10: {  	s31 =	sor.u32 $0x300, s15;
	s17 =	sor.u32 $0x280, s15;
	s15 =	sor.u32 $0x200, s15  }
0x11: {  	s18 =	sshrl.u32 s18, $0x3;
	s12 =	sadd.s32 s7, s8;
	s7 =	sadd.s32 s0, s9  }
0x12: {  	s8 =	sadd.s32 $0x2400, s8;
	s16 =	sshrl.u32 s13, $0x3;
	s13 =	smax.u32 s14, $0x1  }
0x13: {  	s17 =	sshrl.u32 s17, $0x3;
	s19 =	sshrl.u32 s15, $0x3;
	s9 =	sadd.s32 $0x10, s7  }
0x14: {  	s10 =	sadd.s32 $0x20, s7;
	s14 =	sadd.s32 s16, s0;
	s16 =	sshrl.u32 s31, $0x3  }
0x15: {  	s11 =	sadd.s32 $0x30, s7;
	s12 =	sadd.s32 $0x5400, s12;
	s15 =	sadd.s32 s16, s0  }
0x16: {  	s16 =	sadd.s32 s17, s0;
	s17 =	sadd.s32 s19, s0;
	s19 =	simm.s32 $0x5  }
.LBB2_1:
0x17: {  	[spmem:s18], [sflag:s6] =	dma.local [hbm:s5], $0x2800  }
0x18: {  	_ =	swait.ge [sflag:s19], $0x2800  }
0x19: {  	[sflag:s19] =	ssyncset.done $0x0  }
0x1a: {  	[sflag:s19] =	ssyncadd.s32 $0xFFFFD800  }
0x1b: {  	[tilespmem:s20], [sflag:$0x5] =	stream.linear.gather [hbm4b:s4+s3], $0x4000, $0x38;
	[tilespmem:$0xAA00] =	vst v63  }
0x1c: {  	_ =	swait.ge [sflag:s19], $0x4000  }
0x1d: {  	[sflag:s19] =	ssyncset.done $0x0  }
0x1e: {  	[sflag:s19] =	ssyncadd.s32 $0xFFFFC000  }
0x1f: {  	[tilespmem:s21], [sflag:$0x5] =	stream.linear.gather [hbm4b:s8+s3], $0x4000, $0x38;
	[tilespmem:$0xAA00] =	vst v63  }
0x20: {  	_ =	swait.ge [sflag:s19], $0x4000  }
0x21: {  	[sflag:s19] =	ssyncset.done $0x0  }
0x22: {  	[sflag:s19] =	ssyncadd.s32 $0xFFFFC000  }
0x23: {  	[tilespmem:s3], [sflag:$0x1] =	stream.linear.gather [hbm4b:s7+s3], $0x80, $0x38;
	[tilespmem:$0xAA00] =	vst v63  }
0x24: {  	_ = 	snop  }
0x25: {  	[tilespmem:s22], [sflag:$0x3] =	stream.linear.gather [hbm4b:s9+s3], $0x80, $0x38;
	[tilespmem:$0xAA00] =	vst v63  }
0x26: {  	_ = 	snop  }
0x27: {  	[tilespmem:s23], [sflag:$0x2] =	stream.linear.gather [hbm4b:s10+s3], $0x80, $0x38;
	[tilespmem:$0xAA00] =	vst v63  }
0x28: {  	_ = 	snop  }
0x29: {  	[tilespmem:s24], [sflag:$0x4] =	stream.linear.gather [hbm4b:s11+s3], $0x80, $0x38;
	[tilespmem:$0xAA00] =	vst v63  }
0x2a: {  	[bflag:$0x0] =	sbarrier.arrive $0xFFFF  }
0x2b: {  	_ =	swait.ge [sflag:s25], $0x80  }
0x2c: {  	[sflag:s25] =	ssyncset.done $0x0  }
0x2d: {  	[sflag:s25] =	ssyncadd.s32 $0xFFFFFF80  }
0x2e: {  	_ =	swait.ge [sflag:s26], $0x80  }
0x2f: {  	[sflag:s26] =	ssyncset.done $0x0  }
0x30: {  	[sflag:s26] =	ssyncadd.s32 $0xFFFFFF80  }
0x31: {  	[spmem:s1] =	stream.indirect.scatter.add.f32 [tilespmem:s20], [sflag:$0x5], $0x10, s3, s23, $0xb8;
	[tilespmem:$0xAA00] =	vst v63  }
0x32: {  	_ =	swait.ge [sflag:s19], $0x800  }
0x33: {  	[sflag:s19] =	ssyncset.done $0x0  }
0x34: {  	[sflag:s19] =	ssyncadd.s32 $0xFFFFF800  }
0x35: {  	[spmem:s1] =	stream.indirect.scatter.add.f32 [tilespmem:s21], [sflag:$0x5], $0x10, s22, s23, $0xb8;
	[tilespmem:$0xAA00] =	vst v63  }
0x36: {  	_ =	swait.ge [sflag:s19], $0x800  }
0x37: {  	[sflag:s19] =	ssyncset.done $0x0  }
0x38: {  	s0 =	sadd.s32 $0x0, s17;
	[sflag:s19] =	ssyncadd.s32 $0xFFFFF800  }
0x39: {  	[tilespmem:s3], [sflag:$0x1] =	stream.linear.gather [hbm4b:s0+s3], $0x80, $0x38;
	[tilespmem:$0xAA00] =	vst v63  }
0x3a: {  	s2 =	sadd.s32 $0x0, s16  }
0x3b: {  	[tilespmem:s22], [sflag:$0x3] =	stream.linear.gather [hbm4b:s2+s3], $0x80, $0x38;
	[tilespmem:$0xAA00] =	vst v63  }
0x3c: {  	_ =	swait.ge [sflag:s28], $0x80  }
0x3d: {  	[sflag:s28] =	ssyncset.done $0x0  }
0x3e: {  	[sflag:s28] =	ssyncadd.s32 $0xFFFFFF80  }
0x3f: {  	_ =	swait.ge [sflag:s29], $0x80  }
0x40: {  	[sflag:s29] =	ssyncset.done $0x0  }
0x41: {  	[sflag:s29] =	ssyncadd.s32 $0xFFFFFF80  }
0x42: {  	[spmem:s1] =	stream.indirect.scatter.add.f32 [tilespmem:s20], [sflag:$0x5], $0x10, s23, s23, $0xb8;
	[tilespmem:$0xAA00] =	vst v63  }
0x43: {  	_ =	swait.ge [sflag:s19], $0x800  }
0x44: {  	[sflag:s19] =	ssyncset.done $0x0  }
0x45: {  	[sflag:s19] =	ssyncadd.s32 $0xFFFFF800  }
0x46: {  	[spmem:s1] =	stream.indirect.scatter.add.f32 [tilespmem:s21], [sflag:$0x5], $0x10, s24, s23, $0xb8;
	[tilespmem:$0xAA00] =	vst v63  }
0x47: {  	_ =	swait.ge [sflag:s19], $0x800  }
0x48: {  	s31 =	simm.s32 $0x40;
	[sflag:s19] =	ssyncset.done $0x0  }
0x49: {  	s0 =	sadd.s32 $0x0, s14;
	s2 =	sadd.s32 $0x0, s15;
	[sflag:s19] =	ssyncadd.s32 $0xFFFFF800  }
0x4a: {  	[tilespmem:s23], [sflag:$0x2] =	stream.linear.gather [hbm4b:s2+s3], $0x80, $0x38;
	[tilespmem:$0xAA00] =	vst v63  }
.LBB2_2:
0x4b: {  	[tilespmem:s24], [sflag:$0x4] =	stream.linear.gather [hbm4b:s0+s3], $0x80, $0x38;
	[tilespmem:$0xAA00] =	vst v63  }
0x4c: {  	s0 =	smov.u32 s31  }
0x4d: {  	p0 =	sne.s32 s31, $0x980;
	s31 =	sadd.s32 $0x40, s31;
	_ =	swait.ge [sflag:s25], $0x80  }
0x4e: {  	[sflag:s25] =	ssyncset.done $0x0  }
0x4f: {  	[sflag:s25] =	ssyncadd.s32 $0xFFFFFF80  }
0x50: {  	_ =	swait.ge [sflag:s26], $0x80  }
0x51: {  	[sflag:s26] =	ssyncset.done $0x0  }
0x52: {  	[sflag:s26] =	ssyncadd.s32 $0xFFFFFF80  }
0x53: {  	[spmem:s1] =	stream.indirect.scatter.add.f32 [tilespmem:s20], [sflag:$0x5], $0x10, s3, s23, $0xb8;
	[tilespmem:$0xAA00] =	vst v63  }
0x54: {  	_ =	swait.ge [sflag:s19], $0x800  }
0x55: {  	[sflag:s19] =	ssyncset.done $0x0  }
0x56: {  	[sflag:s19] =	ssyncadd.s32 $0xFFFFF800  }
0x57: {  	[spmem:s1] =	stream.indirect.scatter.add.f32 [tilespmem:s21], [sflag:$0x5], $0x10, s22, s23, $0xb8;
	[tilespmem:$0xAA00] =	vst v63  }
0x58: {  	_ =	swait.ge [sflag:s19], $0x800  }
0x59: {  	[sflag:s19] =	ssyncset.done $0x0  }
0x5a: {  	s2 =	sadd.s32 s0, s17;
	[sflag:s19] =	ssyncadd.s32 $0xFFFFF800  }
0x5b: {  	[tilespmem:s3], [sflag:$0x1] =	stream.linear.gather [hbm4b:s2+s3], $0x80, $0x38;
	[tilespmem:$0xAA00] =	vst v63  }
0x5c: {  	s2 =	sadd.s32 s0, s16  }
0x5d: {  	[tilespmem:s22], [sflag:$0x3] =	stream.linear.gather [hbm4b:s2+s3], $0x80, $0x38;
	[tilespmem:$0xAA00] =	vst v63  }
0x5e: {  	_ =	swait.ge [sflag:s28], $0x80  }
0x5f: {  	[sflag:s28] =	ssyncset.done $0x0  }
0x60: {  	[sflag:s28] =	ssyncadd.s32 $0xFFFFFF80  }
0x61: {  	_ =	swait.ge [sflag:s29], $0x80  }
0x62: {  	[sflag:s29] =	ssyncset.done $0x0  }
0x63: {  	[sflag:s29] =	ssyncadd.s32 $0xFFFFFF80  }
0x64: {  	[spmem:s1] =	stream.indirect.scatter.add.f32 [tilespmem:s20], [sflag:$0x5], $0x10, s23, s23, $0xb8;
	[tilespmem:$0xAA00] =	vst v63  }
0x65: {  	_ =	swait.ge [sflag:s19], $0x800  }
0x66: {  	[sflag:s19] =	ssyncset.done $0x0  }
0x67: {  	[sflag:s19] =	ssyncadd.s32 $0xFFFFF800  }
0x68: {  	[spmem:s1] =	stream.indirect.scatter.add.f32 [tilespmem:s21], [sflag:$0x5], $0x10, s24, s23, $0xb8;
	[tilespmem:$0xAA00] =	vst v63  }
.Ltmp0:
0x69: {  	_ =	swait.ge [sflag:s19], $0x800;
	(pc) =	sbr.rel @p0 .LBB2_2-.Ltmp0, $4  }
0x6a: {  	[sflag:s19] =	ssyncset.done $0x0  }
0x6b: {  	s2 =	sadd.s32 s0, s15;
	[sflag:s19] =	ssyncadd.s32 $0xFFFFF800  }
0x6c: {  	[tilespmem:s23], [sflag:$0x2] =	stream.linear.gather [hbm4b:s2+s3], $0x80, $0x38;
	[tilespmem:$0xAA00] =	vst v63  }
0x6d: {  	s0 =	sadd.s32 s0, s14  }
0x6e: {  	[tilespmem:s24], [sflag:$0x4] =	stream.linear.gather [hbm4b:s0+s3], $0x80, $0x38;
	[tilespmem:$0xAA00] =	vst v63  }
0x6f: {  	_ =	swait.ge [sflag:s25], $0x80  }
0x70: {  	[sflag:s25] =	ssyncset.done $0x0  }
0x71: {  	[sflag:s25] =	ssyncadd.s32 $0xFFFFFF80  }
0x72: {  	_ =	swait.ge [sflag:s26], $0x80  }
0x73: {  	[sflag:s26] =	ssyncset.done $0x0  }
0x74: {  	[sflag:s26] =	ssyncadd.s32 $0xFFFFFF80  }
0x75: {  	[spmem:s1] =	stream.indirect.scatter.add.f32 [tilespmem:s20], [sflag:$0x5], $0x10, s3, s23, $0xb8;
	[tilespmem:$0xAA00] =	vst v63  }
0x76: {  	_ =	swait.ge [sflag:s19], $0x800  }
0x77: {  	[sflag:s19] =	ssyncset.done $0x0  }
0x78: {  	[sflag:s19] =	ssyncadd.s32 $0xFFFFF800  }
0x79: {  	[spmem:s1] =	stream.indirect.scatter.add.f32 [tilespmem:s21], [sflag:$0x5], $0x10, s22, s23, $0xb8;
	[tilespmem:$0xAA00] =	vst v63  }
0x7a: {  	_ =	swait.ge [sflag:s19], $0x800  }
0x7b: {  	[sflag:s19] =	ssyncset.done $0x0  }
0x7c: {  	[sflag:s19] =	ssyncadd.s32 $0xFFFFF800  }
0x7d: {  	_ =	swait.ge [sflag:s28], $0x80  }
0x7e: {  	[sflag:s28] =	ssyncset.done $0x0  }
0x7f: {  	[sflag:s28] =	ssyncadd.s32 $0xFFFFFF80  }
0x80: {  	_ =	swait.ge [sflag:s29], $0x80  }
0x81: {  	[sflag:s29] =	ssyncset.done $0x0  }
0x82: {  	[sflag:s29] =	ssyncadd.s32 $0xFFFFFF80  }
0x83: {  	[spmem:s1] =	stream.indirect.scatter.add.f32 [tilespmem:s20], [sflag:$0x5], $0x10, s23, s23, $0xb8;
	[tilespmem:$0xAA00] =	vst v63  }
0x84: {  	_ =	swait.ge [sflag:s19], $0x800  }
0x85: {  	[sflag:s19] =	ssyncset.done $0x0  }
0x86: {  	[sflag:s19] =	ssyncadd.s32 $0xFFFFF800  }
0x87: {  	[spmem:s1] =	stream.indirect.scatter.add.f32 [tilespmem:s21], [sflag:$0x5], $0x10, s24, s23, $0xb8;
	[tilespmem:$0xAA00] =	vst v63  }
0x88: {  	_ =	swait.ge [sflag:s19], $0x800  }
0x89: {  	s30 =	sadd.s32 $0x1, s30;
	[sflag:s19] =	ssyncset.done $0x0  }
0x8a: {  	p0 =	sne.s32 s30, s13;
	[sflag:s19] =	ssyncadd.s32 $0xFFFFF800  }
.Ltmp1:
0x8b: {  	[bflag:$0x0] =	sbarrier.arrive $0xFFFF;
	(pc) =	sbr.rel @p0 .LBB2_1-.Ltmp1, $4  }
0x8c: {  	[hbm:s12], [sflag:s6] =	dma.local [spmem:s18], $0x2800  }
0x8d: {  	_ =	swait.ge [sflag:s19], $0x2800  }
0x8e: {  	[sflag:s19] =	ssyncset.done $0x0  }
0x8f: {  	[sflag:s19] =	ssyncadd.s32 $0xFFFFD800  }
0x90: {  	_ =	sfence.sel $0x180000  }
0x91: {  	[bflag:$0x0] =	sbarrier.arrive $0xFFFF  }
0x92: {  	_ =	strace $0x90000047  }
0x93: {  	s0 =	stileid.u32;
	[bflag:$0x2] =	sbarrier.arrive $0xFFFF  }
0x94: {  	p0 =	sne.s32 s0, $0x0;
	s0 =	rddreg [dreg:$0x3]  }
0x95: {  	s0 =	sadd.s32 @!p0 $0x100000, s0  }
0x96: {  	[sflag:s0] =	ssyncadd.tile.s32 @!p0 $0x1;
	_ =	shalt  }
.Lfunc_end2:
_tile_overlayer_lowered:
.L_overlay_start_2:
0x97: {  	(tag) =	ssettag $0x2  }
0x98: {  	s0 =	rddreg [dreg:$0x0];
	s2 =	stileid.u32  }
0x99: {  	s1 =	rddreg [dreg:$0x1];
	p0 =	sne.s32 s2, $0x0  }
0x9a: {  	s3 =	rddreg [dreg:$0x2];
	[bflag:$0x3] =	sbarrier.arrive $0xFFFF;
	s2 =	simm.s32 @!p0 $0x1C05  }
0x9b: {  	[timem:s3], [sflag:s2] =	dma.local @!p0 [hbm:s0], s1  }
0x9c: {  	s0 =	simm.s32 @!p0 $0x5  }
0x9d: {  	_ =	swait.ge @!p0 [sflag:s0], s1  }
0x9e: {  	s1 =	ssub.s32 @!p0 $0x0, s1;
	[sflag:s0] =	ssyncset.done @!p0 $0x0  }
0x9f: {  	[sflag:s0] =	ssyncadd.s32 @!p0 s1  }
0xa0: {  	[bflag:$0x3] =	sbarrier.arrive $0xFFFF  }
0xa1: {  	_ =	shalt  }

</sc_bundles>
